<compile_context>
chip_gen: v7x
topology: tpu7x:2x2x1
jax: 0.10.2.dev20260603
libtpu: 0.0.44.dev20260713+nightly
codegen_flags: <defaults>
</compile_context>

<pallas_src>
import jax
import jax.numpy as jnp
from jax import lax
from jax.experimental import pallas as pl
from jax.experimental.pallas import tpu as pltpu
from jax.experimental.pallas import tpu_sc as plsc

N = 10000
E = 320000
D = 128
G = 16

NC = 2
NS = 16
NW = NC * NS
NP = 10240
RPT = NP // NS
CHUNK = 64
NCHAIN = 5
E2 = 327680
EPW = E2 // NW
NFULL = EPW // CHUNK


def _sc_agg_body(x_hbm, src_hbm, dst_hbm, out_hbm,
                 sidx0, didx0, sidx1, didx1, sidx2, didx2, sidx3, didx3,
                 sidx4, didx4, rows0, rows1, rows2, rows3, rows4, agg_s,
                 sem0, sem1, sem2, sem3, sem4):
    c = lax.axis_index("c")
    s = lax.axis_index("s")
    wid = c * NS + s
    base = wid * EPW
    sidx = (sidx0, sidx1, sidx2, sidx3, sidx4)
    didx = (didx0, didx1, didx2, didx3, didx4)
    rows = (rows0, rows1, rows2, rows3, rows4)
    sem = (sem0, sem1, sem2, sem3, sem4)

    def _start_idx(ci, sv, dv, sm):
        off = jnp.minimum(base + ci * CHUNK, E2 - CHUNK)
        pltpu.async_copy(src_hbm.at[pl.ds(off, CHUNK)], sv, sm)
        pltpu.async_copy(dst_hbm.at[pl.ds(off, CHUNK)], dv, sm)

    def _wait_idx(sv, dv, sm):
        pltpu.make_async_copy(src_hbm.at[pl.ds(0, CHUNK)], sv, sm).wait()
        pltpu.make_async_copy(dst_hbm.at[pl.ds(0, CHUNK)], dv, sm).wait()

    for b in range(NCHAIN):
        _start_idx(b, sidx[b], didx[b], sem[b])

    zeros16 = jnp.zeros((16,), jnp.float32)

    def _zrow(i, carry):
        for j in range(D // 16):
            rows0[i, pl.ds(j * 16, 16)] = zeros16
        return carry

    lax.fori_loop(0, CHUNK, _zrow, 0)
    for k in range(RPT // CHUNK):
        pltpu.sync_copy(rows0, agg_s.at[pl.ds(s * RPT + k * CHUNK, CHUNK)])
    plsc.subcore_barrier()

    def _group(j, carry):
        cb = NCHAIN * j
        for b in range(NCHAIN):
            _wait_idx(sidx[b], didx[b], sem[b])
            pltpu.async_copy(x_hbm.at[sidx[b]], rows[b], sem[b])
        for b in range(NCHAIN):
            pltpu.make_async_copy(x_hbm.at[sidx[b]], rows[b], sem[b]).wait()
            pltpu.async_copy(rows[b], agg_s.at[didx[b]], sem[b], add=True)
        for b in range(NCHAIN):
            pltpu.make_async_copy(rows[b], agg_s.at[didx[b]], sem[b]).wait()
            _start_idx(cb + NCHAIN + b, sidx[b], didx[b], sem[b])
        return carry

    lax.fori_loop(0, NFULL // NCHAIN, _group, 0)
    for b in range(NCHAIN):
        _wait_idx(sidx[b], didx[b], sem[b])

    plsc.subcore_barrier()
    pltpu.sync_copy(agg_s.at[pl.ds(s * RPT, RPT)],
                    out_hbm.at[c, pl.ds(s * RPT, RPT)])


def _sc_agg(x, src, dst):
    return pl.kernel(
        _sc_agg_body,
        out_type=jax.ShapeDtypeStruct((2, NP, D), jnp.float32),
        mesh=plsc.VectorSubcoreMesh(core_axis_name="c", subcore_axis_name="s",
                                    num_cores=NC, num_subcores=NS),
        scratch_types=(
            [pltpu.VMEM((CHUNK,), jnp.int32)] * (2 * NCHAIN)
            + [pltpu.VMEM((CHUNK, D), jnp.float32)] * NCHAIN
            + [pltpu.VMEM_SHARED((NP, D), jnp.float32)]
            + [pltpu.SemaphoreType.DMA] * NCHAIN
        ),
    )(x, src, dst)


BLK = 2000
NBLK = N // BLK


def _mlp1_body(x_ref, a0_ref, a1_ref, wa_ref, ba_ref, wb_ref, bb_ref, o_ref):
    h = x_ref[...] + a0_ref[0] + a1_ref[0]
    t = jnp.dot(h, wa_ref[...], preferred_element_type=jnp.float32) + ba_ref[...]
    t = jnp.maximum(t, 0.0)
    o = jnp.dot(t, wb_ref[...], preferred_element_type=jnp.float32) + bb_ref[...]
    o_ref[...] = jnp.maximum(o, 0.0)


def _mlp1(x, p, wa, ba, wb, bb):
    return pl.pallas_call(
        _mlp1_body,
        grid=(NBLK,),
        in_specs=[
            pl.BlockSpec((BLK, D), lambda i: (i, 0)),
            pl.BlockSpec((1, BLK, D), lambda i: (0, i, 0)),
            pl.BlockSpec((1, BLK, D), lambda i: (1, i, 0)),
            pl.BlockSpec((D, D), lambda i: (0, 0)),
            pl.BlockSpec((1, D), lambda i: (0, 0)),
            pl.BlockSpec((D, D), lambda i: (0, 0)),
            pl.BlockSpec((1, D), lambda i: (0, 0)),
        ],
        out_specs=pl.BlockSpec((BLK, D), lambda i: (i, 0)),
        out_shape=jax.ShapeDtypeStruct((N, D), jnp.float32),
    )(x, p, p, wa, ba, wb, bb)


def _mlp2_pool_body(h1_ref, a0_ref, a1_ref, wa_ref, ba_ref, wb_ref, bb_ref,
                    batch_ref, wfc_ref, bfc_ref, o_ref, acc_ref):
    i = pl.program_id(0)
    h = h1_ref[...] + a0_ref[0] + a1_ref[0]
    t = jnp.dot(h, wa_ref[...], preferred_element_type=jnp.float32) + ba_ref[...]
    t = jnp.maximum(t, 0.0)
    h2 = jnp.dot(t, wb_ref[...], preferred_element_type=jnp.float32) + bb_ref[...]
    h2 = jnp.maximum(h2, 0.0)

    onehot = (batch_ref[...] ==
              lax.broadcasted_iota(jnp.int32, (BLK, G), 1)).astype(jnp.float32)
    pooled = lax.dot_general(onehot, h2, (((0,), (0,)), ((), ())),
                             preferred_element_type=jnp.float32)

    @pl.when(i == 0)
    def _():
        acc_ref[...] = jnp.zeros_like(acc_ref)

    acc_ref[...] += pooled

    @pl.when(i == NBLK - 1)
    def _():
        logits = (jnp.dot(acc_ref[...], wfc_ref[...],
                          preferred_element_type=jnp.float32) + bfc_ref[...])
        m = jnp.max(logits, axis=1, keepdims=True)
        lse = jnp.log(jnp.sum(jnp.exp(logits - m), axis=1, keepdims=True)) + m
        o_ref[...] = logits - lse


def _mlp2_pool(h1, p, wa, ba, wb, bb, batch2d, wfc, bfc):
    return pl.pallas_call(
        _mlp2_pool_body,
        grid=(NBLK,),
        in_specs=[
            pl.BlockSpec((BLK, D), lambda i: (i, 0)),
            pl.BlockSpec((1, BLK, D), lambda i: (0, i, 0)),
            pl.BlockSpec((1, BLK, D), lambda i: (1, i, 0)),
            pl.BlockSpec((D, D), lambda i: (0, 0)),
            pl.BlockSpec((1, D), lambda i: (0, 0)),
            pl.BlockSpec((D, D), lambda i: (0, 0)),
            pl.BlockSpec((1, D), lambda i: (0, 0)),
            pl.BlockSpec((BLK, 1), lambda i: (i, 0)),
            pl.BlockSpec((D, D), lambda i: (0, 0)),
            pl.BlockSpec((1, D), lambda i: (0, 0)),
        ],
        out_specs=pl.BlockSpec((G, D), lambda i: (0, 0)),
        out_shape=jax.ShapeDtypeStruct((G, D), jnp.float32),
        scratch_shapes=[pltpu.VMEM((G, D), jnp.float32)],
    )(h1, p, p, wa, ba, wb, bb, batch2d, wfc, bfc)


def kernel(x, edge_index, batch, W1a, b1a, W1b, b1b, W2a, b2a, W2b, b2b,
           Wfc, bfc):
    src = edge_index[0].astype(jnp.int32)
    dst = edge_index[1].astype(jnp.int32)
    pad = E2 - E
    padi = jnp.arange(pad, dtype=jnp.int32)
    srcp = jnp.concatenate([src, padi % N])
    dstp = jnp.concatenate([dst, N + padi % (NP - N)])
    batch2d = batch.astype(jnp.int32).reshape(N, 1)

    p1 = _sc_agg(x, srcp, dstp)
    h1 = _mlp1(x, p1, W1a, b1a.reshape(1, D), W1b, b1b.reshape(1, D))
    p2 = _sc_agg(h1, srcp, dstp)
    return _mlp2_pool(h1, p2, W2a, b2a.reshape(1, D), W2b, b2b.reshape(1, D),
                      batch2d, Wfc, bfc.reshape(1, D))

# --- scband reference (transcript-rebuilt; emitter-appended) ---
"""Pipeline reference for scband-gin-90640989815339 (READ-ONLY COPY).

The authoritative reference and input builder live on the scoring server;
editing this copy changes nothing except your own understanding.
"""

import jax, jax.numpy as jnp
import numpy as np

N = 10000
E = 320000
D = 128
H = 128
O = 128
G = 16


def setup_inputs(seed: int = 0) -> dict:
    key = jax.random.key(seed)
    ks = jax.random.split(key, 16)
    x = jax.random.normal(ks[0], (N, D), dtype=jnp.float32)
    edge_index = jax.random.randint(ks[1], (2, E), 0, N, dtype=jnp.int64)
    batch = jnp.sort(jax.random.randint(ks[2], (N,), 0, G, dtype=jnp.int64))
    s1 = 1.0 / np.sqrt(D)
    s2 = 1.0 / np.sqrt(H)
    W1a = jax.random.uniform(ks[3], (D, H), jnp.float32, -s1, s1)
    b1a = jax.random.uniform(ks[4], (H,), jnp.float32, -s1, s1)
    W1b = jax.random.uniform(ks[5], (H, H), jnp.float32, -s2, s2)
    b1b = jax.random.uniform(ks[6], (H,), jnp.float32, -s2, s2)
    W2a = jax.random.uniform(ks[7], (H, H), jnp.float32, -s2, s2)
    b2a = jax.random.uniform(ks[8], (H,), jnp.float32, -s2, s2)
    W2b = jax.random.uniform(ks[9], (H, H), jnp.float32, -s2, s2)
    b2b = jax.random.uniform(ks[10], (H,), jnp.float32, -s2, s2)
    Wfc = jax.random.uniform(ks[11], (H, O), jnp.float32, -s2, s2)
    bfc = jax.random.uniform(ks[12], (O,), jnp.float32, -s2, s2)
    return {"x": x, "edge_index": edge_index, "batch": batch,
            "W1a": W1a, "b1a": b1a, "W1b": W1b, "b1b": b1b,
            "W2a": W2a, "b2a": b2a, "W2b": W2b, "b2b": b2b,
            "Wfc": Wfc, "bfc": bfc}


def _gin_conv(x, src, dst, Wa, ba, Wb, bb):
    # GINConv with default eps=0: mlp((1+eps)*x + sum_{j->i} x_j)
    msgs = jnp.take(x, src, axis=0)
    agg = jax.ops.segment_sum(msgs, dst, num_segments=N)
    h = x + agg
    h = jnp.maximum(h @ Wa + ba, 0.0)
    return h @ Wb + bb


def reference(x, edge_index, batch, W1a, b1a, W1b, b1b, W2a, b2a, W2b, b2b, Wfc, bfc):
    src = edge_index[0]
    dst = edge_index[1]
    h = _gin_conv(x, src, dst, W1a, b1a, W1b, b1b)
    h = jnp.maximum(h, 0.0)
    h = _gin_conv(h, src, dst, W2a, b2a, W2b, b2b)
    h = jnp.maximum(h, 0.0)
    pooled = jax.ops.segment_sum(h, batch, num_segments=G)
    logits = pooled @ Wfc + bfc
    return jax.nn.log_softmax(logits, axis=1)

if __name__ == "__main__":
    import jax
    _d = setup_inputs()
    print(jax.jit(kernel)(*tuple(_d.values())))

</pallas_src>

<mosaic_0001>
#map = affine_map<(d0, d1) -> (0, 0)>
#map1 = affine_map<(d0, d1) -> (0)>
#map2 = affine_map<(d0, d1) -> (0, 0, 0)>
module attributes {stable_mosaic.version = 14 : i64} {
  func.func @_sc_agg_body(%arg0: i32, %arg1: i32, %arg2: memref<10000x128xf32, #tpu.memory_space<hbm>>, %arg3: memref<327680xi32, #tpu.memory_space<hbm>>, %arg4: memref<327680xi32, #tpu.memory_space<hbm>>, %arg5: memref<2x10240x128xf32, #tpu.memory_space<hbm>>, %arg6: memref<64xi32, #tpu.memory_space<vmem>>, %arg7: memref<64xi32, #tpu.memory_space<vmem>>, %arg8: memref<64xi32, #tpu.memory_space<vmem>>, %arg9: memref<64xi32, #tpu.memory_space<vmem>>, %arg10: memref<64xi32, #tpu.memory_space<vmem>>, %arg11: memref<64xi32, #tpu.memory_space<vmem>>, %arg12: memref<64xi32, #tpu.memory_space<vmem>>, %arg13: memref<64xi32, #tpu.memory_space<vmem>>, %arg14: memref<64xi32, #tpu.memory_space<vmem>>, %arg15: memref<64xi32, #tpu.memory_space<vmem>>, %arg16: memref<64x128xf32, #tpu.memory_space<vmem>>, %arg17: memref<64x128xf32, #tpu.memory_space<vmem>>, %arg18: memref<64x128xf32, #tpu.memory_space<vmem>>, %arg19: memref<64x128xf32, #tpu.memory_space<vmem>>, %arg20: memref<64x128xf32, #tpu.memory_space<vmem>>, %arg21: memref<10240x128xf32, #tpu.memory_space<vmem_shared>>, %arg22: memref<!tpu.dma_semaphore, #tpu.memory_space<semaphore_mem>>, %arg23: memref<!tpu.dma_semaphore, #tpu.memory_space<semaphore_mem>>, %arg24: memref<!tpu.dma_semaphore, #tpu.memory_space<semaphore_mem>>, %arg25: memref<!tpu.dma_semaphore, #tpu.memory_space<semaphore_mem>>, %arg26: memref<!tpu.dma_semaphore, #tpu.memory_space<semaphore_mem>>) attributes {dimension_semantics = [#tpu.dimension_semantics<core_parallel>, #tpu.dimension_semantics<subcore_parallel>], iteration_bounds = array<i64: 2, 16>, scalar_prefetch = 0 : i64, scratch_operands = 21 : i64, tpu.core_type = #tpu.core_type<sc_vector_subcore>, window_params = [{transform_indices = #map}, {transform_indices = #map1}, {transform_indices = #map1}, {transform_indices = #map2}]} {
    %mul3A = arith.constant 16 : i32
    %mul3A_0 = arith.muli %arg0, %mul3A : i32
    %add3A = arith.addi %mul3A_0, %arg1 : i32
    %mul3A_1 = arith.constant 10240 : i32
    %mul3A_2 = arith.muli %add3A, %mul3A_1 : i32
    %add3A_3 = arith.constant 0 : i32
    %add3A_4 = arith.addi %mul3A_2, %add3A_3 : i32
    %min3A = arith.constant 327616 : i32
    %min3A_5 = arith.minsi %add3A_4, %min3A : i32
    %dma_start3A = tpu.memref_slice %arg3[%min3A_5] : memref<327680xi32, #tpu.memory_space<hbm>> -> memref<64xi32, #tpu.memory_space<hbm>>
    %dma_start3A_6 = tpu.memref_slice %arg3[%min3A_5] : memref<327680xi32, #tpu.memory_space<hbm>> -> memref<64xi32, #tpu.memory_space<hbm>>
    tpu.enqueue_dma source(%dma_start3A_6 : memref<64xi32, #tpu.memory_space<hbm>>) target(%arg6 : memref<64xi32, #tpu.memory_space<vmem>>) target_semaphore(%arg22 : memref<!tpu.dma_semaphore, #tpu.memory_space<semaphore_mem>>)
    %dma_start3A_7 = tpu.memref_slice %arg4[%min3A_5] : memref<327680xi32, #tpu.memory_space<hbm>> -> memref<64xi32, #tpu.memory_space<hbm>>
    %dma_start3A_8 = tpu.memref_slice %arg4[%min3A_5] : memref<327680xi32, #tpu.memory_space<hbm>> -> memref<64xi32, #tpu.memory_space<hbm>>
    tpu.enqueue_dma source(%dma_start3A_8 : memref<64xi32, #tpu.memory_space<hbm>>) target(%arg7 : memref<64xi32, #tpu.memory_space<vmem>>) target_semaphore(%arg22 : memref<!tpu.dma_semaphore, #tpu.memory_space<semaphore_mem>>)
    %add3A_9 = arith.constant 64 : i32
    %add3A_10 = arith.addi %mul3A_2, %add3A_9 : i32
    %min3A_11 = arith.constant 327616 : i32
    %min3A_12 = arith.minsi %add3A_10, %min3A_11 : i32
    %dma_start3A_13 = tpu.memref_slice %arg3[%min3A_12] : memref<327680xi32, #tpu.memory_space<hbm>> -> memref<64xi32, #tpu.memory_space<hbm>>
    %dma_start3A_14 = tpu.memref_slice %arg3[%min3A_12] : memref<327680xi32, #tpu.memory_space<hbm>> -> memref<64xi32, #tpu.memory_space<hbm>>
    tpu.enqueue_dma source(%dma_start3A_14 : memref<64xi32, #tpu.memory_space<hbm>>) target(%arg8 : memref<64xi32, #tpu.memory_space<vmem>>) target_semaphore(%arg23 : memref<!tpu.dma_semaphore, #tpu.memory_space<semaphore_mem>>)
    %dma_start3A_15 = tpu.memref_slice %arg4[%min3A_12] : memref<327680xi32, #tpu.memory_space<hbm>> -> memref<64xi32, #tpu.memory_space<hbm>>
    %dma_start3A_16 = tpu.memref_slice %arg4[%min3A_12] : memref<327680xi32, #tpu.memory_space<hbm>> -> memref<64xi32, #tpu.memory_space<hbm>>
    tpu.enqueue_dma source(%dma_start3A_16 : memref<64xi32, #tpu.memory_space<hbm>>) target(%arg9 : memref<64xi32, #tpu.memory_space<vmem>>) target_semaphore(%arg23 : memref<!tpu.dma_semaphore, #tpu.memory_space<semaphore_mem>>)
    %add3A_17 = arith.constant 128 : i32
    %add3A_18 = arith.addi %mul3A_2, %add3A_17 : i32
    %min3A_19 = arith.constant 327616 : i32
    %min3A_20 = arith.minsi %add3A_18, %min3A_19 : i32
    %dma_start3A_21 = tpu.memref_slice %arg3[%min3A_20] : memref<327680xi32, #tpu.memory_space<hbm>> -> memref<64xi32, #tpu.memory_space<hbm>>
    %dma_start3A_22 = tpu.memref_slice %arg3[%min3A_20] : memref<327680xi32, #tpu.memory_space<hbm>> -> memref<64xi32, #tpu.memory_space<hbm>>
    tpu.enqueue_dma source(%dma_start3A_22 : memref<64xi32, #tpu.memory_space<hbm>>) target(%arg10 : memref<64xi32, #tpu.memory_space<vmem>>) target_semaphore(%arg24 : memref<!tpu.dma_semaphore, #tpu.memory_space<semaphore_mem>>)
    %dma_start3A_23 = tpu.memref_slice %arg4[%min3A_20] : memref<327680xi32, #tpu.memory_space<hbm>> -> memref<64xi32, #tpu.memory_space<hbm>>
    %dma_start3A_24 = tpu.memref_slice %arg4[%min3A_20] : memref<327680xi32, #tpu.memory_space<hbm>> -> memref<64xi32, #tpu.memory_space<hbm>>
    tpu.enqueue_dma source(%dma_start3A_24 : memref<64xi32, #tpu.memory_space<hbm>>) target(%arg11 : memref<64xi32, #tpu.memory_space<vmem>>) target_semaphore(%arg24 : memref<!tpu.dma_semaphore, #tpu.memory_space<semaphore_mem>>)
    %add3A_25 = arith.constant 192 : i32
    %add3A_26 = arith.addi %mul3A_2, %add3A_25 : i32
    %min3A_27 = arith.constant 327616 : i32
    %min3A_28 = arith.minsi %add3A_26, %min3A_27 : i32
    %dma_start3A_29 = tpu.memref_slice %arg3[%min3A_28] : memref<327680xi32, #tpu.memory_space<hbm>> -> memref<64xi32, #tpu.memory_space<hbm>>
    %dma_start3A_30 = tpu.memref_slice %arg3[%min3A_28] : memref<327680xi32, #tpu.memory_space<hbm>> -> memref<64xi32, #tpu.memory_space<hbm>>
    tpu.enqueue_dma source(%dma_start3A_30 : memref<64xi32, #tpu.memory_space<hbm>>) target(%arg12 : memref<64xi32, #tpu.memory_space<vmem>>) target_semaphore(%arg25 : memref<!tpu.dma_semaphore, #tpu.memory_space<semaphore_mem>>)
    %dma_start3A_31 = tpu.memref_slice %arg4[%min3A_28] : memref<327680xi32, #tpu.memory_space<hbm>> -> memref<64xi32, #tpu.memory_space<hbm>>
    %dma_start3A_32 = tpu.memref_slice %arg4[%min3A_28] : memref<327680xi32, #tpu.memory_space<hbm>> -> memref<64xi32, #tpu.memory_space<hbm>>
    tpu.enqueue_dma source(%dma_start3A_32 : memref<64xi32, #tpu.memory_space<hbm>>) target(%arg13 : memref<64xi32, #tpu.memory_space<vmem>>) target_semaphore(%arg25 : memref<!tpu.dma_semaphore, #tpu.memory_space<semaphore_mem>>)
    %add3A_33 = arith.constant 256 : i32
    %add3A_34 = arith.addi %mul3A_2, %add3A_33 : i32
    %min3A_35 = arith.constant 327616 : i32
    %min3A_36 = arith.minsi %add3A_34, %min3A_35 : i32
    %dma_start3A_37 = tpu.memref_slice %arg3[%min3A_36] : memref<327680xi32, #tpu.memory_space<hbm>> -> memref<64xi32, #tpu.memory_space<hbm>>
    %dma_start3A_38 = tpu.memref_slice %arg3[%min3A_36] : memref<327680xi32, #tpu.memory_space<hbm>> -> memref<64xi32, #tpu.memory_space<hbm>>
    tpu.enqueue_dma source(%dma_start3A_38 : memref<64xi32, #tpu.memory_space<hbm>>) target(%arg14 : memref<64xi32, #tpu.memory_space<vmem>>) target_semaphore(%arg26 : memref<!tpu.dma_semaphore, #tpu.memory_space<semaphore_mem>>)
    %dma_start3A_39 = tpu.memref_slice %arg4[%min3A_36] : memref<327680xi32, #tpu.memory_space<hbm>> -> memref<64xi32, #tpu.memory_space<hbm>>
    %dma_start3A_40 = tpu.memref_slice %arg4[%min3A_36] : memref<327680xi32, #tpu.memory_space<hbm>> -> memref<64xi32, #tpu.memory_space<hbm>>
    tpu.enqueue_dma source(%dma_start3A_40 : memref<64xi32, #tpu.memory_space<hbm>>) target(%arg15 : memref<64xi32, #tpu.memory_space<vmem>>) target_semaphore(%arg26 : memref<!tpu.dma_semaphore, #tpu.memory_space<semaphore_mem>>)
    %broadcast_in_dim3A = arith.constant 0.000000e+00 : f32
    %broadcast_in_dim3A_41 = vector.broadcast %broadcast_in_dim3A : f32 to vector<16xf32>
    %scan3A = arith.constant 0 : i32
    %scan3A_42 = arith.constant 0 : i32
    %scan3A_43 = arith.constant 64 : i32
    %scan3A_44 = arith.addi %scan3A_42, %scan3A_43 : i32
    %scan3A_45 = arith.constant 1 : i32
    scf.for %scan3A_137 = %scan3A_42 to %scan3A_44 step %scan3A_45  : i32 {
      %swap3A = arith.index_cast %scan3A_137 : i32 to index
      %swap3A_138 = arith.constant 0 : index
      %swap3A_139 = tpu.vector_load %arg16[%swap3A, %swap3A_138] {strides = array<i32>} : memref<64x128xf32, #tpu.memory_space<vmem>>, vector<1x16xf32>,
      %swap3A_140 = vector.shape_cast %swap3A_139 : vector<1x16xf32> to vector<16xf32>
      %swap3A_141 = vector.shape_cast %broadcast_in_dim3A_41 : vector<16xf32> to vector<1x16xf32>
      tpu.vector_store %arg16[%swap3A, %swap3A_138], %swap3A_141 {strides = array<i32>} : memref<64x128xf32, #tpu.memory_space<vmem>>, vector<1x16xf32>,
      %swap3A_142 = arith.index_cast %scan3A_137 : i32 to index
      %swap3A_143 = arith.constant 16 : index
      %swap3A_144 = tpu.vector_load %arg16[%swap3A_142, %swap3A_143] {strides = array<i32>} : memref<64x128xf32, #tpu.memory_space<vmem>>, vector<1x16xf32>,
      %swap3A_145 = vector.shape_cast %swap3A_144 : vector<1x16xf32> to vector<16xf32>
      %swap3A_146 = vector.shape_cast %broadcast_in_dim3A_41 : vector<16xf32> to vector<1x16xf32>
      tpu.vector_store %arg16[%swap3A_142, %swap3A_143], %swap3A_146 {strides = array<i32>} : memref<64x128xf32, #tpu.memory_space<vmem>>, vector<1x16xf32>,
      %swap3A_147 = arith.index_cast %scan3A_137 : i32 to index
      %swap3A_148 = arith.constant 32 : index
      %swap3A_149 = tpu.vector_load %arg16[%swap3A_147, %swap3A_148] {strides = array<i32>} : memref<64x128xf32, #tpu.memory_space<vmem>>, vector<1x16xf32>,
      %swap3A_150 = vector.shape_cast %swap3A_149 : vector<1x16xf32> to vector<16xf32>
      %swap3A_151 = vector.shape_cast %broadcast_in_dim3A_41 : vector<16xf32> to vector<1x16xf32>
      tpu.vector_store %arg16[%swap3A_147, %swap3A_148], %swap3A_151 {strides = array<i32>} : memref<64x128xf32, #tpu.memory_space<vmem>>, vector<1x16xf32>,
      %swap3A_152 = arith.index_cast %scan3A_137 : i32 to index
      %swap3A_153 = arith.constant 48 : index
      %swap3A_154 = tpu.vector_load %arg16[%swap3A_152, %swap3A_153] {strides = array<i32>} : memref<64x128xf32, #tpu.memory_space<vmem>>, vector<1x16xf32>,
      %swap3A_155 = vector.shape_cast %swap3A_154 : vector<1x16xf32> to vector<16xf32>
      %swap3A_156 = vector.shape_cast %broadcast_in_dim3A_41 : vector<16xf32> to vector<1x16xf32>
      tpu.vector_store %arg16[%swap3A_152, %swap3A_153], %swap3A_156 {strides = array<i32>} : memref<64x128xf32, #tpu.memory_space<vmem>>, vector<1x16xf32>,
      %swap3A_157 = arith.index_cast %scan3A_137 : i32 to index
      %swap3A_158 = arith.constant 64 : index
      %swap3A_159 = tpu.vector_load %arg16[%swap3A_157, %swap3A_158] {strides = array<i32>} : memref<64x128xf32, #tpu.memory_space<vmem>>, vector<1x16xf32>,
      %swap3A_160 = vector.shape_cast %swap3A_159 : vector<1x16xf32> to vector<16xf32>
      %swap3A_161 = vector.shape_cast %broadcast_in_dim3A_41 : vector<16xf32> to vector<1x16xf32>
      tpu.vector_store %arg16[%swap3A_157, %swap3A_158], %swap3A_161 {strides = array<i32>} : memref<64x128xf32, #tpu.memory_space<vmem>>, vector<1x16xf32>,
      %swap3A_162 = arith.index_cast %scan3A_137 : i32 to index
      %swap3A_163 = arith.constant 80 : index
      %swap3A_164 = tpu.vector_load %arg16[%swap3A_162, %swap3A_163] {strides = array<i32>} : memref<64x128xf32, #tpu.memory_space<vmem>>, vector<1x16xf32>,
      %swap3A_165 = vector.shape_cast %swap3A_164 : vector<1x16xf32> to vector<16xf32>
      %swap3A_166 = vector.shape_cast %broadcast_in_dim3A_41 : vector<16xf32> to vector<1x16xf32>
      tpu.vector_store %arg16[%swap3A_162, %swap3A_163], %swap3A_166 {strides = array<i32>} : memref<64x128xf32, #tpu.memory_space<vmem>>, vector<1x16xf32>,
      %swap3A_167 = arith.index_cast %scan3A_137 : i32 to index
      %swap3A_168 = arith.constant 96 : index
      %swap3A_169 = tpu.vector_load %arg16[%swap3A_167, %swap3A_168] {strides = array<i32>} : memref<64x128xf32, #tpu.memory_space<vmem>>, vector<1x16xf32>,
      %swap3A_170 = vector.shape_cast %swap3A_169 : vector<1x16xf32> to vector<16xf32>
      %swap3A_171 = vector.shape_cast %broadcast_in_dim3A_41 : vector<16xf32> to vector<1x16xf32>
      tpu.vector_store %arg16[%swap3A_167, %swap3A_168], %swap3A_171 {strides = array<i32>} : memref<64x128xf32, #tpu.memory_space<vmem>>, vector<1x16xf32>,
      %swap3A_172 = arith.index_cast %scan3A_137 : i32 to index
      %swap3A_173 = arith.constant 112 : index
      %swap3A_174 = tpu.vector_load %arg16[%swap3A_172, %swap3A_173] {strides = array<i32>} : memref<64x128xf32, #tpu.memory_space<vmem>>, vector<1x16xf32>,
      %swap3A_175 = vector.shape_cast %swap3A_174 : vector<1x16xf32> to vector<16xf32>
      %swap3A_176 = vector.shape_cast %broadcast_in_dim3A_41 : vector<16xf32> to vector<1x16xf32>
      tpu.vector_store %arg16[%swap3A_172, %swap3A_173], %swap3A_176 {strides = array<i32>} : memref<64x128xf32, #tpu.memory_space<vmem>>, vector<1x16xf32>,
    }
    %scan3A_46 = arith.constant 64 : i32
    %mul3A_47 = arith.constant 640 : i32
    %mul3A_48 = arith.muli %arg1, %mul3A_47 : i32
    %add3A_49 = arith.constant 0 : i32
    %add3A_50 = arith.addi %mul3A_48, %add3A_49 : i32
    "tpu.region"() ({
      %run_scoped3A = tpu.sem_alloc : memref<!tpu.dma_semaphore, #tpu.memory_space<semaphore_mem>>
      %dma_start3A_137 = arith.constant 0 : i32
      %dma_start3A_138 = tpu.memref_slice %arg21[%add3A_50, %dma_start3A_137] : memref<10240x128xf32, #tpu.memory_space<vmem_shared>> -> memref<64x128xf32, #tpu.memory_space<vmem_shared>>
      %dma_start3A_139 = arith.constant 0 : i32
      %dma_start3A_140 = tpu.memref_slice %arg21[%add3A_50, %dma_start3A_139] : memref<10240x128xf32, #tpu.memory_space<vmem_shared>> -> memref<64x128xf32, #tpu.memory_space<vmem_shared>>
      tpu.enqueue_dma source(%arg16 : memref<64x128xf32, #tpu.memory_space<vmem>>) target(%dma_start3A_140 : memref<64x128xf32, #tpu.memory_space<vmem_shared>>) target_semaphore(%run_scoped3A : memref<!tpu.dma_semaphore, #tpu.memory_space<semaphore_mem>>)
      %dma_wait3A_141 = arith.constant 0 : i32
      %dma_wait3A_142 = tpu.memref_slice %arg21[%add3A_50, %dma_wait3A_141] : memref<10240x128xf32, #tpu.memory_space<vmem_shared>> -> memref<64x128xf32, #tpu.memory_space<vmem_shared>>
      %dma_wait3A_143 = arith.constant 0 : i32
      %dma_wait3A_144 = tpu.memref_slice %arg21[%add3A_50, %dma_wait3A_143] : memref<10240x128xf32, #tpu.memory_space<vmem_shared>> -> memref<64x128xf32, #tpu.memory_space<vmem_shared>>
      tpu.wait_dma2 semaphore(%run_scoped3A : memref<!tpu.dma_semaphore, #tpu.memory_space<semaphore_mem>>) src(%arg16 : memref<64x128xf32, #tpu.memory_space<vmem>>) dst(%dma_wait3A_144 : memref<64x128xf32, #tpu.memory_space<vmem_shared>>)
      tpu.yield
    }) : () -> ()
    %mul3A_51 = arith.constant 640 : i32
    %mul3A_52 = arith.muli %arg1, %mul3A_51 : i32
    %add3A_53 = arith.constant 64 : i32
    %add3A_54 = arith.addi %mul3A_52, %add3A_53 : i32
    "tpu.region"() ({
      %run_scoped3A = tpu.sem_alloc : memref<!tpu.dma_semaphore, #tpu.memory_space<semaphore_mem>>
      %dma_start3A_137 = arith.constant 0 : i32
      %dma_start3A_138 = tpu.memref_slice %arg21[%add3A_54, %dma_start3A_137] : memref<10240x128xf32, #tpu.memory_space<vmem_shared>> -> memref<64x128xf32, #tpu.memory_space<vmem_shared>>
      %dma_start3A_139 = arith.constant 0 : i32
      %dma_start3A_140 = tpu.memref_slice %arg21[%add3A_54, %dma_start3A_139] : memref<10240x128xf32, #tpu.memory_space<vmem_shared>> -> memref<64x128xf32, #tpu.memory_space<vmem_shared>>
      tpu.enqueue_dma source(%arg16 : memref<64x128xf32, #tpu.memory_space<vmem>>) target(%dma_start3A_140 : memref<64x128xf32, #tpu.memory_space<vmem_shared>>) target_semaphore(%run_scoped3A : memref<!tpu.dma_semaphore, #tpu.memory_space<semaphore_mem>>)
      %dma_wait3A_141 = arith.constant 0 : i32
      %dma_wait3A_142 = tpu.memref_slice %arg21[%add3A_54, %dma_wait3A_141] : memref<10240x128xf32, #tpu.memory_space<vmem_shared>> -> memref<64x128xf32, #tpu.memory_space<vmem_shared>>
      %dma_wait3A_143 = arith.constant 0 : i32
      %dma_wait3A_144 = tpu.memref_slice %arg21[%add3A_54, %dma_wait3A_143] : memref<10240x128xf32, #tpu.memory_space<vmem_shared>> -> memref<64x128xf32, #tpu.memory_space<vmem_shared>>
      tpu.wait_dma2 semaphore(%run_scoped3A : memref<!tpu.dma_semaphore, #tpu.memory_space<semaphore_mem>>) src(%arg16 : memref<64x128xf32, #tpu.memory_space<vmem>>) dst(%dma_wait3A_144 : memref<64x128xf32, #tpu.memory_space<vmem_shared>>)
      tpu.yield
    }) : () -> ()
    %mul3A_55 = arith.constant 640 : i32
    %mul3A_56 = arith.muli %arg1, %mul3A_55 : i32
    %add3A_57 = arith.constant 128 : i32
    %add3A_58 = arith.addi %mul3A_56, %add3A_57 : i32
    "tpu.region"() ({
      %run_scoped3A = tpu.sem_alloc : memref<!tpu.dma_semaphore, #tpu.memory_space<semaphore_mem>>
      %dma_start3A_137 = arith.constant 0 : i32
      %dma_start3A_138 = tpu.memref_slice %arg21[%add3A_58, %dma_start3A_137] : memref<10240x128xf32, #tpu.memory_space<vmem_shared>> -> memref<64x128xf32, #tpu.memory_space<vmem_shared>>
      %dma_start3A_139 = arith.constant 0 : i32
      %dma_start3A_140 = tpu.memref_slice %arg21[%add3A_58, %dma_start3A_139] : memref<10240x128xf32, #tpu.memory_space<vmem_shared>> -> memref<64x128xf32, #tpu.memory_space<vmem_shared>>
      tpu.enqueue_dma source(%arg16 : memref<64x128xf32, #tpu.memory_space<vmem>>) target(%dma_start3A_140 : memref<64x128xf32, #tpu.memory_space<vmem_shared>>) target_semaphore(%run_scoped3A : memref<!tpu.dma_semaphore, #tpu.memory_space<semaphore_mem>>)
      %dma_wait3A_141 = arith.constant 0 : i32
      %dma_wait3A_142 = tpu.memref_slice %arg21[%add3A_58, %dma_wait3A_141] : memref<10240x128xf32, #tpu.memory_space<vmem_shared>> -> memref<64x128xf32, #tpu.memory_space<vmem_shared>>
      %dma_wait3A_143 = arith.constant 0 : i32
      %dma_wait3A_144 = tpu.memref_slice %arg21[%add3A_58, %dma_wait3A_143] : memref<10240x128xf32, #tpu.memory_space<vmem_shared>> -> memref<64x128xf32, #tpu.memory_space<vmem_shared>>
      tpu.wait_dma2 semaphore(%run_scoped3A : memref<!tpu.dma_semaphore, #tpu.memory_space<semaphore_mem>>) src(%arg16 : memref<64x128xf32, #tpu.memory_space<vmem>>) dst(%dma_wait3A_144 : memref<64x128xf32, #tpu.memory_space<vmem_shared>>)
      tpu.yield
    }) : () -> ()
    %mul3A_59 = arith.constant 640 : i32
    %mul3A_60 = arith.muli %arg1, %mul3A_59 : i32
    %add3A_61 = arith.constant 192 : i32
    %add3A_62 = arith.addi %mul3A_60, %add3A_61 : i32
    "tpu.region"() ({
      %run_scoped3A = tpu.sem_alloc : memref<!tpu.dma_semaphore, #tpu.memory_space<semaphore_mem>>
      %dma_start3A_137 = arith.constant 0 : i32
      %dma_start3A_138 = tpu.memref_slice %arg21[%add3A_62, %dma_start3A_137] : memref<10240x128xf32, #tpu.memory_space<vmem_shared>> -> memref<64x128xf32, #tpu.memory_space<vmem_shared>>
      %dma_start3A_139 = arith.constant 0 : i32
      %dma_start3A_140 = tpu.memref_slice %arg21[%add3A_62, %dma_start3A_139] : memref<10240x128xf32, #tpu.memory_space<vmem_shared>> -> memref<64x128xf32, #tpu.memory_space<vmem_shared>>
      tpu.enqueue_dma source(%arg16 : memref<64x128xf32, #tpu.memory_space<vmem>>) target(%dma_start3A_140 : memref<64x128xf32, #tpu.memory_space<vmem_shared>>) target_semaphore(%run_scoped3A : memref<!tpu.dma_semaphore, #tpu.memory_space<semaphore_mem>>)
      %dma_wait3A_141 = arith.constant 0 : i32
      %dma_wait3A_142 = tpu.memref_slice %arg21[%add3A_62, %dma_wait3A_141] : memref<10240x128xf32, #tpu.memory_space<vmem_shared>> -> memref<64x128xf32, #tpu.memory_space<vmem_shared>>
      %dma_wait3A_143 = arith.constant 0 : i32
      %dma_wait3A_144 = tpu.memref_slice %arg21[%add3A_62, %dma_wait3A_143] : memref<10240x128xf32, #tpu.memory_space<vmem_shared>> -> memref<64x128xf32, #tpu.memory_space<vmem_shared>>
      tpu.wait_dma2 semaphore(%run_scoped3A : memref<!tpu.dma_semaphore, #tpu.memory_space<semaphore_mem>>) src(%arg16 : memref<64x128xf32, #tpu.memory_space<vmem>>) dst(%dma_wait3A_144 : memref<64x128xf32, #tpu.memory_space<vmem_shared>>)
      tpu.yield
    }) : () -> ()
    %mul3A_63 = arith.constant 640 : i32
    %mul3A_64 = arith.muli %arg1, %mul3A_63 : i32
    %add3A_65 = arith.constant 256 : i32
    %add3A_66 = arith.addi %mul3A_64, %add3A_65 : i32
    "tpu.region"() ({
      %run_scoped3A = tpu.sem_alloc : memref<!tpu.dma_semaphore, #tpu.memory_space<semaphore_mem>>
      %dma_start3A_137 = arith.constant 0 : i32
      %dma_start3A_138 = tpu.memref_slice %arg21[%add3A_66, %dma_start3A_137] : memref<10240x128xf32, #tpu.memory_space<vmem_shared>> -> memref<64x128xf32, #tpu.memory_space<vmem_shared>>
      %dma_start3A_139 = arith.constant 0 : i32
      %dma_start3A_140 = tpu.memref_slice %arg21[%add3A_66, %dma_start3A_139] : memref<10240x128xf32, #tpu.memory_space<vmem_shared>> -> memref<64x128xf32, #tpu.memory_space<vmem_shared>>
      tpu.enqueue_dma source(%arg16 : memref<64x128xf32, #tpu.memory_space<vmem>>) target(%dma_start3A_140 : memref<64x128xf32, #tpu.memory_space<vmem_shared>>) target_semaphore(%run_scoped3A : memref<!tpu.dma_semaphore, #tpu.memory_space<semaphore_mem>>)
      %dma_wait3A_141 = arith.constant 0 : i32
      %dma_wait3A_142 = tpu.memref_slice %arg21[%add3A_66, %dma_wait3A_141] : memref<10240x128xf32, #tpu.memory_space<vmem_shared>> -> memref<64x128xf32, #tpu.memory_space<vmem_shared>>
      %dma_wait3A_143 = arith.constant 0 : i32
      %dma_wait3A_144 = tpu.memref_slice %arg21[%add3A_66, %dma_wait3A_143] : memref<10240x128xf32, #tpu.memory_space<vmem_shared>> -> memref<64x128xf32, #tpu.memory_space<vmem_shared>>
      tpu.wait_dma2 semaphore(%run_scoped3A : memref<!tpu.dma_semaphore, #tpu.memory_space<semaphore_mem>>) src(%arg16 : memref<64x128xf32, #tpu.memory_space<vmem>>) dst(%dma_wait3A_144 : memref<64x128xf32, #tpu.memory_space<vmem_shared>>)
      tpu.yield
    }) : () -> ()
    %mul3A_67 = arith.constant 640 : i32
    %mul3A_68 = arith.muli %arg1, %mul3A_67 : i32
    %add3A_69 = arith.constant 320 : i32
    %add3A_70 = arith.addi %mul3A_68, %add3A_69 : i32
    "tpu.region"() ({
      %run_scoped3A = tpu.sem_alloc : memref<!tpu.dma_semaphore, #tpu.memory_space<semaphore_mem>>
      %dma_start3A_137 = arith.constant 0 : i32
      %dma_start3A_138 = tpu.memref_slice %arg21[%add3A_70, %dma_start3A_137] : memref<10240x128xf32, #tpu.memory_space<vmem_shared>> -> memref<64x128xf32, #tpu.memory_space<vmem_shared>>
      %dma_start3A_139 = arith.constant 0 : i32
      %dma_start3A_140 = tpu.memref_slice %arg21[%add3A_70, %dma_start3A_139] : memref<10240x128xf32, #tpu.memory_space<vmem_shared>> -> memref<64x128xf32, #tpu.memory_space<vmem_shared>>
      tpu.enqueue_dma source(%arg16 : memref<64x128xf32, #tpu.memory_space<vmem>>) target(%dma_start3A_140 : memref<64x128xf32, #tpu.memory_space<vmem_shared>>) target_semaphore(%run_scoped3A : memref<!tpu.dma_semaphore, #tpu.memory_space<semaphore_mem>>)
      %dma_wait3A_141 = arith.constant 0 : i32
      %dma_wait3A_142 = tpu.memref_slice %arg21[%add3A_70, %dma_wait3A_141] : memref<10240x128xf32, #tpu.memory_space<vmem_shared>> -> memref<64x128xf32, #tpu.memory_space<vmem_shared>>
      %dma_wait3A_143 = arith.constant 0 : i32
      %dma_wait3A_144 = tpu.memref_slice %arg21[%add3A_70, %dma_wait3A_143] : memref<10240x128xf32, #tpu.memory_space<vmem_shared>> -> memref<64x128xf32, #tpu.memory_space<vmem_shared>>
      tpu.wait_dma2 semaphore(%run_scoped3A : memref<!tpu.dma_semaphore, #tpu.memory_space<semaphore_mem>>) src(%arg16 : memref<64x128xf32, #tpu.memory_space<vmem>>) dst(%dma_wait3A_144 : memref<64x128xf32, #tpu.memory_space<vmem_shared>>)
      tpu.yield
    }) : () -> ()
    %mul3A_71 = arith.constant 640 : i32
    %mul3A_72 = arith.muli %arg1, %mul3A_71 : i32
    %add3A_73 = arith.constant 384 : i32
    %add3A_74 = arith.addi %mul3A_72, %add3A_73 : i32
    "tpu.region"() ({
      %run_scoped3A = tpu.sem_alloc : memref<!tpu.dma_semaphore, #tpu.memory_space<semaphore_mem>>
      %dma_start3A_137 = arith.constant 0 : i32
      %dma_start3A_138 = tpu.memref_slice %arg21[%add3A_74, %dma_start3A_137] : memref<10240x128xf32, #tpu.memory_space<vmem_shared>> -> memref<64x128xf32, #tpu.memory_space<vmem_shared>>
      %dma_start3A_139 = arith.constant 0 : i32
      %dma_start3A_140 = tpu.memref_slice %arg21[%add3A_74, %dma_start3A_139] : memref<10240x128xf32, #tpu.memory_space<vmem_shared>> -> memref<64x128xf32, #tpu.memory_space<vmem_shared>>
      tpu.enqueue_dma source(%arg16 : memref<64x128xf32, #tpu.memory_space<vmem>>) target(%dma_start3A_140 : memref<64x128xf32, #tpu.memory_space<vmem_shared>>) target_semaphore(%run_scoped3A : memref<!tpu.dma_semaphore, #tpu.memory_space<semaphore_mem>>)
      %dma_wait3A_141 = arith.constant 0 : i32
      %dma_wait3A_142 = tpu.memref_slice %arg21[%add3A_74, %dma_wait3A_141] : memref<10240x128xf32, #tpu.memory_space<vmem_shared>> -> memref<64x128xf32, #tpu.memory_space<vmem_shared>>
      %dma_wait3A_143 = arith.constant 0 : i32
      %dma_wait3A_144 = tpu.memref_slice %arg21[%add3A_74, %dma_wait3A_143] : memref<10240x128xf32, #tpu.memory_space<vmem_shared>> -> memref<64x128xf32, #tpu.memory_space<vmem_shared>>
      tpu.wait_dma2 semaphore(%run_scoped3A : memref<!tpu.dma_semaphore, #tpu.memory_space<semaphore_mem>>) src(%arg16 : memref<64x128xf32, #tpu.memory_space<vmem>>) dst(%dma_wait3A_144 : memref<64x128xf32, #tpu.memory_space<vmem_shared>>)
      tpu.yield
    }) : () -> ()
    %mul3A_75 = arith.constant 640 : i32
    %mul3A_76 = arith.muli %arg1, %mul3A_75 : i32
    %add3A_77 = arith.constant 448 : i32
    %add3A_78 = arith.addi %mul3A_76, %add3A_77 : i32
    "tpu.region"() ({
      %run_scoped3A = tpu.sem_alloc : memref<!tpu.dma_semaphore, #tpu.memory_space<semaphore_mem>>
      %dma_start3A_137 = arith.constant 0 : i32
      %dma_start3A_138 = tpu.memref_slice %arg21[%add3A_78, %dma_start3A_137] : memref<10240x128xf32, #tpu.memory_space<vmem_shared>> -> memref<64x128xf32, #tpu.memory_space<vmem_shared>>
      %dma_start3A_139 = arith.constant 0 : i32
      %dma_start3A_140 = tpu.memref_slice %arg21[%add3A_78, %dma_start3A_139] : memref<10240x128xf32, #tpu.memory_space<vmem_shared>> -> memref<64x128xf32, #tpu.memory_space<vmem_shared>>
      tpu.enqueue_dma source(%arg16 : memref<64x128xf32, #tpu.memory_space<vmem>>) target(%dma_start3A_140 : memref<64x128xf32, #tpu.memory_space<vmem_shared>>) target_semaphore(%run_scoped3A : memref<!tpu.dma_semaphore, #tpu.memory_space<semaphore_mem>>)
      %dma_wait3A_141 = arith.constant 0 : i32
      %dma_wait3A_142 = tpu.memref_slice %arg21[%add3A_78, %dma_wait3A_141] : memref<10240x128xf32, #tpu.memory_space<vmem_shared>> -> memref<64x128xf32, #tpu.memory_space<vmem_shared>>
      %dma_wait3A_143 = arith.constant 0 : i32
      %dma_wait3A_144 = tpu.memref_slice %arg21[%add3A_78, %dma_wait3A_143] : memref<10240x128xf32, #tpu.memory_space<vmem_shared>> -> memref<64x128xf32, #tpu.memory_space<vmem_shared>>
      tpu.wait_dma2 semaphore(%run_scoped3A : memref<!tpu.dma_semaphore, #tpu.memory_space<semaphore_mem>>) src(%arg16 : memref<64x128xf32, #tpu.memory_space<vmem>>) dst(%dma_wait3A_144 : memref<64x128xf32, #tpu.memory_space<vmem_shared>>)
      tpu.yield
    }) : () -> ()
    %mul3A_79 = arith.constant 640 : i32
    %mul3A_80 = arith.muli %arg1, %mul3A_79 : i32
    %add3A_81 = arith.constant 512 : i32
    %add3A_82 = arith.addi %mul3A_80, %add3A_81 : i32
    "tpu.region"() ({
      %run_scoped3A = tpu.sem_alloc : memref<!tpu.dma_semaphore, #tpu.memory_space<semaphore_mem>>
      %dma_start3A_137 = arith.constant 0 : i32
      %dma_start3A_138 = tpu.memref_slice %arg21[%add3A_82, %dma_start3A_137] : memref<10240x128xf32, #tpu.memory_space<vmem_shared>> -> memref<64x128xf32, #tpu.memory_space<vmem_shared>>
      %dma_start3A_139 = arith.constant 0 : i32
      %dma_start3A_140 = tpu.memref_slice %arg21[%add3A_82, %dma_start3A_139] : memref<10240x128xf32, #tpu.memory_space<vmem_shared>> -> memref<64x128xf32, #tpu.memory_space<vmem_shared>>
      tpu.enqueue_dma source(%arg16 : memref<64x128xf32, #tpu.memory_space<vmem>>) target(%dma_start3A_140 : memref<64x128xf32, #tpu.memory_space<vmem_shared>>) target_semaphore(%run_scoped3A : memref<!tpu.dma_semaphore, #tpu.memory_space<semaphore_mem>>)
      %dma_wait3A_141 = arith.constant 0 : i32
      %dma_wait3A_142 = tpu.memref_slice %arg21[%add3A_82, %dma_wait3A_141] : memref<10240x128xf32, #tpu.memory_space<vmem_shared>> -> memref<64x128xf32, #tpu.memory_space<vmem_shared>>
      %dma_wait3A_143 = arith.constant 0 : i32
      %dma_wait3A_144 = tpu.memref_slice %arg21[%add3A_82, %dma_wait3A_143] : memref<10240x128xf32, #tpu.memory_space<vmem_shared>> -> memref<64x128xf32, #tpu.memory_space<vmem_shared>>
      tpu.wait_dma2 semaphore(%run_scoped3A : memref<!tpu.dma_semaphore, #tpu.memory_space<semaphore_mem>>) src(%arg16 : memref<64x128xf32, #tpu.memory_space<vmem>>) dst(%dma_wait3A_144 : memref<64x128xf32, #tpu.memory_space<vmem_shared>>)
      tpu.yield
    }) : () -> ()
    %mul3A_83 = arith.constant 640 : i32
    %mul3A_84 = arith.muli %arg1, %mul3A_83 : i32
    %add3A_85 = arith.constant 576 : i32
    %add3A_86 = arith.addi %mul3A_84, %add3A_85 : i32
    "tpu.region"() ({
      %run_scoped3A = tpu.sem_alloc : memref<!tpu.dma_semaphore, #tpu.memory_space<semaphore_mem>>
      %dma_start3A_137 = arith.constant 0 : i32
      %dma_start3A_138 = tpu.memref_slice %arg21[%add3A_86, %dma_start3A_137] : memref<10240x128xf32, #tpu.memory_space<vmem_shared>> -> memref<64x128xf32, #tpu.memory_space<vmem_shared>>
      %dma_start3A_139 = arith.constant 0 : i32
      %dma_start3A_140 = tpu.memref_slice %arg21[%add3A_86, %dma_start3A_139] : memref<10240x128xf32, #tpu.memory_space<vmem_shared>> -> memref<64x128xf32, #tpu.memory_space<vmem_shared>>
      tpu.enqueue_dma source(%arg16 : memref<64x128xf32, #tpu.memory_space<vmem>>) target(%dma_start3A_140 : memref<64x128xf32, #tpu.memory_space<vmem_shared>>) target_semaphore(%run_scoped3A : memref<!tpu.dma_semaphore, #tpu.memory_space<semaphore_mem>>)
      %dma_wait3A_141 = arith.constant 0 : i32
      %dma_wait3A_142 = tpu.memref_slice %arg21[%add3A_86, %dma_wait3A_141] : memref<10240x128xf32, #tpu.memory_space<vmem_shared>> -> memref<64x128xf32, #tpu.memory_space<vmem_shared>>
      %dma_wait3A_143 = arith.constant 0 : i32
      %dma_wait3A_144 = tpu.memref_slice %arg21[%add3A_86, %dma_wait3A_143] : memref<10240x128xf32, #tpu.memory_space<vmem_shared>> -> memref<64x128xf32, #tpu.memory_space<vmem_shared>>
      tpu.wait_dma2 semaphore(%run_scoped3A : memref<!tpu.dma_semaphore, #tpu.memory_space<semaphore_mem>>) src(%arg16 : memref<64x128xf32, #tpu.memory_space<vmem>>) dst(%dma_wait3A_144 : memref<64x128xf32, #tpu.memory_space<vmem_shared>>)
      tpu.yield
    }) : () -> ()
    %barrier3A = arith.constant 0 : index
    tpu.barrier barrier_id(%barrier3A)
    %scan3A_87 = arith.constant 0 : i32
    %scan3A_88 = arith.constant 0 : i32
    %scan3A_89 = arith.constant 32 : i32
    %scan3A_90 = arith.addi %scan3A_88, %scan3A_89 : i32
    %scan3A_91 = arith.constant 1 : i32
    scf.for %scan3A_137 = %scan3A_88 to %scan3A_90 step %scan3A_91  : i32 {
      %mul3A_138 = arith.constant 5 : i32
      %mul3A_139 = arith.muli %mul3A_138, %scan3A_137 : i32
      %dma_wait3A_140 = arith.constant 0 : i32
      %dma_wait3A_141 = tpu.memref_slice %arg3[%dma_wait3A_140] : memref<327680xi32, #tpu.memory_space<hbm>> -> memref<64xi32, #tpu.memory_space<hbm>>
      %dma_wait3A_142 = arith.constant 0 : i32
      %dma_wait3A_143 = tpu.memref_slice %arg3[%dma_wait3A_142] : memref<327680xi32, #tpu.memory_space<hbm>> -> memref<64xi32, #tpu.memory_space<hbm>>
      tpu.wait_dma2 semaphore(%arg22 : memref<!tpu.dma_semaphore, #tpu.memory_space<semaphore_mem>>) src(%dma_wait3A_143 : memref<64xi32, #tpu.memory_space<hbm>>) dst(%arg6 : memref<64xi32, #tpu.memory_space<vmem>>)
      %dma_wait3A_144 = arith.constant 0 : i32
      %dma_wait3A_145 = tpu.memref_slice %arg4[%dma_wait3A_144] : memref<327680xi32, #tpu.memory_space<hbm>> -> memref<64xi32, #tpu.memory_space<hbm>>
      %dma_wait3A_146 = arith.constant 0 : i32
      %dma_wait3A_147 = tpu.memref_slice %arg4[%dma_wait3A_146] : memref<327680xi32, #tpu.memory_space<hbm>> -> memref<64xi32, #tpu.memory_space<hbm>>
      tpu.wait_dma2 semaphore(%arg22 : memref<!tpu.dma_semaphore, #tpu.memory_space<semaphore_mem>>) src(%dma_wait3A_147 : memref<64xi32, #tpu.memory_space<hbm>>) dst(%arg7 : memref<64xi32, #tpu.memory_space<vmem>>)
      %dma_start3A_148 = arith.constant 0 : i32
      %dma_start3A_149 = arith.constant 0 : i32
      %dma_start3A_150 = tpu.memref_slice %arg2[%dma_start3A_148, %dma_start3A_149] : memref<10000x128xf32, #tpu.memory_space<hbm>> -> memref<10000x128xf32, #tpu.memory_space<hbm>>
      tpu.enqueue_indirect_dma source(%dma_start3A_150 : memref<10000x128xf32, #tpu.memory_space<hbm>>) target(%arg16 : memref<64x128xf32, #tpu.memory_space<vmem>>) offsets(%arg6 : memref<64xi32, #tpu.memory_space<vmem>>) semaphore(%arg22 : memref<!tpu.dma_semaphore, #tpu.memory_space<semaphore_mem>>)
      %dma_wait3A_151 = arith.constant 0 : i32
      %dma_wait3A_152 = tpu.memref_slice %arg3[%dma_wait3A_151] : memref<327680xi32, #tpu.memory_space<hbm>> -> memref<64xi32, #tpu.memory_space<hbm>>
      %dma_wait3A_153 = arith.constant 0 : i32
      %dma_wait3A_154 = tpu.memref_slice %arg3[%dma_wait3A_153] : memref<327680xi32, #tpu.memory_space<hbm>> -> memref<64xi32, #tpu.memory_space<hbm>>
      tpu.wait_dma2 semaphore(%arg23 : memref<!tpu.dma_semaphore, #tpu.memory_space<semaphore_mem>>) src(%dma_wait3A_154 : memref<64xi32, #tpu.memory_space<hbm>>) dst(%arg8 : memref<64xi32, #tpu.memory_space<vmem>>)
      %dma_wait3A_155 = arith.constant 0 : i32
      %dma_wait3A_156 = tpu.memref_slice %arg4[%dma_wait3A_155] : memref<327680xi32, #tpu.memory_space<hbm>> -> memref<64xi32, #tpu.memory_space<hbm>>
      %dma_wait3A_157 = arith.constant 0 : i32
      %dma_wait3A_158 = tpu.memref_slice %arg4[%dma_wait3A_157] : memref<327680xi32, #tpu.memory_space<hbm>> -> memref<64xi32, #tpu.memory_space<hbm>>
      tpu.wait_dma2 semaphore(%arg23 : memref<!tpu.dma_semaphore, #tpu.memory_space<semaphore_mem>>) src(%dma_wait3A_158 : memref<64xi32, #tpu.memory_space<hbm>>) dst(%arg9 : memref<64xi32, #tpu.memory_space<vmem>>)
      %dma_start3A_159 = arith.constant 0 : i32
      %dma_start3A_160 = arith.constant 0 : i32
      %dma_start3A_161 = tpu.memref_slice %arg2[%dma_start3A_159, %dma_start3A_160] : memref<10000x128xf32, #tpu.memory_space<hbm>> -> memref<10000x128xf32, #tpu.memory_space<hbm>>
      tpu.enqueue_indirect_dma source(%dma_start3A_161 : memref<10000x128xf32, #tpu.memory_space<hbm>>) target(%arg17 : memref<64x128xf32, #tpu.memory_space<vmem>>) offsets(%arg8 : memref<64xi32, #tpu.memory_space<vmem>>) semaphore(%arg23 : memref<!tpu.dma_semaphore, #tpu.memory_space<semaphore_mem>>)
      %dma_wait3A_162 = arith.constant 0 : i32
      %dma_wait3A_163 = tpu.memref_slice %arg3[%dma_wait3A_162] : memref<327680xi32, #tpu.memory_space<hbm>> -> memref<64xi32, #tpu.memory_space<hbm>>
      %dma_wait3A_164 = arith.constant 0 : i32
      %dma_wait3A_165 = tpu.memref_slice %arg3[%dma_wait3A_164] : memref<327680xi32, #tpu.memory_space<hbm>> -> memref<64xi32, #tpu.memory_space<hbm>>
      tpu.wait_dma2 semaphore(%arg24 : memref<!tpu.dma_semaphore, #tpu.memory_space<semaphore_mem>>) src(%dma_wait3A_165 : memref<64xi32, #tpu.memory_space<hbm>>) dst(%arg10 : memref<64xi32, #tpu.memory_space<vmem>>)
      %dma_wait3A_166 = arith.constant 0 : i32
      %dma_wait3A_167 = tpu.memref_slice %arg4[%dma_wait3A_166] : memref<327680xi32, #tpu.memory_space<hbm>> -> memref<64xi32, #tpu.memory_space<hbm>>
      %dma_wait3A_168 = arith.constant 0 : i32
      %dma_wait3A_169 = tpu.memref_slice %arg4[%dma_wait3A_168] : memref<327680xi32, #tpu.memory_space<hbm>> -> memref<64xi32, #tpu.memory_space<hbm>>
      tpu.wait_dma2 semaphore(%arg24 : memref<!tpu.dma_semaphore, #tpu.memory_space<semaphore_mem>>) src(%dma_wait3A_169 : memref<64xi32, #tpu.memory_space<hbm>>) dst(%arg11 : memref<64xi32, #tpu.memory_space<vmem>>)
      %dma_start3A_170 = arith.constant 0 : i32
      %dma_start3A_171 = arith.constant 0 : i32
      %dma_start3A_172 = tpu.memref_slice %arg2[%dma_start3A_170, %dma_start3A_171] : memref<10000x128xf32, #tpu.memory_space<hbm>> -> memref<10000x128xf32, #tpu.memory_space<hbm>>
      tpu.enqueue_indirect_dma source(%dma_start3A_172 : memref<10000x128xf32, #tpu.memory_space<hbm>>) target(%arg18 : memref<64x128xf32, #tpu.memory_space<vmem>>) offsets(%arg10 : memref<64xi32, #tpu.memory_space<vmem>>) semaphore(%arg24 : memref<!tpu.dma_semaphore, #tpu.memory_space<semaphore_mem>>)
      %dma_wait3A_173 = arith.constant 0 : i32
      %dma_wait3A_174 = tpu.memref_slice %arg3[%dma_wait3A_173] : memref<327680xi32, #tpu.memory_space<hbm>> -> memref<64xi32, #tpu.memory_space<hbm>>
      %dma_wait3A_175 = arith.constant 0 : i32
      %dma_wait3A_176 = tpu.memref_slice %arg3[%dma_wait3A_175] : memref<327680xi32, #tpu.memory_space<hbm>> -> memref<64xi32, #tpu.memory_space<hbm>>
      tpu.wait_dma2 semaphore(%arg25 : memref<!tpu.dma_semaphore, #tpu.memory_space<semaphore_mem>>) src(%dma_wait3A_176 : memref<64xi32, #tpu.memory_space<hbm>>) dst(%arg12 : memref<64xi32, #tpu.memory_space<vmem>>)
      %dma_wait3A_177 = arith.constant 0 : i32
      %dma_wait3A_178 = tpu.memref_slice %arg4[%dma_wait3A_177] : memref<327680xi32, #tpu.memory_space<hbm>> -> memref<64xi32, #tpu.memory_space<hbm>>
      %dma_wait3A_179 = arith.constant 0 : i32
      %dma_wait3A_180 = tpu.memref_slice %arg4[%dma_wait3A_179] : memref<327680xi32, #tpu.memory_space<hbm>> -> memref<64xi32, #tpu.memory_space<hbm>>
      tpu.wait_dma2 semaphore(%arg25 : memref<!tpu.dma_semaphore, #tpu.memory_space<semaphore_mem>>) src(%dma_wait3A_180 : memref<64xi32, #tpu.memory_space<hbm>>) dst(%arg13 : memref<64xi32, #tpu.memory_space<vmem>>)
      %dma_start3A_181 = arith.constant 0 : i32
      %dma_start3A_182 = arith.constant 0 : i32
      %dma_start3A_183 = tpu.memref_slice %arg2[%dma_start3A_181, %dma_start3A_182] : memref<10000x128xf32, #tpu.memory_space<hbm>> -> memref<10000x128xf32, #tpu.memory_space<hbm>>
      tpu.enqueue_indirect_dma source(%dma_start3A_183 : memref<10000x128xf32, #tpu.memory_space<hbm>>) target(%arg19 : memref<64x128xf32, #tpu.memory_space<vmem>>) offsets(%arg12 : memref<64xi32, #tpu.memory_space<vmem>>) semaphore(%arg25 : memref<!tpu.dma_semaphore, #tpu.memory_space<semaphore_mem>>)
      %dma_wait3A_184 = arith.constant 0 : i32
      %dma_wait3A_185 = tpu.memref_slice %arg3[%dma_wait3A_184] : memref<327680xi32, #tpu.memory_space<hbm>> -> memref<64xi32, #tpu.memory_space<hbm>>
      %dma_wait3A_186 = arith.constant 0 : i32
      %dma_wait3A_187 = tpu.memref_slice %arg3[%dma_wait3A_186] : memref<327680xi32, #tpu.memory_space<hbm>> -> memref<64xi32, #tpu.memory_space<hbm>>
      tpu.wait_dma2 semaphore(%arg26 : memref<!tpu.dma_semaphore, #tpu.memory_space<semaphore_mem>>) src(%dma_wait3A_187 : memref<64xi32, #tpu.memory_space<hbm>>) dst(%arg14 : memref<64xi32, #tpu.memory_space<vmem>>)
      %dma_wait3A_188 = arith.constant 0 : i32
      %dma_wait3A_189 = tpu.memref_slice %arg4[%dma_wait3A_188] : memref<327680xi32, #tpu.memory_space<hbm>> -> memref<64xi32, #tpu.memory_space<hbm>>
      %dma_wait3A_190 = arith.constant 0 : i32
      %dma_wait3A_191 = tpu.memref_slice %arg4[%dma_wait3A_190] : memref<327680xi32, #tpu.memory_space<hbm>> -> memref<64xi32, #tpu.memory_space<hbm>>
      tpu.wait_dma2 semaphore(%arg26 : memref<!tpu.dma_semaphore, #tpu.memory_space<semaphore_mem>>) src(%dma_wait3A_191 : memref<64xi32, #tpu.memory_space<hbm>>) dst(%arg15 : memref<64xi32, #tpu.memory_space<vmem>>)
      %dma_start3A_192 = arith.constant 0 : i32
      %dma_start3A_193 = arith.constant 0 : i32
      %dma_start3A_194 = tpu.memref_slice %arg2[%dma_start3A_192, %dma_start3A_193] : memref<10000x128xf32, #tpu.memory_space<hbm>> -> memref<10000x128xf32, #tpu.memory_space<hbm>>
      tpu.enqueue_indirect_dma source(%dma_start3A_194 : memref<10000x128xf32, #tpu.memory_space<hbm>>) target(%arg20 : memref<64x128xf32, #tpu.memory_space<vmem>>) offsets(%arg14 : memref<64xi32, #tpu.memory_space<vmem>>) semaphore(%arg26 : memref<!tpu.dma_semaphore, #tpu.memory_space<semaphore_mem>>)
      %dma_wait3A_195 = arith.constant 0 : i32
      %dma_wait3A_196 = arith.constant 0 : i32
      %dma_wait3A_197 = tpu.memref_slice %arg2[%dma_wait3A_195, %dma_wait3A_196] : memref<10000x128xf32, #tpu.memory_space<hbm>> -> memref<10000x128xf32, #tpu.memory_space<hbm>>
      tpu.wait_indirect_dma semaphore(%arg22 : memref<!tpu.dma_semaphore, #tpu.memory_space<semaphore_mem>>) src(%dma_wait3A_197 : memref<10000x128xf32, #tpu.memory_space<hbm>>) dst(%arg16 : memref<64x128xf32, #tpu.memory_space<vmem>>)
      %dma_start3A_198 = arith.constant 0 : i32
      %dma_start3A_199 = arith.constant 0 : i32
      %dma_start3A_200 = tpu.memref_slice %arg21[%dma_start3A_198, %dma_start3A_199] : memref<10240x128xf32, #tpu.memory_space<vmem_shared>> -> memref<10240x128xf32, #tpu.memory_space<vmem_shared>>
      tpu.enqueue_indirect_dma source(%arg16 : memref<64x128xf32, #tpu.memory_space<vmem>>) target(%dma_start3A_200 : memref<10240x128xf32, #tpu.memory_space<vmem_shared>>) offsets(%arg7 : memref<64xi32, #tpu.memory_space<vmem>>) semaphore(%arg22 : memref<!tpu.dma_semaphore, #tpu.memory_space<semaphore_mem>>) {add = true}
      %dma_wait3A_201 = arith.constant 0 : i32
      %dma_wait3A_202 = arith.constant 0 : i32
      %dma_wait3A_203 = tpu.memref_slice %arg2[%dma_wait3A_201, %dma_wait3A_202] : memref<10000x128xf32, #tpu.memory_space<hbm>> -> memref<10000x128xf32, #tpu.memory_space<hbm>>
      tpu.wait_indirect_dma semaphore(%arg23 : memref<!tpu.dma_semaphore, #tpu.memory_space<semaphore_mem>>) src(%dma_wait3A_203 : memref<10000x128xf32, #tpu.memory_space<hbm>>) dst(%arg17 : memref<64x128xf32, #tpu.memory_space<vmem>>)
      %dma_start3A_204 = arith.constant 0 : i32
      %dma_start3A_205 = arith.constant 0 : i32
      %dma_start3A_206 = tpu.memref_slice %arg21[%dma_start3A_204, %dma_start3A_205] : memref<10240x128xf32, #tpu.memory_space<vmem_shared>> -> memref<10240x128xf32, #tpu.memory_space<vmem_shared>>
      tpu.enqueue_indirect_dma source(%arg17 : memref<64x128xf32, #tpu.memory_space<vmem>>) target(%dma_start3A_206 : memref<10240x128xf32, #tpu.memory_space<vmem_shared>>) offsets(%arg9 : memref<64xi32, #tpu.memory_space<vmem>>) semaphore(%arg23 : memref<!tpu.dma_semaphore, #tpu.memory_space<semaphore_mem>>) {add = true}
      %dma_wait3A_207 = arith.constant 0 : i32
      %dma_wait3A_208 = arith.constant 0 : i32
      %dma_wait3A_209 = tpu.memref_slice %arg2[%dma_wait3A_207, %dma_wait3A_208] : memref<10000x128xf32, #tpu.memory_space<hbm>> -> memref<10000x128xf32, #tpu.memory_space<hbm>>
      tpu.wait_indirect_dma semaphore(%arg24 : memref<!tpu.dma_semaphore, #tpu.memory_space<semaphore_mem>>) src(%dma_wait3A_209 : memref<10000x128xf32, #tpu.memory_space<hbm>>) dst(%arg18 : memref<64x128xf32, #tpu.memory_space<vmem>>)
      %dma_start3A_210 = arith.constant 0 : i32
      %dma_start3A_211 = arith.constant 0 : i32
      %dma_start3A_212 = tpu.memref_slice %arg21[%dma_start3A_210, %dma_start3A_211] : memref<10240x128xf32, #tpu.memory_space<vmem_shared>> -> memref<10240x128xf32, #tpu.memory_space<vmem_shared>>
      tpu.enqueue_indirect_dma source(%arg18 : memref<64x128xf32, #tpu.memory_space<vmem>>) target(%dma_start3A_212 : memref<10240x128xf32, #tpu.memory_space<vmem_shared>>) offsets(%arg11 : memref<64xi32, #tpu.memory_space<vmem>>) semaphore(%arg24 : memref<!tpu.dma_semaphore, #tpu.memory_space<semaphore_mem>>) {add = true}
      %dma_wait3A_213 = arith.constant 0 : i32
      %dma_wait3A_214 = arith.constant 0 : i32
      %dma_wait3A_215 = tpu.memref_slice %arg2[%dma_wait3A_213, %dma_wait3A_214] : memref<10000x128xf32, #tpu.memory_space<hbm>> -> memref<10000x128xf32, #tpu.memory_space<hbm>>
      tpu.wait_indirect_dma semaphore(%arg25 : memref<!tpu.dma_semaphore, #tpu.memory_space<semaphore_mem>>) src(%dma_wait3A_215 : memref<10000x128xf32, #tpu.memory_space<hbm>>) dst(%arg19 : memref<64x128xf32, #tpu.memory_space<vmem>>)
      %dma_start3A_216 = arith.constant 0 : i32
      %dma_start3A_217 = arith.constant 0 : i32
      %dma_start3A_218 = tpu.memref_slice %arg21[%dma_start3A_216, %dma_start3A_217] : memref<10240x128xf32, #tpu.memory_space<vmem_shared>> -> memref<10240x128xf32, #tpu.memory_space<vmem_shared>>
      tpu.enqueue_indirect_dma source(%arg19 : memref<64x128xf32, #tpu.memory_space<vmem>>) target(%dma_start3A_218 : memref<10240x128xf32, #tpu.memory_space<vmem_shared>>) offsets(%arg13 : memref<64xi32, #tpu.memory_space<vmem>>) semaphore(%arg25 : memref<!tpu.dma_semaphore, #tpu.memory_space<semaphore_mem>>) {add = true}
      %dma_wait3A_219 = arith.constant 0 : i32
      %dma_wait3A_220 = arith.constant 0 : i32
      %dma_wait3A_221 = tpu.memref_slice %arg2[%dma_wait3A_219, %dma_wait3A_220] : memref<10000x128xf32, #tpu.memory_space<hbm>> -> memref<10000x128xf32, #tpu.memory_space<hbm>>
      tpu.wait_indirect_dma semaphore(%arg26 : memref<!tpu.dma_semaphore, #tpu.memory_space<semaphore_mem>>) src(%dma_wait3A_221 : memref<10000x128xf32, #tpu.memory_space<hbm>>) dst(%arg20 : memref<64x128xf32, #tpu.memory_space<vmem>>)
      %dma_start3A_222 = arith.constant 0 : i32
      %dma_start3A_223 = arith.constant 0 : i32
      %dma_start3A_224 = tpu.memref_slice %arg21[%dma_start3A_222, %dma_start3A_223] : memref<10240x128xf32, #tpu.memory_space<vmem_shared>> -> memref<10240x128xf32, #tpu.memory_space<vmem_shared>>
      tpu.enqueue_indirect_dma source(%arg20 : memref<64x128xf32, #tpu.memory_space<vmem>>) target(%dma_start3A_224 : memref<10240x128xf32, #tpu.memory_space<vmem_shared>>) offsets(%arg15 : memref<64xi32, #tpu.memory_space<vmem>>) semaphore(%arg26 : memref<!tpu.dma_semaphore, #tpu.memory_space<semaphore_mem>>) {add = true}
      %dma_wait3A_225 = arith.constant 0 : i32
      %dma_wait3A_226 = arith.constant 0 : i32
      %dma_wait3A_227 = tpu.memref_slice %arg21[%dma_wait3A_225, %dma_wait3A_226] : memref<10240x128xf32, #tpu.memory_space<vmem_shared>> -> memref<10240x128xf32, #tpu.memory_space<vmem_shared>>
      tpu.wait_indirect_dma semaphore(%arg22 : memref<!tpu.dma_semaphore, #tpu.memory_space<semaphore_mem>>) src(%arg16 : memref<64x128xf32, #tpu.memory_space<vmem>>) dst(%dma_wait3A_227 : memref<10240x128xf32, #tpu.memory_space<vmem_shared>>)
      %add3A_228 = arith.constant 5 : i32
      %add3A_229 = arith.addi %mul3A_139, %add3A_228 : i32
      %add3A_230 = arith.constant 0 : i32
      %add3A_231 = arith.addi %add3A_229, %add3A_230 : i32
      %mul3A_232 = arith.constant 64 : i32
      %mul3A_233 = arith.muli %add3A_231, %mul3A_232 : i32
      %add3A_234 = arith.addi %mul3A_2, %mul3A_233 : i32
      %min3A_235 = arith.constant 327616 : i32
      %min3A_236 = arith.minsi %add3A_234, %min3A_235 : i32
      %dma_start3A_237 = tpu.memref_slice %arg3[%min3A_236] : memref<327680xi32, #tpu.memory_space<hbm>> -> memref<64xi32, #tpu.memory_space<hbm>>
      %dma_start3A_238 = tpu.memref_slice %arg3[%min3A_236] : memref<327680xi32, #tpu.memory_space<hbm>> -> memref<64xi32, #tpu.memory_space<hbm>>
      tpu.enqueue_dma source(%dma_start3A_238 : memref<64xi32, #tpu.memory_space<hbm>>) target(%arg6 : memref<64xi32, #tpu.memory_space<vmem>>) target_semaphore(%arg22 : memref<!tpu.dma_semaphore, #tpu.memory_space<semaphore_mem>>)
      %dma_start3A_239 = tpu.memref_slice %arg4[%min3A_236] : memref<327680xi32, #tpu.memory_space<hbm>> -> memref<64xi32, #tpu.memory_space<hbm>>
      %dma_start3A_240 = tpu.memref_slice %arg4[%min3A_236] : memref<327680xi32, #tpu.memory_space<hbm>> -> memref<64xi32, #tpu.memory_space<hbm>>
      tpu.enqueue_dma source(%dma_start3A_240 : memref<64xi32, #tpu.memory_space<hbm>>) target(%arg7 : memref<64xi32, #tpu.memory_space<vmem>>) target_semaphore(%arg22 : memref<!tpu.dma_semaphore, #tpu.memory_space<semaphore_mem>>)
      %dma_wait3A_241 = arith.constant 0 : i32
      %dma_wait3A_242 = arith.constant 0 : i32
      %dma_wait3A_243 = tpu.memref_slice %arg21[%dma_wait3A_241, %dma_wait3A_242] : memref<10240x128xf32, #tpu.memory_space<vmem_shared>> -> memref<10240x128xf32, #tpu.memory_space<vmem_shared>>
      tpu.wait_indirect_dma semaphore(%arg23 : memref<!tpu.dma_semaphore, #tpu.memory_space<semaphore_mem>>) src(%arg17 : memref<64x128xf32, #tpu.memory_space<vmem>>) dst(%dma_wait3A_243 : memref<10240x128xf32, #tpu.memory_space<vmem_shared>>)
      %add3A_244 = arith.constant 5 : i32
      %add3A_245 = arith.addi %mul3A_139, %add3A_244 : i32
      %add3A_246 = arith.constant 1 : i32
      %add3A_247 = arith.addi %add3A_245, %add3A_246 : i32
      %mul3A_248 = arith.constant 64 : i32
      %mul3A_249 = arith.muli %add3A_247, %mul3A_248 : i32
      %add3A_250 = arith.addi %mul3A_2, %mul3A_249 : i32
      %min3A_251 = arith.constant 327616 : i32
      %min3A_252 = arith.minsi %add3A_250, %min3A_251 : i32
      %dma_start3A_253 = tpu.memref_slice %arg3[%min3A_252] : memref<327680xi32, #tpu.memory_space<hbm>> -> memref<64xi32, #tpu.memory_space<hbm>>
      %dma_start3A_254 = tpu.memref_slice %arg3[%min3A_252] : memref<327680xi32, #tpu.memory_space<hbm>> -> memref<64xi32, #tpu.memory_space<hbm>>
      tpu.enqueue_dma source(%dma_start3A_254 : memref<64xi32, #tpu.memory_space<hbm>>) target(%arg8 : memref<64xi32, #tpu.memory_space<vmem>>) target_semaphore(%arg23 : memref<!tpu.dma_semaphore, #tpu.memory_space<semaphore_mem>>)
      %dma_start3A_255 = tpu.memref_slice %arg4[%min3A_252] : memref<327680xi32, #tpu.memory_space<hbm>> -> memref<64xi32, #tpu.memory_space<hbm>>
      %dma_start3A_256 = tpu.memref_slice %arg4[%min3A_252] : memref<327680xi32, #tpu.memory_space<hbm>> -> memref<64xi32, #tpu.memory_space<hbm>>
      tpu.enqueue_dma source(%dma_start3A_256 : memref<64xi32, #tpu.memory_space<hbm>>) target(%arg9 : memref<64xi32, #tpu.memory_space<vmem>>) target_semaphore(%arg23 : memref<!tpu.dma_semaphore, #tpu.memory_space<semaphore_mem>>)
      %dma_wait3A_257 = arith.constant 0 : i32
      %dma_wait3A_258 = arith.constant 0 : i32
      %dma_wait3A_259 = tpu.memref_slice %arg21[%dma_wait3A_257, %dma_wait3A_258] : memref<10240x128xf32, #tpu.memory_space<vmem_shared>> -> memref<10240x128xf32, #tpu.memory_space<vmem_shared>>
      tpu.wait_indirect_dma semaphore(%arg24 : memref<!tpu.dma_semaphore, #tpu.memory_space<semaphore_mem>>) src(%arg18 : memref<64x128xf32, #tpu.memory_space<vmem>>) dst(%dma_wait3A_259 : memref<10240x128xf32, #tpu.memory_space<vmem_shared>>)
      %add3A_260 = arith.constant 5 : i32
      %add3A_261 = arith.addi %mul3A_139, %add3A_260 : i32
      %add3A_262 = arith.constant 2 : i32
      %add3A_263 = arith.addi %add3A_261, %add3A_262 : i32
      %mul3A_264 = arith.constant 64 : i32
      %mul3A_265 = arith.muli %add3A_263, %mul3A_264 : i32
      %add3A_266 = arith.addi %mul3A_2, %mul3A_265 : i32
      %min3A_267 = arith.constant 327616 : i32
      %min3A_268 = arith.minsi %add3A_266, %min3A_267 : i32
      %dma_start3A_269 = tpu.memref_slice %arg3[%min3A_268] : memref<327680xi32, #tpu.memory_space<hbm>> -> memref<64xi32, #tpu.memory_space<hbm>>
      %dma_start3A_270 = tpu.memref_slice %arg3[%min3A_268] : memref<327680xi32, #tpu.memory_space<hbm>> -> memref<64xi32, #tpu.memory_space<hbm>>
      tpu.enqueue_dma source(%dma_start3A_270 : memref<64xi32, #tpu.memory_space<hbm>>) target(%arg10 : memref<64xi32, #tpu.memory_space<vmem>>) target_semaphore(%arg24 : memref<!tpu.dma_semaphore, #tpu.memory_space<semaphore_mem>>)
      %dma_start3A_271 = tpu.memref_slice %arg4[%min3A_268] : memref<327680xi32, #tpu.memory_space<hbm>> -> memref<64xi32, #tpu.memory_space<hbm>>
      %dma_start3A_272 = tpu.memref_slice %arg4[%min3A_268] : memref<327680xi32, #tpu.memory_space<hbm>> -> memref<64xi32, #tpu.memory_space<hbm>>
      tpu.enqueue_dma source(%dma_start3A_272 : memref<64xi32, #tpu.memory_space<hbm>>) target(%arg11 : memref<64xi32, #tpu.memory_space<vmem>>) target_semaphore(%arg24 : memref<!tpu.dma_semaphore, #tpu.memory_space<semaphore_mem>>)
      %dma_wait3A_273 = arith.constant 0 : i32
      %dma_wait3A_274 = arith.constant 0 : i32
      %dma_wait3A_275 = tpu.memref_slice %arg21[%dma_wait3A_273, %dma_wait3A_274] : memref<10240x128xf32, #tpu.memory_space<vmem_shared>> -> memref<10240x128xf32, #tpu.memory_space<vmem_shared>>
      tpu.wait_indirect_dma semaphore(%arg25 : memref<!tpu.dma_semaphore, #tpu.memory_space<semaphore_mem>>) src(%arg19 : memref<64x128xf32, #tpu.memory_space<vmem>>) dst(%dma_wait3A_275 : memref<10240x128xf32, #tpu.memory_space<vmem_shared>>)
      %add3A_276 = arith.constant 5 : i32
      %add3A_277 = arith.addi %mul3A_139, %add3A_276 : i32
      %add3A_278 = arith.constant 3 : i32
      %add3A_279 = arith.addi %add3A_277, %add3A_278 : i32
      %mul3A_280 = arith.constant 64 : i32
      %mul3A_281 = arith.muli %add3A_279, %mul3A_280 : i32
      %add3A_282 = arith.addi %mul3A_2, %mul3A_281 : i32
      %min3A_283 = arith.constant 327616 : i32
      %min3A_284 = arith.minsi %add3A_282, %min3A_283 : i32
      %dma_start3A_285 = tpu.memref_slice %arg3[%min3A_284] : memref<327680xi32, #tpu.memory_space<hbm>> -> memref<64xi32, #tpu.memory_space<hbm>>
      %dma_start3A_286 = tpu.memref_slice %arg3[%min3A_284] : memref<327680xi32, #tpu.memory_space<hbm>> -> memref<64xi32, #tpu.memory_space<hbm>>
      tpu.enqueue_dma source(%dma_start3A_286 : memref<64xi32, #tpu.memory_space<hbm>>) target(%arg12 : memref<64xi32, #tpu.memory_space<vmem>>) target_semaphore(%arg25 : memref<!tpu.dma_semaphore, #tpu.memory_space<semaphore_mem>>)
      %dma_start3A_287 = tpu.memref_slice %arg4[%min3A_284] : memref<327680xi32, #tpu.memory_space<hbm>> -> memref<64xi32, #tpu.memory_space<hbm>>
      %dma_start3A_288 = tpu.memref_slice %arg4[%min3A_284] : memref<327680xi32, #tpu.memory_space<hbm>> -> memref<64xi32, #tpu.memory_space<hbm>>
      tpu.enqueue_dma source(%dma_start3A_288 : memref<64xi32, #tpu.memory_space<hbm>>) target(%arg13 : memref<64xi32, #tpu.memory_space<vmem>>) target_semaphore(%arg25 : memref<!tpu.dma_semaphore, #tpu.memory_space<semaphore_mem>>)
      %dma_wait3A_289 = arith.constant 0 : i32
      %dma_wait3A_290 = arith.constant 0 : i32
      %dma_wait3A_291 = tpu.memref_slice %arg21[%dma_wait3A_289, %dma_wait3A_290] : memref<10240x128xf32, #tpu.memory_space<vmem_shared>> -> memref<10240x128xf32, #tpu.memory_space<vmem_shared>>
      tpu.wait_indirect_dma semaphore(%arg26 : memref<!tpu.dma_semaphore, #tpu.memory_space<semaphore_mem>>) src(%arg20 : memref<64x128xf32, #tpu.memory_space<vmem>>) dst(%dma_wait3A_291 : memref<10240x128xf32, #tpu.memory_space<vmem_shared>>)
      %add3A_292 = arith.constant 5 : i32
      %add3A_293 = arith.addi %mul3A_139, %add3A_292 : i32
      %add3A_294 = arith.constant 4 : i32
      %add3A_295 = arith.addi %add3A_293, %add3A_294 : i32
      %mul3A_296 = arith.constant 64 : i32
      %mul3A_297 = arith.muli %add3A_295, %mul3A_296 : i32
      %add3A_298 = arith.addi %mul3A_2, %mul3A_297 : i32
      %min3A_299 = arith.constant 327616 : i32
      %min3A_300 = arith.minsi %add3A_298, %min3A_299 : i32
      %dma_start3A_301 = tpu.memref_slice %arg3[%min3A_300] : memref<327680xi32, #tpu.memory_space<hbm>> -> memref<64xi32, #tpu.memory_space<hbm>>
      %dma_start3A_302 = tpu.memref_slice %arg3[%min3A_300] : memref<327680xi32, #tpu.memory_space<hbm>> -> memref<64xi32, #tpu.memory_space<hbm>>
      tpu.enqueue_dma source(%dma_start3A_302 : memref<64xi32, #tpu.memory_space<hbm>>) target(%arg14 : memref<64xi32, #tpu.memory_space<vmem>>) target_semaphore(%arg26 : memref<!tpu.dma_semaphore, #tpu.memory_space<semaphore_mem>>)
      %dma_start3A_303 = tpu.memref_slice %arg4[%min3A_300] : memref<327680xi32, #tpu.memory_space<hbm>> -> memref<64xi32, #tpu.memory_space<hbm>>
      %dma_start3A_304 = tpu.memref_slice %arg4[%min3A_300] : memref<327680xi32, #tpu.memory_space<hbm>> -> memref<64xi32, #tpu.memory_space<hbm>>
      tpu.enqueue_dma source(%dma_start3A_304 : memref<64xi32, #tpu.memory_space<hbm>>) target(%arg15 : memref<64xi32, #tpu.memory_space<vmem>>) target_semaphore(%arg26 : memref<!tpu.dma_semaphore, #tpu.memory_space<semaphore_mem>>)
    }
    %scan3A_92 = arith.constant 32 : i32
    %dma_wait3A = arith.constant 0 : i32
    %dma_wait3A_93 = tpu.memref_slice %arg3[%dma_wait3A] : memref<327680xi32, #tpu.memory_space<hbm>> -> memref<64xi32, #tpu.memory_space<hbm>>
    %dma_wait3A_94 = arith.constant 0 : i32
    %dma_wait3A_95 = tpu.memref_slice %arg3[%dma_wait3A_94] : memref<327680xi32, #tpu.memory_space<hbm>> -> memref<64xi32, #tpu.memory_space<hbm>>
    tpu.wait_dma2 semaphore(%arg22 : memref<!tpu.dma_semaphore, #tpu.memory_space<semaphore_mem>>) src(%dma_wait3A_95 : memref<64xi32, #tpu.memory_space<hbm>>) dst(%arg6 : memref<64xi32, #tpu.memory_space<vmem>>)
    %dma_wait3A_96 = arith.constant 0 : i32
    %dma_wait3A_97 = tpu.memref_slice %arg4[%dma_wait3A_96] : memref<327680xi32, #tpu.memory_space<hbm>> -> memref<64xi32, #tpu.memory_space<hbm>>
    %dma_wait3A_98 = arith.constant 0 : i32
    %dma_wait3A_99 = tpu.memref_slice %arg4[%dma_wait3A_98] : memref<327680xi32, #tpu.memory_space<hbm>> -> memref<64xi32, #tpu.memory_space<hbm>>
    tpu.wait_dma2 semaphore(%arg22 : memref<!tpu.dma_semaphore, #tpu.memory_space<semaphore_mem>>) src(%dma_wait3A_99 : memref<64xi32, #tpu.memory_space<hbm>>) dst(%arg7 : memref<64xi32, #tpu.memory_space<vmem>>)
    %dma_wait3A_100 = arith.constant 0 : i32
    %dma_wait3A_101 = tpu.memref_slice %arg3[%dma_wait3A_100] : memref<327680xi32, #tpu.memory_space<hbm>> -> memref<64xi32, #tpu.memory_space<hbm>>
    %dma_wait3A_102 = arith.constant 0 : i32
    %dma_wait3A_103 = tpu.memref_slice %arg3[%dma_wait3A_102] : memref<327680xi32, #tpu.memory_space<hbm>> -> memref<64xi32, #tpu.memory_space<hbm>>
    tpu.wait_dma2 semaphore(%arg23 : memref<!tpu.dma_semaphore, #tpu.memory_space<semaphore_mem>>) src(%dma_wait3A_103 : memref<64xi32, #tpu.memory_space<hbm>>) dst(%arg8 : memref<64xi32, #tpu.memory_space<vmem>>)
    %dma_wait3A_104 = arith.constant 0 : i32
    %dma_wait3A_105 = tpu.memref_slice %arg4[%dma_wait3A_104] : memref<327680xi32, #tpu.memory_space<hbm>> -> memref<64xi32, #tpu.memory_space<hbm>>
    %dma_wait3A_106 = arith.constant 0 : i32
    %dma_wait3A_107 = tpu.memref_slice %arg4[%dma_wait3A_106] : memref<327680xi32, #tpu.memory_space<hbm>> -> memref<64xi32, #tpu.memory_space<hbm>>
    tpu.wait_dma2 semaphore(%arg23 : memref<!tpu.dma_semaphore, #tpu.memory_space<semaphore_mem>>) src(%dma_wait3A_107 : memref<64xi32, #tpu.memory_space<hbm>>) dst(%arg9 : memref<64xi32, #tpu.memory_space<vmem>>)
    %dma_wait3A_108 = arith.constant 0 : i32
    %dma_wait3A_109 = tpu.memref_slice %arg3[%dma_wait3A_108] : memref<327680xi32, #tpu.memory_space<hbm>> -> memref<64xi32, #tpu.memory_space<hbm>>
    %dma_wait3A_110 = arith.constant 0 : i32
    %dma_wait3A_111 = tpu.memref_slice %arg3[%dma_wait3A_110] : memref<327680xi32, #tpu.memory_space<hbm>> -> memref<64xi32, #tpu.memory_space<hbm>>
    tpu.wait_dma2 semaphore(%arg24 : memref<!tpu.dma_semaphore, #tpu.memory_space<semaphore_mem>>) src(%dma_wait3A_111 : memref<64xi32, #tpu.memory_space<hbm>>) dst(%arg10 : memref<64xi32, #tpu.memory_space<vmem>>)
    %dma_wait3A_112 = arith.constant 0 : i32
    %dma_wait3A_113 = tpu.memref_slice %arg4[%dma_wait3A_112] : memref<327680xi32, #tpu.memory_space<hbm>> -> memref<64xi32, #tpu.memory_space<hbm>>
    %dma_wait3A_114 = arith.constant 0 : i32
    %dma_wait3A_115 = tpu.memref_slice %arg4[%dma_wait3A_114] : memref<327680xi32, #tpu.memory_space<hbm>> -> memref<64xi32, #tpu.memory_space<hbm>>
    tpu.wait_dma2 semaphore(%arg24 : memref<!tpu.dma_semaphore, #tpu.memory_space<semaphore_mem>>) src(%dma_wait3A_115 : memref<64xi32, #tpu.memory_space<hbm>>) dst(%arg11 : memref<64xi32, #tpu.memory_space<vmem>>)
    %dma_wait3A_116 = arith.constant 0 : i32
    %dma_wait3A_117 = tpu.memref_slice %arg3[%dma_wait3A_116] : memref<327680xi32, #tpu.memory_space<hbm>> -> memref<64xi32, #tpu.memory_space<hbm>>
    %dma_wait3A_118 = arith.constant 0 : i32
    %dma_wait3A_119 = tpu.memref_slice %arg3[%dma_wait3A_118] : memref<327680xi32, #tpu.memory_space<hbm>> -> memref<64xi32, #tpu.memory_space<hbm>>
    tpu.wait_dma2 semaphore(%arg25 : memref<!tpu.dma_semaphore, #tpu.memory_space<semaphore_mem>>) src(%dma_wait3A_119 : memref<64xi32, #tpu.memory_space<hbm>>) dst(%arg12 : memref<64xi32, #tpu.memory_space<vmem>>)
    %dma_wait3A_120 = arith.constant 0 : i32
    %dma_wait3A_121 = tpu.memref_slice %arg4[%dma_wait3A_120] : memref<327680xi32, #tpu.memory_space<hbm>> -> memref<64xi32, #tpu.memory_space<hbm>>
    %dma_wait3A_122 = arith.constant 0 : i32
    %dma_wait3A_123 = tpu.memref_slice %arg4[%dma_wait3A_122] : memref<327680xi32, #tpu.memory_space<hbm>> -> memref<64xi32, #tpu.memory_space<hbm>>
    tpu.wait_dma2 semaphore(%arg25 : memref<!tpu.dma_semaphore, #tpu.memory_space<semaphore_mem>>) src(%dma_wait3A_123 : memref<64xi32, #tpu.memory_space<hbm>>) dst(%arg13 : memref<64xi32, #tpu.memory_space<vmem>>)
    %dma_wait3A_124 = arith.constant 0 : i32
    %dma_wait3A_125 = tpu.memref_slice %arg3[%dma_wait3A_124] : memref<327680xi32, #tpu.memory_space<hbm>> -> memref<64xi32, #tpu.memory_space<hbm>>
    %dma_wait3A_126 = arith.constant 0 : i32
    %dma_wait3A_127 = tpu.memref_slice %arg3[%dma_wait3A_126] : memref<327680xi32, #tpu.memory_space<hbm>> -> memref<64xi32, #tpu.memory_space<hbm>>
    tpu.wait_dma2 semaphore(%arg26 : memref<!tpu.dma_semaphore, #tpu.memory_space<semaphore_mem>>) src(%dma_wait3A_127 : memref<64xi32, #tpu.memory_space<hbm>>) dst(%arg14 : memref<64xi32, #tpu.memory_space<vmem>>)
    %dma_wait3A_128 = arith.constant 0 : i32
    %dma_wait3A_129 = tpu.memref_slice %arg4[%dma_wait3A_128] : memref<327680xi32, #tpu.memory_space<hbm>> -> memref<64xi32, #tpu.memory_space<hbm>>
    %dma_wait3A_130 = arith.constant 0 : i32
    %dma_wait3A_131 = tpu.memref_slice %arg4[%dma_wait3A_130] : memref<327680xi32, #tpu.memory_space<hbm>> -> memref<64xi32, #tpu.memory_space<hbm>>
    tpu.wait_dma2 semaphore(%arg26 : memref<!tpu.dma_semaphore, #tpu.memory_space<semaphore_mem>>) src(%dma_wait3A_131 : memref<64xi32, #tpu.memory_space<hbm>>) dst(%arg15 : memref<64xi32, #tpu.memory_space<vmem>>)
    %barrier3A_132 = arith.constant 0 : index
    tpu.barrier barrier_id(%barrier3A_132)
    %mul3A_133 = arith.constant 640 : i32
    %mul3A_134 = arith.muli %arg1, %mul3A_133 : i32
    %mul3A_135 = arith.constant 640 : i32
    %mul3A_136 = arith.muli %arg1, %mul3A_135 : i32
    "tpu.region"() ({
      %run_scoped3A = tpu.sem_alloc : memref<!tpu.dma_semaphore, #tpu.memory_space<semaphore_mem>>
      %dma_start3A_137 = arith.constant 0 : i32
      %dma_start3A_138 = tpu.memref_slice %arg5[%arg0, %mul3A_136, %dma_start3A_137] : memref<2x10240x128xf32, #tpu.memory_space<hbm>> -> memref<1x640x128xf32, #tpu.memory_space<hbm>>
      %dma_start3A_139 = tpu.memref_squeeze %dma_start3A_138 : memref<1x640x128xf32, #tpu.memory_space<hbm>> -> memref<640x128xf32, #tpu.memory_space<hbm>>
      %dma_start3A_140 = arith.constant 0 : i32
      %dma_start3A_141 = tpu.memref_slice %arg21[%mul3A_134, %dma_start3A_140] : memref<10240x128xf32, #tpu.memory_space<vmem_shared>> -> memref<640x128xf32, #tpu.memory_space<vmem_shared>>
      tpu.enqueue_dma source(%dma_start3A_141 : memref<640x128xf32, #tpu.memory_space<vmem_shared>>) target(%dma_start3A_139 : memref<640x128xf32, #tpu.memory_space<hbm>>) target_semaphore(%run_scoped3A : memref<!tpu.dma_semaphore, #tpu.memory_space<semaphore_mem>>)
      %dma_wait3A_142 = arith.constant 0 : i32
      %dma_wait3A_143 = tpu.memref_slice %arg5[%arg0, %mul3A_136, %dma_wait3A_142] : memref<2x10240x128xf32, #tpu.memory_space<hbm>> -> memref<1x640x128xf32, #tpu.memory_space<hbm>>
      %dma_wait3A_144 = tpu.memref_squeeze %dma_wait3A_143 : memref<1x640x128xf32, #tpu.memory_space<hbm>> -> memref<640x128xf32, #tpu.memory_space<hbm>>
      %dma_wait3A_145 = arith.constant 0 : i32
      %dma_wait3A_146 = tpu.memref_slice %arg21[%mul3A_134, %dma_wait3A_145] : memref<10240x128xf32, #tpu.memory_space<vmem_shared>> -> memref<640x128xf32, #tpu.memory_space<vmem_shared>>
      tpu.wait_dma2 semaphore(%run_scoped3A : memref<!tpu.dma_semaphore, #tpu.memory_space<semaphore_mem>>) src(%dma_wait3A_146 : memref<640x128xf32, #tpu.memory_space<vmem_shared>>) dst(%dma_wait3A_144 : memref<640x128xf32, #tpu.memory_space<hbm>>)
      tpu.yield
    }) : () -> ()
    return
  }
}

#map = affine_map<(d0, d1) -> (0, 0)>
#map1 = affine_map<(d0, d1) -> (0)>
#map2 = affine_map<(d0, d1) -> (0, 0, 0)>
module attributes {stable_mosaic.version = 14 : i64} {
  func.func @_sc_agg_body(%arg0: i32, %arg1: i32, %arg2: memref<10000x128xf32, #tpu.memory_space<hbm>>, %arg3: memref<327680xi32, #tpu.memory_space<hbm>>, %arg4: memref<327680xi32, #tpu.memory_space<hbm>>, %arg5: memref<2x10240x128xf32, #tpu.memory_space<hbm>>, %arg6: memref<64xi32, #tpu.memory_space<vmem>>, %arg7: memref<64xi32, #tpu.memory_space<vmem>>, %arg8: memref<64xi32, #tpu.memory_space<vmem>>, %arg9: memref<64xi32, #tpu.memory_space<vmem>>, %arg10: memref<64xi32, #tpu.memory_space<vmem>>, %arg11: memref<64xi32, #tpu.memory_space<vmem>>, %arg12: memref<64xi32, #tpu.memory_space<vmem>>, %arg13: memref<64xi32, #tpu.memory_space<vmem>>, %arg14: memref<64xi32, #tpu.memory_space<vmem>>, %arg15: memref<64xi32, #tpu.memory_space<vmem>>, %arg16: memref<64x128xf32, #tpu.memory_space<vmem>>, %arg17: memref<64x128xf32, #tpu.memory_space<vmem>>, %arg18: memref<64x128xf32, #tpu.memory_space<vmem>>, %arg19: memref<64x128xf32, #tpu.memory_space<vmem>>, %arg20: memref<64x128xf32, #tpu.memory_space<vmem>>, %arg21: memref<10240x128xf32, #tpu.memory_space<vmem_shared>>, %arg22: memref<!tpu.dma_semaphore, #tpu.memory_space<semaphore_mem>>, %arg23: memref<!tpu.dma_semaphore, #tpu.memory_space<semaphore_mem>>, %arg24: memref<!tpu.dma_semaphore, #tpu.memory_space<semaphore_mem>>, %arg25: memref<!tpu.dma_semaphore, #tpu.memory_space<semaphore_mem>>, %arg26: memref<!tpu.dma_semaphore, #tpu.memory_space<semaphore_mem>>) attributes {dimension_semantics = [#tpu.dimension_semantics<core_parallel>, #tpu.dimension_semantics<subcore_parallel>], iteration_bounds = array<i64: 2, 16>, scalar_prefetch = 0 : i64, scratch_operands = 21 : i64, tpu.core_type = #tpu.core_type<sc_vector_subcore>, window_params = [{transform_indices = #map}, {transform_indices = #map1}, {transform_indices = #map1}, {transform_indices = #map2}]} {
    %mul3A = arith.constant 16 : i32
    %mul3A_0 = arith.muli %arg0, %mul3A : i32
    %add3A = arith.addi %mul3A_0, %arg1 : i32
    %mul3A_1 = arith.constant 10240 : i32
    %mul3A_2 = arith.muli %add3A, %mul3A_1 : i32
    %add3A_3 = arith.constant 0 : i32
    %add3A_4 = arith.addi %mul3A_2, %add3A_3 : i32
    %min3A = arith.constant 327616 : i32
    %min3A_5 = arith.minsi %add3A_4, %min3A : i32
    %dma_start3A = tpu.memref_slice %arg3[%min3A_5] : memref<327680xi32, #tpu.memory_space<hbm>> -> memref<64xi32, #tpu.memory_space<hbm>>
    %dma_start3A_6 = tpu.memref_slice %arg3[%min3A_5] : memref<327680xi32, #tpu.memory_space<hbm>> -> memref<64xi32, #tpu.memory_space<hbm>>
    tpu.enqueue_dma source(%dma_start3A_6 : memref<64xi32, #tpu.memory_space<hbm>>) target(%arg6 : memref<64xi32, #tpu.memory_space<vmem>>) target_semaphore(%arg22 : memref<!tpu.dma_semaphore, #tpu.memory_space<semaphore_mem>>)
    %dma_start3A_7 = tpu.memref_slice %arg4[%min3A_5] : memref<327680xi32, #tpu.memory_space<hbm>> -> memref<64xi32, #tpu.memory_space<hbm>>
    %dma_start3A_8 = tpu.memref_slice %arg4[%min3A_5] : memref<327680xi32, #tpu.memory_space<hbm>> -> memref<64xi32, #tpu.memory_space<hbm>>
    tpu.enqueue_dma source(%dma_start3A_8 : memref<64xi32, #tpu.memory_space<hbm>>) target(%arg7 : memref<64xi32, #tpu.memory_space<vmem>>) target_semaphore(%arg22 : memref<!tpu.dma_semaphore, #tpu.memory_space<semaphore_mem>>)
    %add3A_9 = arith.constant 64 : i32
    %add3A_10 = arith.addi %mul3A_2, %add3A_9 : i32
    %min3A_11 = arith.constant 327616 : i32
    %min3A_12 = arith.minsi %add3A_10, %min3A_11 : i32
    %dma_start3A_13 = tpu.memref_slice %arg3[%min3A_12] : memref<327680xi32, #tpu.memory_space<hbm>> -> memref<64xi32, #tpu.memory_space<hbm>>
    %dma_start3A_14 = tpu.memref_slice %arg3[%min3A_12] : memref<327680xi32, #tpu.memory_space<hbm>> -> memref<64xi32, #tpu.memory_space<hbm>>
    tpu.enqueue_dma source(%dma_start3A_14 : memref<64xi32, #tpu.memory_space<hbm>>) target(%arg8 : memref<64xi32, #tpu.memory_space<vmem>>) target_semaphore(%arg23 : memref<!tpu.dma_semaphore, #tpu.memory_space<semaphore_mem>>)
    %dma_start3A_15 = tpu.memref_slice %arg4[%min3A_12] : memref<327680xi32, #tpu.memory_space<hbm>> -> memref<64xi32, #tpu.memory_space<hbm>>
    %dma_start3A_16 = tpu.memref_slice %arg4[%min3A_12] : memref<327680xi32, #tpu.memory_space<hbm>> -> memref<64xi32, #tpu.memory_space<hbm>>
    tpu.enqueue_dma source(%dma_start3A_16 : memref<64xi32, #tpu.memory_space<hbm>>) target(%arg9 : memref<64xi32, #tpu.memory_space<vmem>>) target_semaphore(%arg23 : memref<!tpu.dma_semaphore, #tpu.memory_space<semaphore_mem>>)
    %add3A_17 = arith.constant 128 : i32
    %add3A_18 = arith.addi %mul3A_2, %add3A_17 : i32
    %min3A_19 = arith.constant 327616 : i32
    %min3A_20 = arith.minsi %add3A_18, %min3A_19 : i32
    %dma_start3A_21 = tpu.memref_slice %arg3[%min3A_20] : memref<327680xi32, #tpu.memory_space<hbm>> -> memref<64xi32, #tpu.memory_space<hbm>>
    %dma_start3A_22 = tpu.memref_slice %arg3[%min3A_20] : memref<327680xi32, #tpu.memory_space<hbm>> -> memref<64xi32, #tpu.memory_space<hbm>>
    tpu.enqueue_dma source(%dma_start3A_22 : memref<64xi32, #tpu.memory_space<hbm>>) target(%arg10 : memref<64xi32, #tpu.memory_space<vmem>>) target_semaphore(%arg24 : memref<!tpu.dma_semaphore, #tpu.memory_space<semaphore_mem>>)
    %dma_start3A_23 = tpu.memref_slice %arg4[%min3A_20] : memref<327680xi32, #tpu.memory_space<hbm>> -> memref<64xi32, #tpu.memory_space<hbm>>
    %dma_start3A_24 = tpu.memref_slice %arg4[%min3A_20] : memref<327680xi32, #tpu.memory_space<hbm>> -> memref<64xi32, #tpu.memory_space<hbm>>
    tpu.enqueue_dma source(%dma_start3A_24 : memref<64xi32, #tpu.memory_space<hbm>>) target(%arg11 : memref<64xi32, #tpu.memory_space<vmem>>) target_semaphore(%arg24 : memref<!tpu.dma_semaphore, #tpu.memory_space<semaphore_mem>>)
    %add3A_25 = arith.constant 192 : i32
    %add3A_26 = arith.addi %mul3A_2, %add3A_25 : i32
    %min3A_27 = arith.constant 327616 : i32
    %min3A_28 = arith.minsi %add3A_26, %min3A_27 : i32
    %dma_start3A_29 = tpu.memref_slice %arg3[%min3A_28] : memref<327680xi32, #tpu.memory_space<hbm>> -> memref<64xi32, #tpu.memory_space<hbm>>
    %dma_start3A_30 = tpu.memref_slice %arg3[%min3A_28] : memref<327680xi32, #tpu.memory_space<hbm>> -> memref<64xi32, #tpu.memory_space<hbm>>
    tpu.enqueue_dma source(%dma_start3A_30 : memref<64xi32, #tpu.memory_space<hbm>>) target(%arg12 : memref<64xi32, #tpu.memory_space<vmem>>) target_semaphore(%arg25 : memref<!tpu.dma_semaphore, #tpu.memory_space<semaphore_mem>>)
    %dma_start3A_31 = tpu.memref_slice %arg4[%min3A_28] : memref<327680xi32, #tpu.memory_space<hbm>> -> memref<64xi32, #tpu.memory_space<hbm>>
    %dma_start3A_32 = tpu.memref_slice %arg4[%min3A_28] : memref<327680xi32, #tpu.memory_space<hbm>> -> memref<64xi32, #tpu.memory_space<hbm>>
    tpu.enqueue_dma source(%dma_start3A_32 : memref<64xi32, #tpu.memory_space<hbm>>) target(%arg13 : memref<64xi32, #tpu.memory_space<vmem>>) target_semaphore(%arg25 : memref<!tpu.dma_semaphore, #tpu.memory_space<semaphore_mem>>)
    %add3A_33 = arith.constant 256 : i32
    %add3A_34 = arith.addi %mul3A_2, %add3A_33 : i32
    %min3A_35 = arith.constant 327616 : i32
    %min3A_36 = arith.minsi %add3A_34, %min3A_35 : i32
    %dma_start3A_37 = tpu.memref_slice %arg3[%min3A_36] : memref<327680xi32, #tpu.memory_space<hbm>> -> memref<64xi32, #tpu.memory_space<hbm>>
    %dma_start3A_38 = tpu.memref_slice %arg3[%min3A_36] : memref<327680xi32, #tpu.memory_space<hbm>> -> memref<64xi32, #tpu.memory_space<hbm>>
    tpu.enqueue_dma source(%dma_start3A_38 : memref<64xi32, #tpu.memory_space<hbm>>) target(%arg14 : memref<64xi32, #tpu.memory_space<vmem>>) target_semaphore(%arg26 : memref<!tpu.dma_semaphore, #tpu.memory_space<semaphore_mem>>)
    %dma_start3A_39 = tpu.memref_slice %arg4[%min3A_36] : memref<327680xi32, #tpu.memory_space<hbm>> -> memref<64xi32, #tpu.memory_space<hbm>>
    %dma_start3A_40 = tpu.memref_slice %arg4[%min3A_36] : memref<327680xi32, #tpu.memory_space<hbm>> -> memref<64xi32, #tpu.memory_space<hbm>>
    tpu.enqueue_dma source(%dma_start3A_40 : memref<64xi32, #tpu.memory_space<hbm>>) target(%arg15 : memref<64xi32, #tpu.memory_space<vmem>>) target_semaphore(%arg26 : memref<!tpu.dma_semaphore, #tpu.memory_space<semaphore_mem>>)
    %broadcast_in_dim3A = arith.constant 0.000000e+00 : f32
    %broadcast_in_dim3A_41 = vector.broadcast %broadcast_in_dim3A : f32 to vector<16xf32>
    %scan3A = arith.constant 0 : i32
    %scan3A_42 = arith.constant 0 : i32
    %scan3A_43 = arith.constant 64 : i32
    %scan3A_44 = arith.addi %scan3A_42, %scan3A_43 : i32
    %scan3A_45 = arith.constant 1 : i32
    scf.for %scan3A_137 = %scan3A_42 to %scan3A_44 step %scan3A_45  : i32 {
      %swap3A = arith.index_cast %scan3A_137 : i32 to index
      %swap3A_138 = arith.constant 0 : index
      %swap3A_139 = tpu.vector_load %arg16[%swap3A, %swap3A_138] {strides = array<i32>} : memref<64x128xf32, #tpu.memory_space<vmem>>, vector<1x16xf32>,
      %swap3A_140 = vector.shape_cast %swap3A_139 : vector<1x16xf32> to vector<16xf32>
      %swap3A_141 = vector.shape_cast %broadcast_in_dim3A_41 : vector<16xf32> to vector<1x16xf32>
      tpu.vector_store %arg16[%swap3A, %swap3A_138], %swap3A_141 {strides = array<i32>} : memref<64x128xf32, #tpu.memory_space<vmem>>, vector<1x16xf32>,
      %swap3A_142 = arith.index_cast %scan3A_137 : i32 to index
      %swap3A_143 = arith.constant 16 : index
      %swap3A_144 = tpu.vector_load %arg16[%swap3A_142, %swap3A_143] {strides = array<i32>} : memref<64x128xf32, #tpu.memory_space<vmem>>, vector<1x16xf32>,
      %swap3A_145 = vector.shape_cast %swap3A_144 : vector<1x16xf32> to vector<16xf32>
      %swap3A_146 = vector.shape_cast %broadcast_in_dim3A_41 : vector<16xf32> to vector<1x16xf32>
      tpu.vector_store %arg16[%swap3A_142, %swap3A_143], %swap3A_146 {strides = array<i32>} : memref<64x128xf32, #tpu.memory_space<vmem>>, vector<1x16xf32>,
      %swap3A_147 = arith.index_cast %scan3A_137 : i32 to index
      %swap3A_148 = arith.constant 32 : index
      %swap3A_149 = tpu.vector_load %arg16[%swap3A_147, %swap3A_148] {strides = array<i32>} : memref<64x128xf32, #tpu.memory_space<vmem>>, vector<1x16xf32>,
      %swap3A_150 = vector.shape_cast %swap3A_149 : vector<1x16xf32> to vector<16xf32>
      %swap3A_151 = vector.shape_cast %broadcast_in_dim3A_41 : vector<16xf32> to vector<1x16xf32>
      tpu.vector_store %arg16[%swap3A_147, %swap3A_148], %swap3A_151 {strides = array<i32>} : memref<64x128xf32, #tpu.memory_space<vmem>>, vector<1x16xf32>,
      %swap3A_152 = arith.index_cast %scan3A_137 : i32 to index
      %swap3A_153 = arith.constant 48 : index
      %swap3A_154 = tpu.vector_load %arg16[%swap3A_152, %swap3A_153] {strides = array<i32>} : memref<64x128xf32, #tpu.memory_space<vmem>>, vector<1x16xf32>,
      %swap3A_155 = vector.shape_cast %swap3A_154 : vector<1x16xf32> to vector<16xf32>
      %swap3A_156 = vector.shape_cast %broadcast_in_dim3A_41 : vector<16xf32> to vector<1x16xf32>
      tpu.vector_store %arg16[%swap3A_152, %swap3A_153], %swap3A_156 {strides = array<i32>} : memref<64x128xf32, #tpu.memory_space<vmem>>, vector<1x16xf32>,
      %swap3A_157 = arith.index_cast %scan3A_137 : i32 to index
      %swap3A_158 = arith.constant 64 : index
      %swap3A_159 = tpu.vector_load %arg16[%swap3A_157, %swap3A_158] {strides = array<i32>} : memref<64x128xf32, #tpu.memory_space<vmem>>, vector<1x16xf32>,
      %swap3A_160 = vector.shape_cast %swap3A_159 : vector<1x16xf32> to vector<16xf32>
      %swap3A_161 = vector.shape_cast %broadcast_in_dim3A_41 : vector<16xf32> to vector<1x16xf32>
      tpu.vector_store %arg16[%swap3A_157, %swap3A_158], %swap3A_161 {strides = array<i32>} : memref<64x128xf32, #tpu.memory_space<vmem>>, vector<1x16xf32>,
      %swap3A_162 = arith.index_cast %scan3A_137 : i32 to index
      %swap3A_163 = arith.constant 80 : index
      %swap3A_164 = tpu.vector_load %arg16[%swap3A_162, %swap3A_163] {strides = array<i32>} : memref<64x128xf32, #tpu.memory_space<vmem>>, vector<1x16xf32>,
      %swap3A_165 = vector.shape_cast %swap3A_164 : vector<1x16xf32> to vector<16xf32>
      %swap3A_166 = vector.shape_cast %broadcast_in_dim3A_41 : vector<16xf32> to vector<1x16xf32>
      tpu.vector_store %arg16[%swap3A_162, %swap3A_163], %swap3A_166 {strides = array<i32>} : memref<64x128xf32, #tpu.memory_space<vmem>>, vector<1x16xf32>,
      %swap3A_167 = arith.index_cast %scan3A_137 : i32 to index
      %swap3A_168 = arith.constant 96 : index
      %swap3A_169 = tpu.vector_load %arg16[%swap3A_167, %swap3A_168] {strides = array<i32>} : memref<64x128xf32, #tpu.memory_space<vmem>>, vector<1x16xf32>,
      %swap3A_170 = vector.shape_cast %swap3A_169 : vector<1x16xf32> to vector<16xf32>
      %swap3A_171 = vector.shape_cast %broadcast_in_dim3A_41 : vector<16xf32> to vector<1x16xf32>
      tpu.vector_store %arg16[%swap3A_167, %swap3A_168], %swap3A_171 {strides = array<i32>} : memref<64x128xf32, #tpu.memory_space<vmem>>, vector<1x16xf32>,
      %swap3A_172 = arith.index_cast %scan3A_137 : i32 to index
      %swap3A_173 = arith.constant 112 : index
      %swap3A_174 = tpu.vector_load %arg16[%swap3A_172, %swap3A_173] {strides = array<i32>} : memref<64x128xf32, #tpu.memory_space<vmem>>, vector<1x16xf32>,
      %swap3A_175 = vector.shape_cast %swap3A_174 : vector<1x16xf32> to vector<16xf32>
      %swap3A_176 = vector.shape_cast %broadcast_in_dim3A_41 : vector<16xf32> to vector<1x16xf32>
      tpu.vector_store %arg16[%swap3A_172, %swap3A_173], %swap3A_176 {strides = array<i32>} : memref<64x128xf32, #tpu.memory_space<vmem>>, vector<1x16xf32>,
    }
    %scan3A_46 = arith.constant 64 : i32
    %mul3A_47 = arith.constant 640 : i32
    %mul3A_48 = arith.muli %arg1, %mul3A_47 : i32
    %add3A_49 = arith.constant 0 : i32
    %add3A_50 = arith.addi %mul3A_48, %add3A_49 : i32
    "tpu.region"() ({
      %run_scoped3A = tpu.sem_alloc : memref<!tpu.dma_semaphore, #tpu.memory_space<semaphore_mem>>
      %dma_start3A_137 = arith.constant 0 : i32
      %dma_start3A_138 = tpu.memref_slice %arg21[%add3A_50, %dma_start3A_137] : memref<10240x128xf32, #tpu.memory_space<vmem_shared>> -> memref<64x128xf32, #tpu.memory_space<vmem_shared>>
      %dma_start3A_139 = arith.constant 0 : i32
      %dma_start3A_140 = tpu.memref_slice %arg21[%add3A_50, %dma_start3A_139] : memref<10240x128xf32, #tpu.memory_space<vmem_shared>> -> memref<64x128xf32, #tpu.memory_space<vmem_shared>>
      tpu.enqueue_dma source(%arg16 : memref<64x128xf32, #tpu.memory_space<vmem>>) target(%dma_start3A_140 : memref<64x128xf32, #tpu.memory_space<vmem_shared>>) target_semaphore(%run_scoped3A : memref<!tpu.dma_semaphore, #tpu.memory_space<semaphore_mem>>)
      %dma_wait3A_141 = arith.constant 0 : i32
      %dma_wait3A_142 = tpu.memref_slice %arg21[%add3A_50, %dma_wait3A_141] : memref<10240x128xf32, #tpu.memory_space<vmem_shared>> -> memref<64x128xf32, #tpu.memory_space<vmem_shared>>
      %dma_wait3A_143 = arith.constant 0 : i32
      %dma_wait3A_144 = tpu.memref_slice %arg21[%add3A_50, %dma_wait3A_143] : memref<10240x128xf32, #tpu.memory_space<vmem_shared>> -> memref<64x128xf32, #tpu.memory_space<vmem_shared>>
      tpu.wait_dma2 semaphore(%run_scoped3A : memref<!tpu.dma_semaphore, #tpu.memory_space<semaphore_mem>>) src(%arg16 : memref<64x128xf32, #tpu.memory_space<vmem>>) dst(%dma_wait3A_144 : memref<64x128xf32, #tpu.memory_space<vmem_shared>>)
      tpu.yield
    }) : () -> ()
    %mul3A_51 = arith.constant 640 : i32
    %mul3A_52 = arith.muli %arg1, %mul3A_51 : i32
    %add3A_53 = arith.constant 64 : i32
    %add3A_54 = arith.addi %mul3A_52, %add3A_53 : i32
    "tpu.region"() ({
      %run_scoped3A = tpu.sem_alloc : memref<!tpu.dma_semaphore, #tpu.memory_space<semaphore_mem>>
      %dma_start3A_137 = arith.constant 0 : i32
      %dma_start3A_138 = tpu.memref_slice %arg21[%add3A_54, %dma_start3A_137] : memref<10240x128xf32, #tpu.memory_space<vmem_shared>> -> memref<64x128xf32, #tpu.memory_space<vmem_shared>>
      %dma_start3A_139 = arith.constant 0 : i32
      %dma_start3A_140 = tpu.memref_slice %arg21[%add3A_54, %dma_start3A_139] : memref<10240x128xf32, #tpu.memory_space<vmem_shared>> -> memref<64x128xf32, #tpu.memory_space<vmem_shared>>
      tpu.enqueue_dma source(%arg16 : memref<64x128xf32, #tpu.memory_space<vmem>>) target(%dma_start3A_140 : memref<64x128xf32, #tpu.memory_space<vmem_shared>>) target_semaphore(%run_scoped3A : memref<!tpu.dma_semaphore, #tpu.memory_space<semaphore_mem>>)
      %dma_wait3A_141 = arith.constant 0 : i32
      %dma_wait3A_142 = tpu.memref_slice %arg21[%add3A_54, %dma_wait3A_141] : memref<10240x128xf32, #tpu.memory_space<vmem_shared>> -> memref<64x128xf32, #tpu.memory_space<vmem_shared>>
      %dma_wait3A_143 = arith.constant 0 : i32
      %dma_wait3A_144 = tpu.memref_slice %arg21[%add3A_54, %dma_wait3A_143] : memref<10240x128xf32, #tpu.memory_space<vmem_shared>> -> memref<64x128xf32, #tpu.memory_space<vmem_shared>>
      tpu.wait_dma2 semaphore(%run_scoped3A : memref<!tpu.dma_semaphore, #tpu.memory_space<semaphore_mem>>) src(%arg16 : memref<64x128xf32, #tpu.memory_space<vmem>>) dst(%dma_wait3A_144 : memref<64x128xf32, #tpu.memory_space<vmem_shared>>)
      tpu.yield
    }) : () -> ()
    %mul3A_55 = arith.constant 640 : i32
    %mul3A_56 = arith.muli %arg1, %mul3A_55 : i32
    %add3A_57 = arith.constant 128 : i32
    %add3A_58 = arith.addi %mul3A_56, %add3A_57 : i32
    "tpu.region"() ({
      %run_scoped3A = tpu.sem_alloc : memref<!tpu.dma_semaphore, #tpu.memory_space<semaphore_mem>>
      %dma_start3A_137 = arith.constant 0 : i32
      %dma_start3A_138 = tpu.memref_slice %arg21[%add3A_58, %dma_start3A_137] : memref<10240x128xf32, #tpu.memory_space<vmem_shared>> -> memref<64x128xf32, #tpu.memory_space<vmem_shared>>
      %dma_start3A_139 = arith.constant 0 : i32
      %dma_start3A_140 = tpu.memref_slice %arg21[%add3A_58, %dma_start3A_139] : memref<10240x128xf32, #tpu.memory_space<vmem_shared>> -> memref<64x128xf32, #tpu.memory_space<vmem_shared>>
      tpu.enqueue_dma source(%arg16 : memref<64x128xf32, #tpu.memory_space<vmem>>) target(%dma_start3A_140 : memref<64x128xf32, #tpu.memory_space<vmem_shared>>) target_semaphore(%run_scoped3A : memref<!tpu.dma_semaphore, #tpu.memory_space<semaphore_mem>>)
      %dma_wait3A_141 = arith.constant 0 : i32
      %dma_wait3A_142 = tpu.memref_slice %arg21[%add3A_58, %dma_wait3A_141] : memref<10240x128xf32, #tpu.memory_space<vmem_shared>> -> memref<64x128xf32, #tpu.memory_space<vmem_shared>>
      %dma_wait3A_143 = arith.constant 0 : i32
      %dma_wait3A_144 = tpu.memref_slice %arg21[%add3A_58, %dma_wait3A_143] : memref<10240x128xf32, #tpu.memory_space<vmem_shared>> -> memref<64x128xf32, #tpu.memory_space<vmem_shared>>
      tpu.wait_dma2 semaphore(%run_scoped3A : memref<!tpu.dma_semaphore, #tpu.memory_space<semaphore_mem>>) src(%arg16 : memref<64x128xf32, #tpu.memory_space<vmem>>) dst(%dma_wait3A_144 : memref<64x128xf32, #tpu.memory_space<vmem_shared>>)
      tpu.yield
    }) : () -> ()
    %mul3A_59 = arith.constant 640 : i32
    %mul3A_60 = arith.muli %arg1, %mul3A_59 : i32
    %add3A_61 = arith.constant 192 : i32
    %add3A_62 = arith.addi %mul3A_60, %add3A_61 : i32
    "tpu.region"() ({
      %run_scoped3A = tpu.sem_alloc : memref<!tpu.dma_semaphore, #tpu.memory_space<semaphore_mem>>
      %dma_start3A_137 = arith.constant 0 : i32
      %dma_start3A_138 = tpu.memref_slice %arg21[%add3A_62, %dma_start3A_137] : memref<10240x128xf32, #tpu.memory_space<vmem_shared>> -> memref<64x128xf32, #tpu.memory_space<vmem_shared>>
      %dma_start3A_139 = arith.constant 0 : i32
      %dma_start3A_140 = tpu.memref_slice %arg21[%add3A_62, %dma_start3A_139] : memref<10240x128xf32, #tpu.memory_space<vmem_shared>> -> memref<64x128xf32, #tpu.memory_space<vmem_shared>>
      tpu.enqueue_dma source(%arg16 : memref<64x128xf32, #tpu.memory_space<vmem>>) target(%dma_start3A_140 : memref<64x128xf32, #tpu.memory_space<vmem_shared>>) target_semaphore(%run_scoped3A : memref<!tpu.dma_semaphore, #tpu.memory_space<semaphore_mem>>)
      %dma_wait3A_141 = arith.constant 0 : i32
      %dma_wait3A_142 = tpu.memref_slice %arg21[%add3A_62, %dma_wait3A_141] : memref<10240x128xf32, #tpu.memory_space<vmem_shared>> -> memref<64x128xf32, #tpu.memory_space<vmem_shared>>
      %dma_wait3A_143 = arith.constant 0 : i32
      %dma_wait3A_144 = tpu.memref_slice %arg21[%add3A_62, %dma_wait3A_143] : memref<10240x128xf32, #tpu.memory_space<vmem_shared>> -> memref<64x128xf32, #tpu.memory_space<vmem_shared>>
      tpu.wait_dma2 semaphore(%run_scoped3A : memref<!tpu.dma_semaphore, #tpu.memory_space<semaphore_mem>>) src(%arg16 : memref<64x128xf32, #tpu.memory_space<vmem>>) dst(%dma_wait3A_144 : memref<64x128xf32, #tpu.memory_space<vmem_shared>>)
      tpu.yield
    }) : () -> ()
    %mul3A_63 = arith.constant 640 : i32
    %mul3A_64 = arith.muli %arg1, %mul3A_63 : i32
    %add3A_65 = arith.constant 256 : i32
    %add3A_66 = arith.addi %mul3A_64, %add3A_65 : i32
    "tpu.region"() ({
      %run_scoped3A = tpu.sem_alloc : memref<!tpu.dma_semaphore, #tpu.memory_space<semaphore_mem>>
      %dma_start3A_137 = arith.constant 0 : i32
      %dma_start3A_138 = tpu.memref_slice %arg21[%add3A_66, %dma_start3A_137] : memref<10240x128xf32, #tpu.memory_space<vmem_shared>> -> memref<64x128xf32, #tpu.memory_space<vmem_shared>>
      %dma_start3A_139 = arith.constant 0 : i32
      %dma_start3A_140 = tpu.memref_slice %arg21[%add3A_66, %dma_start3A_139] : memref<10240x128xf32, #tpu.memory_space<vmem_shared>> -> memref<64x128xf32, #tpu.memory_space<vmem_shared>>
      tpu.enqueue_dma source(%arg16 : memref<64x128xf32, #tpu.memory_space<vmem>>) target(%dma_start3A_140 : memref<64x128xf32, #tpu.memory_space<vmem_shared>>) target_semaphore(%run_scoped3A : memref<!tpu.dma_semaphore, #tpu.memory_space<semaphore_mem>>)
      %dma_wait3A_141 = arith.constant 0 : i32
      %dma_wait3A_142 = tpu.memref_slice %arg21[%add3A_66, %dma_wait3A_141] : memref<10240x128xf32, #tpu.memory_space<vmem_shared>> -> memref<64x128xf32, #tpu.memory_space<vmem_shared>>
      %dma_wait3A_143 = arith.constant 0 : i32
      %dma_wait3A_144 = tpu.memref_slice %arg21[%add3A_66, %dma_wait3A_143] : memref<10240x128xf32, #tpu.memory_space<vmem_shared>> -> memref<64x128xf32, #tpu.memory_space<vmem_shared>>
      tpu.wait_dma2 semaphore(%run_scoped3A : memref<!tpu.dma_semaphore, #tpu.memory_space<semaphore_mem>>) src(%arg16 : memref<64x128xf32, #tpu.memory_space<vmem>>) dst(%dma_wait3A_144 : memref<64x128xf32, #tpu.memory_space<vmem_shared>>)
      tpu.yield
    }) : () -> ()
    %mul3A_67 = arith.constant 640 : i32
    %mul3A_68 = arith.muli %arg1, %mul3A_67 : i32
    %add3A_69 = arith.constant 320 : i32
    %add3A_70 = arith.addi %mul3A_68, %add3A_69 : i32
    "tpu.region"() ({
      %run_scoped3A = tpu.sem_alloc : memref<!tpu.dma_semaphore, #tpu.memory_space<semaphore_mem>>
      %dma_start3A_137 = arith.constant 0 : i32
      %dma_start3A_138 = tpu.memref_slice %arg21[%add3A_70, %dma_start3A_137] : memref<10240x128xf32, #tpu.memory_space<vmem_shared>> -> memref<64x128xf32, #tpu.memory_space<vmem_shared>>
      %dma_start3A_139 = arith.constant 0 : i32
      %dma_start3A_140 = tpu.memref_slice %arg21[%add3A_70, %dma_start3A_139] : memref<10240x128xf32, #tpu.memory_space<vmem_shared>> -> memref<64x128xf32, #tpu.memory_space<vmem_shared>>
      tpu.enqueue_dma source(%arg16 : memref<64x128xf32, #tpu.memory_space<vmem>>) target(%dma_start3A_140 : memref<64x128xf32, #tpu.memory_space<vmem_shared>>) target_semaphore(%run_scoped3A : memref<!tpu.dma_semaphore, #tpu.memory_space<semaphore_mem>>)
      %dma_wait3A_141 = arith.constant 0 : i32
      %dma_wait3A_142 = tpu.memref_slice %arg21[%add3A_70, %dma_wait3A_141] : memref<10240x128xf32, #tpu.memory_space<vmem_shared>> -> memref<64x128xf32, #tpu.memory_space<vmem_shared>>
      %dma_wait3A_143 = arith.constant 0 : i32
      %dma_wait3A_144 = tpu.memref_slice %arg21[%add3A_70, %dma_wait3A_143] : memref<10240x128xf32, #tpu.memory_space<vmem_shared>> -> memref<64x128xf32, #tpu.memory_space<vmem_shared>>
      tpu.wait_dma2 semaphore(%run_scoped3A : memref<!tpu.dma_semaphore, #tpu.memory_space<semaphore_mem>>) src(%arg16 : memref<64x128xf32, #tpu.memory_space<vmem>>) dst(%dma_wait3A_144 : memref<64x128xf32, #tpu.memory_space<vmem_shared>>)
      tpu.yield
    }) : () -> ()
    %mul3A_71 = arith.constant 640 : i32
    %mul3A_72 = arith.muli %arg1, %mul3A_71 : i32
    %add3A_73 = arith.constant 384 : i32
    %add3A_74 = arith.addi %mul3A_72, %add3A_73 : i32
    "tpu.region"() ({
      %run_scoped3A = tpu.sem_alloc : memref<!tpu.dma_semaphore, #tpu.memory_space<semaphore_mem>>
      %dma_start3A_137 = arith.constant 0 : i32
      %dma_start3A_138 = tpu.memref_slice %arg21[%add3A_74, %dma_start3A_137] : memref<10240x128xf32, #tpu.memory_space<vmem_shared>> -> memref<64x128xf32, #tpu.memory_space<vmem_shared>>
      %dma_start3A_139 = arith.constant 0 : i32
      %dma_start3A_140 = tpu.memref_slice %arg21[%add3A_74, %dma_start3A_139] : memref<10240x128xf32, #tpu.memory_space<vmem_shared>> -> memref<64x128xf32, #tpu.memory_space<vmem_shared>>
      tpu.enqueue_dma source(%arg16 : memref<64x128xf32, #tpu.memory_space<vmem>>) target(%dma_start3A_140 : memref<64x128xf32, #tpu.memory_space<vmem_shared>>) target_semaphore(%run_scoped3A : memref<!tpu.dma_semaphore, #tpu.memory_space<semaphore_mem>>)
      %dma_wait3A_141 = arith.constant 0 : i32
      %dma_wait3A_142 = tpu.memref_slice %arg21[%add3A_74, %dma_wait3A_141] : memref<10240x128xf32, #tpu.memory_space<vmem_shared>> -> memref<64x128xf32, #tpu.memory_space<vmem_shared>>
      %dma_wait3A_143 = arith.constant 0 : i32
      %dma_wait3A_144 = tpu.memref_slice %arg21[%add3A_74, %dma_wait3A_143] : memref<10240x128xf32, #tpu.memory_space<vmem_shared>> -> memref<64x128xf32, #tpu.memory_space<vmem_shared>>
      tpu.wait_dma2 semaphore(%run_scoped3A : memref<!tpu.dma_semaphore, #tpu.memory_space<semaphore_mem>>) src(%arg16 : memref<64x128xf32, #tpu.memory_space<vmem>>) dst(%dma_wait3A_144 : memref<64x128xf32, #tpu.memory_space<vmem_shared>>)
      tpu.yield
    }) : () -> ()
    %mul3A_75 = arith.constant 640 : i32
    %mul3A_76 = arith.muli %arg1, %mul3A_75 : i32
    %add3A_77 = arith.constant 448 : i32
    %add3A_78 = arith.addi %mul3A_76, %add3A_77 : i32
    "tpu.region"() ({
      %run_scoped3A = tpu.sem_alloc : memref<!tpu.dma_semaphore, #tpu.memory_space<semaphore_mem>>
      %dma_start3A_137 = arith.constant 0 : i32
      %dma_start3A_138 = tpu.memref_slice %arg21[%add3A_78, %dma_start3A_137] : memref<10240x128xf32, #tpu.memory_space<vmem_shared>> -> memref<64x128xf32, #tpu.memory_space<vmem_shared>>
      %dma_start3A_139 = arith.constant 0 : i32
      %dma_start3A_140 = tpu.memref_slice %arg21[%add3A_78, %dma_start3A_139] : memref<10240x128xf32, #tpu.memory_space<vmem_shared>> -> memref<64x128xf32, #tpu.memory_space<vmem_shared>>
      tpu.enqueue_dma source(%arg16 : memref<64x128xf32, #tpu.memory_space<vmem>>) target(%dma_start3A_140 : memref<64x128xf32, #tpu.memory_space<vmem_shared>>) target_semaphore(%run_scoped3A : memref<!tpu.dma_semaphore, #tpu.memory_space<semaphore_mem>>)
      %dma_wait3A_141 = arith.constant 0 : i32
      %dma_wait3A_142 = tpu.memref_slice %arg21[%add3A_78, %dma_wait3A_141] : memref<10240x128xf32, #tpu.memory_space<vmem_shared>> -> memref<64x128xf32, #tpu.memory_space<vmem_shared>>
      %dma_wait3A_143 = arith.constant 0 : i32
      %dma_wait3A_144 = tpu.memref_slice %arg21[%add3A_78, %dma_wait3A_143] : memref<10240x128xf32, #tpu.memory_space<vmem_shared>> -> memref<64x128xf32, #tpu.memory_space<vmem_shared>>
      tpu.wait_dma2 semaphore(%run_scoped3A : memref<!tpu.dma_semaphore, #tpu.memory_space<semaphore_mem>>) src(%arg16 : memref<64x128xf32, #tpu.memory_space<vmem>>) dst(%dma_wait3A_144 : memref<64x128xf32, #tpu.memory_space<vmem_shared>>)
      tpu.yield
    }) : () -> ()
    %mul3A_79 = arith.constant 640 : i32
    %mul3A_80 = arith.muli %arg1, %mul3A_79 : i32
    %add3A_81 = arith.constant 512 : i32
    %add3A_82 = arith.addi %mul3A_80, %add3A_81 : i32
    "tpu.region"() ({
      %run_scoped3A = tpu.sem_alloc : memref<!tpu.dma_semaphore, #tpu.memory_space<semaphore_mem>>
      %dma_start3A_137 = arith.constant 0 : i32
      %dma_start3A_138 = tpu.memref_slice %arg21[%add3A_82, %dma_start3A_137] : memref<10240x128xf32, #tpu.memory_space<vmem_shared>> -> memref<64x128xf32, #tpu.memory_space<vmem_shared>>
      %dma_start3A_139 = arith.constant 0 : i32
      %dma_start3A_140 = tpu.memref_slice %arg21[%add3A_82, %dma_start3A_139] : memref<10240x128xf32, #tpu.memory_space<vmem_shared>> -> memref<64x128xf32, #tpu.memory_space<vmem_shared>>
      tpu.enqueue_dma source(%arg16 : memref<64x128xf32, #tpu.memory_space<vmem>>) target(%dma_start3A_140 : memref<64x128xf32, #tpu.memory_space<vmem_shared>>) target_semaphore(%run_scoped3A : memref<!tpu.dma_semaphore, #tpu.memory_space<semaphore_mem>>)
      %dma_wait3A_141 = arith.constant 0 : i32
      %dma_wait3A_142 = tpu.memref_slice %arg21[%add3A_82, %dma_wait3A_141] : memref<10240x128xf32, #tpu.memory_space<vmem_shared>> -> memref<64x128xf32, #tpu.memory_space<vmem_shared>>
      %dma_wait3A_143 = arith.constant 0 : i32
      %dma_wait3A_144 = tpu.memref_slice %arg21[%add3A_82, %dma_wait3A_143] : memref<10240x128xf32, #tpu.memory_space<vmem_shared>> -> memref<64x128xf32, #tpu.memory_space<vmem_shared>>
      tpu.wait_dma2 semaphore(%run_scoped3A : memref<!tpu.dma_semaphore, #tpu.memory_space<semaphore_mem>>) src(%arg16 : memref<64x128xf32, #tpu.memory_space<vmem>>) dst(%dma_wait3A_144 : memref<64x128xf32, #tpu.memory_space<vmem_shared>>)
      tpu.yield
    }) : () -> ()
    %mul3A_83 = arith.constant 640 : i32
    %mul3A_84 = arith.muli %arg1, %mul3A_83 : i32
    %add3A_85 = arith.constant 576 : i32
    %add3A_86 = arith.addi %mul3A_84, %add3A_85 : i32
    "tpu.region"() ({
      %run_scoped3A = tpu.sem_alloc : memref<!tpu.dma_semaphore, #tpu.memory_space<semaphore_mem>>
      %dma_start3A_137 = arith.constant 0 : i32
      %dma_start3A_138 = tpu.memref_slice %arg21[%add3A_86, %dma_start3A_137] : memref<10240x128xf32, #tpu.memory_space<vmem_shared>> -> memref<64x128xf32, #tpu.memory_space<vmem_shared>>
      %dma_start3A_139 = arith.constant 0 : i32
      %dma_start3A_140 = tpu.memref_slice %arg21[%add3A_86, %dma_start3A_139] : memref<10240x128xf32, #tpu.memory_space<vmem_shared>> -> memref<64x128xf32, #tpu.memory_space<vmem_shared>>
      tpu.enqueue_dma source(%arg16 : memref<64x128xf32, #tpu.memory_space<vmem>>) target(%dma_start3A_140 : memref<64x128xf32, #tpu.memory_space<vmem_shared>>) target_semaphore(%run_scoped3A : memref<!tpu.dma_semaphore, #tpu.memory_space<semaphore_mem>>)
      %dma_wait3A_141 = arith.constant 0 : i32
      %dma_wait3A_142 = tpu.memref_slice %arg21[%add3A_86, %dma_wait3A_141] : memref<10240x128xf32, #tpu.memory_space<vmem_shared>> -> memref<64x128xf32, #tpu.memory_space<vmem_shared>>
      %dma_wait3A_143 = arith.constant 0 : i32
      %dma_wait3A_144 = tpu.memref_slice %arg21[%add3A_86, %dma_wait3A_143] : memref<10240x128xf32, #tpu.memory_space<vmem_shared>> -> memref<64x128xf32, #tpu.memory_space<vmem_shared>>
      tpu.wait_dma2 semaphore(%run_scoped3A : memref<!tpu.dma_semaphore, #tpu.memory_space<semaphore_mem>>) src(%arg16 : memref<64x128xf32, #tpu.memory_space<vmem>>) dst(%dma_wait3A_144 : memref<64x128xf32, #tpu.memory_space<vmem_shared>>)
      tpu.yield
    }) : () -> ()
    %barrier3A = arith.constant 0 : index
    tpu.barrier barrier_id(%barrier3A)
    %scan3A_87 = arith.constant 0 : i32
    %scan3A_88 = arith.constant 0 : i32
    %scan3A_89 = arith.constant 32 : i32
    %scan3A_90 = arith.addi %scan3A_88, %scan3A_89 : i32
    %scan3A_91 = arith.constant 1 : i32
    scf.for %scan3A_137 = %scan3A_88 to %scan3A_90 step %scan3A_91  : i32 {
      %mul3A_138 = arith.constant 5 : i32
      %mul3A_139 = arith.muli %mul3A_138, %scan3A_137 : i32
      %dma_wait3A_140 = arith.constant 0 : i32
      %dma_wait3A_141 = tpu.memref_slice %arg3[%dma_wait3A_140] : memref<327680xi32, #tpu.memory_space<hbm>> -> memref<64xi32, #tpu.memory_space<hbm>>
      %dma_wait3A_142 = arith.constant 0 : i32
      %dma_wait3A_143 = tpu.memref_slice %arg3[%dma_wait3A_142] : memref<327680xi32, #tpu.memory_space<hbm>> -> memref<64xi32, #tpu.memory_space<hbm>>
      tpu.wait_dma2 semaphore(%arg22 : memref<!tpu.dma_semaphore, #tpu.memory_space<semaphore_mem>>) src(%dma_wait3A_143 : memref<64xi32, #tpu.memory_space<hbm>>) dst(%arg6 : memref<64xi32, #tpu.memory_space<vmem>>)
      %dma_wait3A_144 = arith.constant 0 : i32
      %dma_wait3A_145 = tpu.memref_slice %arg4[%dma_wait3A_144] : memref<327680xi32, #tpu.memory_space<hbm>> -> memref<64xi32, #tpu.memory_space<hbm>>
      %dma_wait3A_146 = arith.constant 0 : i32
      %dma_wait3A_147 = tpu.memref_slice %arg4[%dma_wait3A_146] : memref<327680xi32, #tpu.memory_space<hbm>> -> memref<64xi32, #tpu.memory_space<hbm>>
      tpu.wait_dma2 semaphore(%arg22 : memref<!tpu.dma_semaphore, #tpu.memory_space<semaphore_mem>>) src(%dma_wait3A_147 : memref<64xi32, #tpu.memory_space<hbm>>) dst(%arg7 : memref<64xi32, #tpu.memory_space<vmem>>)
      %dma_start3A_148 = arith.constant 0 : i32
      %dma_start3A_149 = arith.constant 0 : i32
      %dma_start3A_150 = tpu.memref_slice %arg2[%dma_start3A_148, %dma_start3A_149] : memref<10000x128xf32, #tpu.memory_space<hbm>> -> memref<10000x128xf32, #tpu.memory_space<hbm>>
      tpu.enqueue_indirect_dma source(%dma_start3A_150 : memref<10000x128xf32, #tpu.memory_space<hbm>>) target(%arg16 : memref<64x128xf32, #tpu.memory_space<vmem>>) offsets(%arg6 : memref<64xi32, #tpu.memory_space<vmem>>) semaphore(%arg22 : memref<!tpu.dma_semaphore, #tpu.memory_space<semaphore_mem>>)
      %dma_wait3A_151 = arith.constant 0 : i32
      %dma_wait3A_152 = tpu.memref_slice %arg3[%dma_wait3A_151] : memref<327680xi32, #tpu.memory_space<hbm>> -> memref<64xi32, #tpu.memory_space<hbm>>
      %dma_wait3A_153 = arith.constant 0 : i32
      %dma_wait3A_154 = tpu.memref_slice %arg3[%dma_wait3A_153] : memref<327680xi32, #tpu.memory_space<hbm>> -> memref<64xi32, #tpu.memory_space<hbm>>
      tpu.wait_dma2 semaphore(%arg23 : memref<!tpu.dma_semaphore, #tpu.memory_space<semaphore_mem>>) src(%dma_wait3A_154 : memref<64xi32, #tpu.memory_space<hbm>>) dst(%arg8 : memref<64xi32, #tpu.memory_space<vmem>>)
      %dma_wait3A_155 = arith.constant 0 : i32
      %dma_wait3A_156 = tpu.memref_slice %arg4[%dma_wait3A_155] : memref<327680xi32, #tpu.memory_space<hbm>> -> memref<64xi32, #tpu.memory_space<hbm>>
      %dma_wait3A_157 = arith.constant 0 : i32
      %dma_wait3A_158 = tpu.memref_slice %arg4[%dma_wait3A_157] : memref<327680xi32, #tpu.memory_space<hbm>> -> memref<64xi32, #tpu.memory_space<hbm>>
      tpu.wait_dma2 semaphore(%arg23 : memref<!tpu.dma_semaphore, #tpu.memory_space<semaphore_mem>>) src(%dma_wait3A_158 : memref<64xi32, #tpu.memory_space<hbm>>) dst(%arg9 : memref<64xi32, #tpu.memory_space<vmem>>)
      %dma_start3A_159 = arith.constant 0 : i32
      %dma_start3A_160 = arith.constant 0 : i32
      %dma_start3A_161 = tpu.memref_slice %arg2[%dma_start3A_159, %dma_start3A_160] : memref<10000x128xf32, #tpu.memory_space<hbm>> -> memref<10000x128xf32, #tpu.memory_space<hbm>>
      tpu.enqueue_indirect_dma source(%dma_start3A_161 : memref<10000x128xf32, #tpu.memory_space<hbm>>) target(%arg17 : memref<64x128xf32, #tpu.memory_space<vmem>>) offsets(%arg8 : memref<64xi32, #tpu.memory_space<vmem>>) semaphore(%arg23 : memref<!tpu.dma_semaphore, #tpu.memory_space<semaphore_mem>>)
      %dma_wait3A_162 = arith.constant 0 : i32
      %dma_wait3A_163 = tpu.memref_slice %arg3[%dma_wait3A_162] : memref<327680xi32, #tpu.memory_space<hbm>> -> memref<64xi32, #tpu.memory_space<hbm>>
      %dma_wait3A_164 = arith.constant 0 : i32
      %dma_wait3A_165 = tpu.memref_slice %arg3[%dma_wait3A_164] : memref<327680xi32, #tpu.memory_space<hbm>> -> memref<64xi32, #tpu.memory_space<hbm>>
      tpu.wait_dma2 semaphore(%arg24 : memref<!tpu.dma_semaphore, #tpu.memory_space<semaphore_mem>>) src(%dma_wait3A_165 : memref<64xi32, #tpu.memory_space<hbm>>) dst(%arg10 : memref<64xi32, #tpu.memory_space<vmem>>)
      %dma_wait3A_166 = arith.constant 0 : i32
      %dma_wait3A_167 = tpu.memref_slice %arg4[%dma_wait3A_166] : memref<327680xi32, #tpu.memory_space<hbm>> -> memref<64xi32, #tpu.memory_space<hbm>>
      %dma_wait3A_168 = arith.constant 0 : i32
      %dma_wait3A_169 = tpu.memref_slice %arg4[%dma_wait3A_168] : memref<327680xi32, #tpu.memory_space<hbm>> -> memref<64xi32, #tpu.memory_space<hbm>>
      tpu.wait_dma2 semaphore(%arg24 : memref<!tpu.dma_semaphore, #tpu.memory_space<semaphore_mem>>) src(%dma_wait3A_169 : memref<64xi32, #tpu.memory_space<hbm>>) dst(%arg11 : memref<64xi32, #tpu.memory_space<vmem>>)
      %dma_start3A_170 = arith.constant 0 : i32
      %dma_start3A_171 = arith.constant 0 : i32
      %dma_start3A_172 = tpu.memref_slice %arg2[%dma_start3A_170, %dma_start3A_171] : memref<10000x128xf32, #tpu.memory_space<hbm>> -> memref<10000x128xf32, #tpu.memory_space<hbm>>
      tpu.enqueue_indirect_dma source(%dma_start3A_172 : memref<10000x128xf32, #tpu.memory_space<hbm>>) target(%arg18 : memref<64x128xf32, #tpu.memory_space<vmem>>) offsets(%arg10 : memref<64xi32, #tpu.memory_space<vmem>>) semaphore(%arg24 : memref<!tpu.dma_semaphore, #tpu.memory_space<semaphore_mem>>)
      %dma_wait3A_173 = arith.constant 0 : i32
      %dma_wait3A_174 = tpu.memref_slice %arg3[%dma_wait3A_173] : memref<327680xi32, #tpu.memory_space<hbm>> -> memref<64xi32, #tpu.memory_space<hbm>>
      %dma_wait3A_175 = arith.constant 0 : i32
      %dma_wait3A_176 = tpu.memref_slice %arg3[%dma_wait3A_175] : memref<327680xi32, #tpu.memory_space<hbm>> -> memref<64xi32, #tpu.memory_space<hbm>>
      tpu.wait_dma2 semaphore(%arg25 : memref<!tpu.dma_semaphore, #tpu.memory_space<semaphore_mem>>) src(%dma_wait3A_176 : memref<64xi32, #tpu.memory_space<hbm>>) dst(%arg12 : memref<64xi32, #tpu.memory_space<vmem>>)
      %dma_wait3A_177 = arith.constant 0 : i32
      %dma_wait3A_178 = tpu.memref_slice %arg4[%dma_wait3A_177] : memref<327680xi32, #tpu.memory_space<hbm>> -> memref<64xi32, #tpu.memory_space<hbm>>
      %dma_wait3A_179 = arith.constant 0 : i32
      %dma_wait3A_180 = tpu.memref_slice %arg4[%dma_wait3A_179] : memref<327680xi32, #tpu.memory_space<hbm>> -> memref<64xi32, #tpu.memory_space<hbm>>
      tpu.wait_dma2 semaphore(%arg25 : memref<!tpu.dma_semaphore, #tpu.memory_space<semaphore_mem>>) src(%dma_wait3A_180 : memref<64xi32, #tpu.memory_space<hbm>>) dst(%arg13 : memref<64xi32, #tpu.memory_space<vmem>>)
      %dma_start3A_181 = arith.constant 0 : i32
      %dma_start3A_182 = arith.constant 0 : i32
      %dma_start3A_183 = tpu.memref_slice %arg2[%dma_start3A_181, %dma_start3A_182] : memref<10000x128xf32, #tpu.memory_space<hbm>> -> memref<10000x128xf32, #tpu.memory_space<hbm>>
      tpu.enqueue_indirect_dma source(%dma_start3A_183 : memref<10000x128xf32, #tpu.memory_space<hbm>>) target(%arg19 : memref<64x128xf32, #tpu.memory_space<vmem>>) offsets(%arg12 : memref<64xi32, #tpu.memory_space<vmem>>) semaphore(%arg25 : memref<!tpu.dma_semaphore, #tpu.memory_space<semaphore_mem>>)
      %dma_wait3A_184 = arith.constant 0 : i32
      %dma_wait3A_185 = tpu.memref_slice %arg3[%dma_wait3A_184] : memref<327680xi32, #tpu.memory_space<hbm>> -> memref<64xi32, #tpu.memory_space<hbm>>
      %dma_wait3A_186 = arith.constant 0 : i32
      %dma_wait3A_187 = tpu.memref_slice %arg3[%dma_wait3A_186] : memref<327680xi32, #tpu.memory_space<hbm>> -> memref<64xi32, #tpu.memory_space<hbm>>
      tpu.wait_dma2 semaphore(%arg26 : memref<!tpu.dma_semaphore, #tpu.memory_space<semaphore_mem>>) src(%dma_wait3A_187 : memref<64xi32, #tpu.memory_space<hbm>>) dst(%arg14 : memref<64xi32, #tpu.memory_space<vmem>>)
      %dma_wait3A_188 = arith.constant 0 : i32
      %dma_wait3A_189 = tpu.memref_slice %arg4[%dma_wait3A_188] : memref<327680xi32, #tpu.memory_space<hbm>> -> memref<64xi32, #tpu.memory_space<hbm>>
      %dma_wait3A_190 = arith.constant 0 : i32
      %dma_wait3A_191 = tpu.memref_slice %arg4[%dma_wait3A_190] : memref<327680xi32, #tpu.memory_space<hbm>> -> memref<64xi32, #tpu.memory_space<hbm>>
      tpu.wait_dma2 semaphore(%arg26 : memref<!tpu.dma_semaphore, #tpu.memory_space<semaphore_mem>>) src(%dma_wait3A_191 : memref<64xi32, #tpu.memory_space<hbm>>) dst(%arg15 : memref<64xi32, #tpu.memory_space<vmem>>)
      %dma_start3A_192 = arith.constant 0 : i32
      %dma_start3A_193 = arith.constant 0 : i32
      %dma_start3A_194 = tpu.memref_slice %arg2[%dma_start3A_192, %dma_start3A_193] : memref<10000x128xf32, #tpu.memory_space<hbm>> -> memref<10000x128xf32, #tpu.memory_space<hbm>>
      tpu.enqueue_indirect_dma source(%dma_start3A_194 : memref<10000x128xf32, #tpu.memory_space<hbm>>) target(%arg20 : memref<64x128xf32, #tpu.memory_space<vmem>>) offsets(%arg14 : memref<64xi32, #tpu.memory_space<vmem>>) semaphore(%arg26 : memref<!tpu.dma_semaphore, #tpu.memory_space<semaphore_mem>>)
      %dma_wait3A_195 = arith.constant 0 : i32
      %dma_wait3A_196 = arith.constant 0 : i32
      %dma_wait3A_197 = tpu.memref_slice %arg2[%dma_wait3A_195, %dma_wait3A_196] : memref<10000x128xf32, #tpu.memory_space<hbm>> -> memref<10000x128xf32, #tpu.memory_space<hbm>>
      tpu.wait_indirect_dma semaphore(%arg22 : memref<!tpu.dma_semaphore, #tpu.memory_space<semaphore_mem>>) src(%dma_wait3A_197 : memref<10000x128xf32, #tpu.memory_space<hbm>>) dst(%arg16 : memref<64x128xf32, #tpu.memory_space<vmem>>)
      %dma_start3A_198 = arith.constant 0 : i32
      %dma_start3A_199 = arith.constant 0 : i32
      %dma_start3A_200 = tpu.memref_slice %arg21[%dma_start3A_198, %dma_start3A_199] : memref<10240x128xf32, #tpu.memory_space<vmem_shared>> -> memref<10240x128xf32, #tpu.memory_space<vmem_shared>>
      tpu.enqueue_indirect_dma source(%arg16 : memref<64x128xf32, #tpu.memory_space<vmem>>) target(%dma_start3A_200 : memref<10240x128xf32, #tpu.memory_space<vmem_shared>>) offsets(%arg7 : memref<64xi32, #tpu.memory_space<vmem>>) semaphore(%arg22 : memref<!tpu.dma_semaphore, #tpu.memory_space<semaphore_mem>>) {add = true}
      %dma_wait3A_201 = arith.constant 0 : i32
      %dma_wait3A_202 = arith.constant 0 : i32
      %dma_wait3A_203 = tpu.memref_slice %arg2[%dma_wait3A_201, %dma_wait3A_202] : memref<10000x128xf32, #tpu.memory_space<hbm>> -> memref<10000x128xf32, #tpu.memory_space<hbm>>
      tpu.wait_indirect_dma semaphore(%arg23 : memref<!tpu.dma_semaphore, #tpu.memory_space<semaphore_mem>>) src(%dma_wait3A_203 : memref<10000x128xf32, #tpu.memory_space<hbm>>) dst(%arg17 : memref<64x128xf32, #tpu.memory_space<vmem>>)
      %dma_start3A_204 = arith.constant 0 : i32
      %dma_start3A_205 = arith.constant 0 : i32
      %dma_start3A_206 = tpu.memref_slice %arg21[%dma_start3A_204, %dma_start3A_205] : memref<10240x128xf32, #tpu.memory_space<vmem_shared>> -> memref<10240x128xf32, #tpu.memory_space<vmem_shared>>
      tpu.enqueue_indirect_dma source(%arg17 : memref<64x128xf32, #tpu.memory_space<vmem>>) target(%dma_start3A_206 : memref<10240x128xf32, #tpu.memory_space<vmem_shared>>) offsets(%arg9 : memref<64xi32, #tpu.memory_space<vmem>>) semaphore(%arg23 : memref<!tpu.dma_semaphore, #tpu.memory_space<semaphore_mem>>) {add = true}
      %dma_wait3A_207 = arith.constant 0 : i32
      %dma_wait3A_208 = arith.constant 0 : i32
      %dma_wait3A_209 = tpu.memref_slice %arg2[%dma_wait3A_207, %dma_wait3A_208] : memref<10000x128xf32, #tpu.memory_space<hbm>> -> memref<10000x128xf32, #tpu.memory_space<hbm>>
      tpu.wait_indirect_dma semaphore(%arg24 : memref<!tpu.dma_semaphore, #tpu.memory_space<semaphore_mem>>) src(%dma_wait3A_209 : memref<10000x128xf32, #tpu.memory_space<hbm>>) dst(%arg18 : memref<64x128xf32, #tpu.memory_space<vmem>>)
      %dma_start3A_210 = arith.constant 0 : i32
      %dma_start3A_211 = arith.constant 0 : i32
      %dma_start3A_212 = tpu.memref_slice %arg21[%dma_start3A_210, %dma_start3A_211] : memref<10240x128xf32, #tpu.memory_space<vmem_shared>> -> memref<10240x128xf32, #tpu.memory_space<vmem_shared>>
      tpu.enqueue_indirect_dma source(%arg18 : memref<64x128xf32, #tpu.memory_space<vmem>>) target(%dma_start3A_212 : memref<10240x128xf32, #tpu.memory_space<vmem_shared>>) offsets(%arg11 : memref<64xi32, #tpu.memory_space<vmem>>) semaphore(%arg24 : memref<!tpu.dma_semaphore, #tpu.memory_space<semaphore_mem>>) {add = true}
      %dma_wait3A_213 = arith.constant 0 : i32
      %dma_wait3A_214 = arith.constant 0 : i32
      %dma_wait3A_215 = tpu.memref_slice %arg2[%dma_wait3A_213, %dma_wait3A_214] : memref<10000x128xf32, #tpu.memory_space<hbm>> -> memref<10000x128xf32, #tpu.memory_space<hbm>>
      tpu.wait_indirect_dma semaphore(%arg25 : memref<!tpu.dma_semaphore, #tpu.memory_space<semaphore_mem>>) src(%dma_wait3A_215 : memref<10000x128xf32, #tpu.memory_space<hbm>>) dst(%arg19 : memref<64x128xf32, #tpu.memory_space<vmem>>)
      %dma_start3A_216 = arith.constant 0 : i32
      %dma_start3A_217 = arith.constant 0 : i32
      %dma_start3A_218 = tpu.memref_slice %arg21[%dma_start3A_216, %dma_start3A_217] : memref<10240x128xf32, #tpu.memory_space<vmem_shared>> -> memref<10240x128xf32, #tpu.memory_space<vmem_shared>>
      tpu.enqueue_indirect_dma source(%arg19 : memref<64x128xf32, #tpu.memory_space<vmem>>) target(%dma_start3A_218 : memref<10240x128xf32, #tpu.memory_space<vmem_shared>>) offsets(%arg13 : memref<64xi32, #tpu.memory_space<vmem>>) semaphore(%arg25 : memref<!tpu.dma_semaphore, #tpu.memory_space<semaphore_mem>>) {add = true}
      %dma_wait3A_219 = arith.constant 0 : i32
      %dma_wait3A_220 = arith.constant 0 : i32
      %dma_wait3A_221 = tpu.memref_slice %arg2[%dma_wait3A_219, %dma_wait3A_220] : memref<10000x128xf32, #tpu.memory_space<hbm>> -> memref<10000x128xf32, #tpu.memory_space<hbm>>
      tpu.wait_indirect_dma semaphore(%arg26 : memref<!tpu.dma_semaphore, #tpu.memory_space<semaphore_mem>>) src(%dma_wait3A_221 : memref<10000x128xf32, #tpu.memory_space<hbm>>) dst(%arg20 : memref<64x128xf32, #tpu.memory_space<vmem>>)
      %dma_start3A_222 = arith.constant 0 : i32
      %dma_start3A_223 = arith.constant 0 : i32
      %dma_start3A_224 = tpu.memref_slice %arg21[%dma_start3A_222, %dma_start3A_223] : memref<10240x128xf32, #tpu.memory_space<vmem_shared>> -> memref<10240x128xf32, #tpu.memory_space<vmem_shared>>
      tpu.enqueue_indirect_dma source(%arg20 : memref<64x128xf32, #tpu.memory_space<vmem>>) target(%dma_start3A_224 : memref<10240x128xf32, #tpu.memory_space<vmem_shared>>) offsets(%arg15 : memref<64xi32, #tpu.memory_space<vmem>>) semaphore(%arg26 : memref<!tpu.dma_semaphore, #tpu.memory_space<semaphore_mem>>) {add = true}
      %dma_wait3A_225 = arith.constant 0 : i32
      %dma_wait3A_226 = arith.constant 0 : i32
      %dma_wait3A_227 = tpu.memref_slice %arg21[%dma_wait3A_225, %dma_wait3A_226] : memref<10240x128xf32, #tpu.memory_space<vmem_shared>> -> memref<10240x128xf32, #tpu.memory_space<vmem_shared>>
      tpu.wait_indirect_dma semaphore(%arg22 : memref<!tpu.dma_semaphore, #tpu.memory_space<semaphore_mem>>) src(%arg16 : memref<64x128xf32, #tpu.memory_space<vmem>>) dst(%dma_wait3A_227 : memref<10240x128xf32, #tpu.memory_space<vmem_shared>>)
      %add3A_228 = arith.constant 5 : i32
      %add3A_229 = arith.addi %mul3A_139, %add3A_228 : i32
      %add3A_230 = arith.constant 0 : i32
      %add3A_231 = arith.addi %add3A_229, %add3A_230 : i32
      %mul3A_232 = arith.constant 64 : i32
      %mul3A_233 = arith.muli %add3A_231, %mul3A_232 : i32
      %add3A_234 = arith.addi %mul3A_2, %mul3A_233 : i32
      %min3A_235 = arith.constant 327616 : i32
      %min3A_236 = arith.minsi %add3A_234, %min3A_235 : i32
      %dma_start3A_237 = tpu.memref_slice %arg3[%min3A_236] : memref<327680xi32, #tpu.memory_space<hbm>> -> memref<64xi32, #tpu.memory_space<hbm>>
      %dma_start3A_238 = tpu.memref_slice %arg3[%min3A_236] : memref<327680xi32, #tpu.memory_space<hbm>> -> memref<64xi32, #tpu.memory_space<hbm>>
      tpu.enqueue_dma source(%dma_start3A_238 : memref<64xi32, #tpu.memory_space<hbm>>) target(%arg6 : memref<64xi32, #tpu.memory_space<vmem>>) target_semaphore(%arg22 : memref<!tpu.dma_semaphore, #tpu.memory_space<semaphore_mem>>)
      %dma_start3A_239 = tpu.memref_slice %arg4[%min3A_236] : memref<327680xi32, #tpu.memory_space<hbm>> -> memref<64xi32, #tpu.memory_space<hbm>>
      %dma_start3A_240 = tpu.memref_slice %arg4[%min3A_236] : memref<327680xi32, #tpu.memory_space<hbm>> -> memref<64xi32, #tpu.memory_space<hbm>>
      tpu.enqueue_dma source(%dma_start3A_240 : memref<64xi32, #tpu.memory_space<hbm>>) target(%arg7 : memref<64xi32, #tpu.memory_space<vmem>>) target_semaphore(%arg22 : memref<!tpu.dma_semaphore, #tpu.memory_space<semaphore_mem>>)
      %dma_wait3A_241 = arith.constant 0 : i32
      %dma_wait3A_242 = arith.constant 0 : i32
      %dma_wait3A_243 = tpu.memref_slice %arg21[%dma_wait3A_241, %dma_wait3A_242] : memref<10240x128xf32, #tpu.memory_space<vmem_shared>> -> memref<10240x128xf32, #tpu.memory_space<vmem_shared>>
      tpu.wait_indirect_dma semaphore(%arg23 : memref<!tpu.dma_semaphore, #tpu.memory_space<semaphore_mem>>) src(%arg17 : memref<64x128xf32, #tpu.memory_space<vmem>>) dst(%dma_wait3A_243 : memref<10240x128xf32, #tpu.memory_space<vmem_shared>>)
      %add3A_244 = arith.constant 5 : i32
      %add3A_245 = arith.addi %mul3A_139, %add3A_244 : i32
      %add3A_246 = arith.constant 1 : i32
      %add3A_247 = arith.addi %add3A_245, %add3A_246 : i32
      %mul3A_248 = arith.constant 64 : i32
      %mul3A_249 = arith.muli %add3A_247, %mul3A_248 : i32
      %add3A_250 = arith.addi %mul3A_2, %mul3A_249 : i32
      %min3A_251 = arith.constant 327616 : i32
      %min3A_252 = arith.minsi %add3A_250, %min3A_251 : i32
      %dma_start3A_253 = tpu.memref_slice %arg3[%min3A_252] : memref<327680xi32, #tpu.memory_space<hbm>> -> memref<64xi32, #tpu.memory_space<hbm>>
      %dma_start3A_254 = tpu.memref_slice %arg3[%min3A_252] : memref<327680xi32, #tpu.memory_space<hbm>> -> memref<64xi32, #tpu.memory_space<hbm>>
      tpu.enqueue_dma source(%dma_start3A_254 : memref<64xi32, #tpu.memory_space<hbm>>) target(%arg8 : memref<64xi32, #tpu.memory_space<vmem>>) target_semaphore(%arg23 : memref<!tpu.dma_semaphore, #tpu.memory_space<semaphore_mem>>)
      %dma_start3A_255 = tpu.memref_slice %arg4[%min3A_252] : memref<327680xi32, #tpu.memory_space<hbm>> -> memref<64xi32, #tpu.memory_space<hbm>>
      %dma_start3A_256 = tpu.memref_slice %arg4[%min3A_252] : memref<327680xi32, #tpu.memory_space<hbm>> -> memref<64xi32, #tpu.memory_space<hbm>>
      tpu.enqueue_dma source(%dma_start3A_256 : memref<64xi32, #tpu.memory_space<hbm>>) target(%arg9 : memref<64xi32, #tpu.memory_space<vmem>>) target_semaphore(%arg23 : memref<!tpu.dma_semaphore, #tpu.memory_space<semaphore_mem>>)
      %dma_wait3A_257 = arith.constant 0 : i32
      %dma_wait3A_258 = arith.constant 0 : i32
      %dma_wait3A_259 = tpu.memref_slice %arg21[%dma_wait3A_257, %dma_wait3A_258] : memref<10240x128xf32, #tpu.memory_space<vmem_shared>> -> memref<10240x128xf32, #tpu.memory_space<vmem_shared>>
      tpu.wait_indirect_dma semaphore(%arg24 : memref<!tpu.dma_semaphore, #tpu.memory_space<semaphore_mem>>) src(%arg18 : memref<64x128xf32, #tpu.memory_space<vmem>>) dst(%dma_wait3A_259 : memref<10240x128xf32, #tpu.memory_space<vmem_shared>>)
      %add3A_260 = arith.constant 5 : i32
      %add3A_261 = arith.addi %mul3A_139, %add3A_260 : i32
      %add3A_262 = arith.constant 2 : i32
      %add3A_263 = arith.addi %add3A_261, %add3A_262 : i32
      %mul3A_264 = arith.constant 64 : i32
      %mul3A_265 = arith.muli %add3A_263, %mul3A_264 : i32
      %add3A_266 = arith.addi %mul3A_2, %mul3A_265 : i32
      %min3A_267 = arith.constant 327616 : i32
      %min3A_268 = arith.minsi %add3A_266, %min3A_267 : i32
      %dma_start3A_269 = tpu.memref_slice %arg3[%min3A_268] : memref<327680xi32, #tpu.memory_space<hbm>> -> memref<64xi32, #tpu.memory_space<hbm>>
      %dma_start3A_270 = tpu.memref_slice %arg3[%min3A_268] : memref<327680xi32, #tpu.memory_space<hbm>> -> memref<64xi32, #tpu.memory_space<hbm>>
      tpu.enqueue_dma source(%dma_start3A_270 : memref<64xi32, #tpu.memory_space<hbm>>) target(%arg10 : memref<64xi32, #tpu.memory_space<vmem>>) target_semaphore(%arg24 : memref<!tpu.dma_semaphore, #tpu.memory_space<semaphore_mem>>)
      %dma_start3A_271 = tpu.memref_slice %arg4[%min3A_268] : memref<327680xi32, #tpu.memory_space<hbm>> -> memref<64xi32, #tpu.memory_space<hbm>>
      %dma_start3A_272 = tpu.memref_slice %arg4[%min3A_268] : memref<327680xi32, #tpu.memory_space<hbm>> -> memref<64xi32, #tpu.memory_space<hbm>>
      tpu.enqueue_dma source(%dma_start3A_272 : memref<64xi32, #tpu.memory_space<hbm>>) target(%arg11 : memref<64xi32, #tpu.memory_space<vmem>>) target_semaphore(%arg24 : memref<!tpu.dma_semaphore, #tpu.memory_space<semaphore_mem>>)
      %dma_wait3A_273 = arith.constant 0 : i32
      %dma_wait3A_274 = arith.constant 0 : i32
      %dma_wait3A_275 = tpu.memref_slice %arg21[%dma_wait3A_273, %dma_wait3A_274] : memref<10240x128xf32, #tpu.memory_space<vmem_shared>> -> memref<10240x128xf32, #tpu.memory_space<vmem_shared>>
      tpu.wait_indirect_dma semaphore(%arg25 : memref<!tpu.dma_semaphore, #tpu.memory_space<semaphore_mem>>) src(%arg19 : memref<64x128xf32, #tpu.memory_space<vmem>>) dst(%dma_wait3A_275 : memref<10240x128xf32, #tpu.memory_space<vmem_shared>>)
      %add3A_276 = arith.constant 5 : i32
      %add3A_277 = arith.addi %mul3A_139, %add3A_276 : i32
      %add3A_278 = arith.constant 3 : i32
      %add3A_279 = arith.addi %add3A_277, %add3A_278 : i32
      %mul3A_280 = arith.constant 64 : i32
      %mul3A_281 = arith.muli %add3A_279, %mul3A_280 : i32
      %add3A_282 = arith.addi %mul3A_2, %mul3A_281 : i32
      %min3A_283 = arith.constant 327616 : i32
      %min3A_284 = arith.minsi %add3A_282, %min3A_283 : i32
      %dma_start3A_285 = tpu.memref_slice %arg3[%min3A_284] : memref<327680xi32, #tpu.memory_space<hbm>> -> memref<64xi32, #tpu.memory_space<hbm>>
      %dma_start3A_286 = tpu.memref_slice %arg3[%min3A_284] : memref<327680xi32, #tpu.memory_space<hbm>> -> memref<64xi32, #tpu.memory_space<hbm>>
      tpu.enqueue_dma source(%dma_start3A_286 : memref<64xi32, #tpu.memory_space<hbm>>) target(%arg12 : memref<64xi32, #tpu.memory_space<vmem>>) target_semaphore(%arg25 : memref<!tpu.dma_semaphore, #tpu.memory_space<semaphore_mem>>)
      %dma_start3A_287 = tpu.memref_slice %arg4[%min3A_284] : memref<327680xi32, #tpu.memory_space<hbm>> -> memref<64xi32, #tpu.memory_space<hbm>>
      %dma_start3A_288 = tpu.memref_slice %arg4[%min3A_284] : memref<327680xi32, #tpu.memory_space<hbm>> -> memref<64xi32, #tpu.memory_space<hbm>>
      tpu.enqueue_dma source(%dma_start3A_288 : memref<64xi32, #tpu.memory_space<hbm>>) target(%arg13 : memref<64xi32, #tpu.memory_space<vmem>>) target_semaphore(%arg25 : memref<!tpu.dma_semaphore, #tpu.memory_space<semaphore_mem>>)
      %dma_wait3A_289 = arith.constant 0 : i32
      %dma_wait3A_290 = arith.constant 0 : i32
      %dma_wait3A_291 = tpu.memref_slice %arg21[%dma_wait3A_289, %dma_wait3A_290] : memref<10240x128xf32, #tpu.memory_space<vmem_shared>> -> memref<10240x128xf32, #tpu.memory_space<vmem_shared>>
      tpu.wait_indirect_dma semaphore(%arg26 : memref<!tpu.dma_semaphore, #tpu.memory_space<semaphore_mem>>) src(%arg20 : memref<64x128xf32, #tpu.memory_space<vmem>>) dst(%dma_wait3A_291 : memref<10240x128xf32, #tpu.memory_space<vmem_shared>>)
      %add3A_292 = arith.constant 5 : i32
      %add3A_293 = arith.addi %mul3A_139, %add3A_292 : i32
      %add3A_294 = arith.constant 4 : i32
      %add3A_295 = arith.addi %add3A_293, %add3A_294 : i32
      %mul3A_296 = arith.constant 64 : i32
      %mul3A_297 = arith.muli %add3A_295, %mul3A_296 : i32
      %add3A_298 = arith.addi %mul3A_2, %mul3A_297 : i32
      %min3A_299 = arith.constant 327616 : i32
      %min3A_300 = arith.minsi %add3A_298, %min3A_299 : i32
      %dma_start3A_301 = tpu.memref_slice %arg3[%min3A_300] : memref<327680xi32, #tpu.memory_space<hbm>> -> memref<64xi32, #tpu.memory_space<hbm>>
      %dma_start3A_302 = tpu.memref_slice %arg3[%min3A_300] : memref<327680xi32, #tpu.memory_space<hbm>> -> memref<64xi32, #tpu.memory_space<hbm>>
      tpu.enqueue_dma source(%dma_start3A_302 : memref<64xi32, #tpu.memory_space<hbm>>) target(%arg14 : memref<64xi32, #tpu.memory_space<vmem>>) target_semaphore(%arg26 : memref<!tpu.dma_semaphore, #tpu.memory_space<semaphore_mem>>)
      %dma_start3A_303 = tpu.memref_slice %arg4[%min3A_300] : memref<327680xi32, #tpu.memory_space<hbm>> -> memref<64xi32, #tpu.memory_space<hbm>>
      %dma_start3A_304 = tpu.memref_slice %arg4[%min3A_300] : memref<327680xi32, #tpu.memory_space<hbm>> -> memref<64xi32, #tpu.memory_space<hbm>>
      tpu.enqueue_dma source(%dma_start3A_304 : memref<64xi32, #tpu.memory_space<hbm>>) target(%arg15 : memref<64xi32, #tpu.memory_space<vmem>>) target_semaphore(%arg26 : memref<!tpu.dma_semaphore, #tpu.memory_space<semaphore_mem>>)
    }
    %scan3A_92 = arith.constant 32 : i32
    %dma_wait3A = arith.constant 0 : i32
    %dma_wait3A_93 = tpu.memref_slice %arg3[%dma_wait3A] : memref<327680xi32, #tpu.memory_space<hbm>> -> memref<64xi32, #tpu.memory_space<hbm>>
    %dma_wait3A_94 = arith.constant 0 : i32
    %dma_wait3A_95 = tpu.memref_slice %arg3[%dma_wait3A_94] : memref<327680xi32, #tpu.memory_space<hbm>> -> memref<64xi32, #tpu.memory_space<hbm>>
    tpu.wait_dma2 semaphore(%arg22 : memref<!tpu.dma_semaphore, #tpu.memory_space<semaphore_mem>>) src(%dma_wait3A_95 : memref<64xi32, #tpu.memory_space<hbm>>) dst(%arg6 : memref<64xi32, #tpu.memory_space<vmem>>)
    %dma_wait3A_96 = arith.constant 0 : i32
    %dma_wait3A_97 = tpu.memref_slice %arg4[%dma_wait3A_96] : memref<327680xi32, #tpu.memory_space<hbm>> -> memref<64xi32, #tpu.memory_space<hbm>>
    %dma_wait3A_98 = arith.constant 0 : i32
    %dma_wait3A_99 = tpu.memref_slice %arg4[%dma_wait3A_98] : memref<327680xi32, #tpu.memory_space<hbm>> -> memref<64xi32, #tpu.memory_space<hbm>>
    tpu.wait_dma2 semaphore(%arg22 : memref<!tpu.dma_semaphore, #tpu.memory_space<semaphore_mem>>) src(%dma_wait3A_99 : memref<64xi32, #tpu.memory_space<hbm>>) dst(%arg7 : memref<64xi32, #tpu.memory_space<vmem>>)
    %dma_wait3A_100 = arith.constant 0 : i32
    %dma_wait3A_101 = tpu.memref_slice %arg3[%dma_wait3A_100] : memref<327680xi32, #tpu.memory_space<hbm>> -> memref<64xi32, #tpu.memory_space<hbm>>
    %dma_wait3A_102 = arith.constant 0 : i32
    %dma_wait3A_103 = tpu.memref_slice %arg3[%dma_wait3A_102] : memref<327680xi32, #tpu.memory_space<hbm>> -> memref<64xi32, #tpu.memory_space<hbm>>
    tpu.wait_dma2 semaphore(%arg23 : memref<!tpu.dma_semaphore, #tpu.memory_space<semaphore_mem>>) src(%dma_wait3A_103 : memref<64xi32, #tpu.memory_space<hbm>>) dst(%arg8 : memref<64xi32, #tpu.memory_space<vmem>>)
    %dma_wait3A_104 = arith.constant 0 : i32
    %dma_wait3A_105 = tpu.memref_slice %arg4[%dma_wait3A_104] : memref<327680xi32, #tpu.memory_space<hbm>> -> memref<64xi32, #tpu.memory_space<hbm>>
    %dma_wait3A_106 = arith.constant 0 : i32
    %dma_wait3A_107 = tpu.memref_slice %arg4[%dma_wait3A_106] : memref<327680xi32, #tpu.memory_space<hbm>> -> memref<64xi32, #tpu.memory_space<hbm>>
    tpu.wait_dma2 semaphore(%arg23 : memref<!tpu.dma_semaphore, #tpu.memory_space<semaphore_mem>>) src(%dma_wait3A_107 : memref<64xi32, #tpu.memory_space<hbm>>) dst(%arg9 : memref<64xi32, #tpu.memory_space<vmem>>)
    %dma_wait3A_108 = arith.constant 0 : i32
    %dma_wait3A_109 = tpu.memref_slice %arg3[%dma_wait3A_108] : memref<327680xi32, #tpu.memory_space<hbm>> -> memref<64xi32, #tpu.memory_space<hbm>>
    %dma_wait3A_110 = arith.constant 0 : i32
    %dma_wait3A_111 = tpu.memref_slice %arg3[%dma_wait3A_110] : memref<327680xi32, #tpu.memory_space<hbm>> -> memref<64xi32, #tpu.memory_space<hbm>>
    tpu.wait_dma2 semaphore(%arg24 : memref<!tpu.dma_semaphore, #tpu.memory_space<semaphore_mem>>) src(%dma_wait3A_111 : memref<64xi32, #tpu.memory_space<hbm>>) dst(%arg10 : memref<64xi32, #tpu.memory_space<vmem>>)
    %dma_wait3A_112 = arith.constant 0 : i32
    %dma_wait3A_113 = tpu.memref_slice %arg4[%dma_wait3A_112] : memref<327680xi32, #tpu.memory_space<hbm>> -> memref<64xi32, #tpu.memory_space<hbm>>
    %dma_wait3A_114 = arith.constant 0 : i32
    %dma_wait3A_115 = tpu.memref_slice %arg4[%dma_wait3A_114] : memref<327680xi32, #tpu.memory_space<hbm>> -> memref<64xi32, #tpu.memory_space<hbm>>
    tpu.wait_dma2 semaphore(%arg24 : memref<!tpu.dma_semaphore, #tpu.memory_space<semaphore_mem>>) src(%dma_wait3A_115 : memref<64xi32, #tpu.memory_space<hbm>>) dst(%arg11 : memref<64xi32, #tpu.memory_space<vmem>>)
    %dma_wait3A_116 = arith.constant 0 : i32
    %dma_wait3A_117 = tpu.memref_slice %arg3[%dma_wait3A_116] : memref<327680xi32, #tpu.memory_space<hbm>> -> memref<64xi32, #tpu.memory_space<hbm>>
    %dma_wait3A_118 = arith.constant 0 : i32
    %dma_wait3A_119 = tpu.memref_slice %arg3[%dma_wait3A_118] : memref<327680xi32, #tpu.memory_space<hbm>> -> memref<64xi32, #tpu.memory_space<hbm>>
    tpu.wait_dma2 semaphore(%arg25 : memref<!tpu.dma_semaphore, #tpu.memory_space<semaphore_mem>>) src(%dma_wait3A_119 : memref<64xi32, #tpu.memory_space<hbm>>) dst(%arg12 : memref<64xi32, #tpu.memory_space<vmem>>)
    %dma_wait3A_120 = arith.constant 0 : i32
    %dma_wait3A_121 = tpu.memref_slice %arg4[%dma_wait3A_120] : memref<327680xi32, #tpu.memory_space<hbm>> -> memref<64xi32, #tpu.memory_space<hbm>>
    %dma_wait3A_122 = arith.constant 0 : i32
    %dma_wait3A_123 = tpu.memref_slice %arg4[%dma_wait3A_122] : memref<327680xi32, #tpu.memory_space<hbm>> -> memref<64xi32, #tpu.memory_space<hbm>>
    tpu.wait_dma2 semaphore(%arg25 : memref<!tpu.dma_semaphore, #tpu.memory_space<semaphore_mem>>) src(%dma_wait3A_123 : memref<64xi32, #tpu.memory_space<hbm>>) dst(%arg13 : memref<64xi32, #tpu.memory_space<vmem>>)
    %dma_wait3A_124 = arith.constant 0 : i32
    %dma_wait3A_125 = tpu.memref_slice %arg3[%dma_wait3A_124] : memref<327680xi32, #tpu.memory_space<hbm>> -> memref<64xi32, #tpu.memory_space<hbm>>
    %dma_wait3A_126 = arith.constant 0 : i32
    %dma_wait3A_127 = tpu.memref_slice %arg3[%dma_wait3A_126] : memref<327680xi32, #tpu.memory_space<hbm>> -> memref<64xi32, #tpu.memory_space<hbm>>
    tpu.wait_dma2 semaphore(%arg26 : memref<!tpu.dma_semaphore, #tpu.memory_space<semaphore_mem>>) src(%dma_wait3A_127 : memref<64xi32, #tpu.memory_space<hbm>>) dst(%arg14 : memref<64xi32, #tpu.memory_space<vmem>>)
    %dma_wait3A_128 = arith.constant 0 : i32
    %dma_wait3A_129 = tpu.memref_slice %arg4[%dma_wait3A_128] : memref<327680xi32, #tpu.memory_space<hbm>> -> memref<64xi32, #tpu.memory_space<hbm>>
    %dma_wait3A_130 = arith.constant 0 : i32
    %dma_wait3A_131 = tpu.memref_slice %arg4[%dma_wait3A_130] : memref<327680xi32, #tpu.memory_space<hbm>> -> memref<64xi32, #tpu.memory_space<hbm>>
    tpu.wait_dma2 semaphore(%arg26 : memref<!tpu.dma_semaphore, #tpu.memory_space<semaphore_mem>>) src(%dma_wait3A_131 : memref<64xi32, #tpu.memory_space<hbm>>) dst(%arg15 : memref<64xi32, #tpu.memory_space<vmem>>)
    %barrier3A_132 = arith.constant 0 : index
    tpu.barrier barrier_id(%barrier3A_132)
    %mul3A_133 = arith.constant 640 : i32
    %mul3A_134 = arith.muli %arg1, %mul3A_133 : i32
    %mul3A_135 = arith.constant 640 : i32
    %mul3A_136 = arith.muli %arg1, %mul3A_135 : i32
    "tpu.region"() ({
      %run_scoped3A = tpu.sem_alloc : memref<!tpu.dma_semaphore, #tpu.memory_space<semaphore_mem>>
      %dma_start3A_137 = arith.constant 0 : i32
      %dma_start3A_138 = tpu.memref_slice %arg5[%arg0, %mul3A_136, %dma_start3A_137] : memref<2x10240x128xf32, #tpu.memory_space<hbm>> -> memref<1x640x128xf32, #tpu.memory_space<hbm>>
      %dma_start3A_139 = tpu.memref_squeeze %dma_start3A_138 : memref<1x640x128xf32, #tpu.memory_space<hbm>> -> memref<640x128xf32, #tpu.memory_space<hbm>>
      %dma_start3A_140 = arith.constant 0 : i32
      %dma_start3A_141 = tpu.memref_slice %arg21[%mul3A_134, %dma_start3A_140] : memref<10240x128xf32, #tpu.memory_space<vmem_shared>> -> memref<640x128xf32, #tpu.memory_space<vmem_shared>>
      tpu.enqueue_dma source(%dma_start3A_141 : memref<640x128xf32, #tpu.memory_space<vmem_shared>>) target(%dma_start3A_139 : memref<640x128xf32, #tpu.memory_space<hbm>>) target_semaphore(%run_scoped3A : memref<!tpu.dma_semaphore, #tpu.memory_space<semaphore_mem>>)
      %dma_wait3A_142 = arith.constant 0 : i32
      %dma_wait3A_143 = tpu.memref_slice %arg5[%arg0, %mul3A_136, %dma_wait3A_142] : memref<2x10240x128xf32, #tpu.memory_space<hbm>> -> memref<1x640x128xf32, #tpu.memory_space<hbm>>
      %dma_wait3A_144 = tpu.memref_squeeze %dma_wait3A_143 : memref<1x640x128xf32, #tpu.memory_space<hbm>> -> memref<640x128xf32, #tpu.memory_space<hbm>>
      %dma_wait3A_145 = arith.constant 0 : i32
      %dma_wait3A_146 = tpu.memref_slice %arg21[%mul3A_134, %dma_wait3A_145] : memref<10240x128xf32, #tpu.memory_space<vmem_shared>> -> memref<640x128xf32, #tpu.memory_space<vmem_shared>>
      tpu.wait_dma2 semaphore(%run_scoped3A : memref<!tpu.dma_semaphore, #tpu.memory_space<semaphore_mem>>) src(%dma_wait3A_146 : memref<640x128xf32, #tpu.memory_space<vmem_shared>>) dst(%dma_wait3A_144 : memref<640x128xf32, #tpu.memory_space<hbm>>)
      tpu.yield
    }) : () -> ()
    return
  }
}

module attributes {stable_mosaic.version = 14 : i64} {
  func.func @_mlp1_body(%arg0: i32, %arg1: memref<2000x128xf32, #tpu.memory_space<vmem>>, %arg2: memref<1x2000x128xf32, #tpu.memory_space<vmem>>, %arg3: memref<1x2000x128xf32, #tpu.memory_space<vmem>>, %arg4: memref<128x128xf32, #tpu.memory_space<vmem>>, %arg5: memref<1x128xf32, #tpu.memory_space<vmem>>, %arg6: memref<128x128xf32, #tpu.memory_space<vmem>>, %arg7: memref<1x128xf32, #tpu.memory_space<vmem>>, %arg8: memref<2000x128xf32, #tpu.memory_space<vmem>>) attributes {dimension_semantics = [#tpu.dimension_semantics<arbitrary>], iteration_bounds = array<i64: 5>, scalar_prefetch = 0 : i64, scratch_operands = 0 : i64, tpu.core_type = #tpu.core_type<tc>, window_params = [{transform_indices = @transform_0, window_bounds = array<i64: 2000, 128>}, {transform_indices = @transform_1, window_bounds = array<i64: 1, 2000, 128>}, {transform_indices = @transform_2, window_bounds = array<i64: 1, 2000, 128>}, {pipeline_mode = #tpu.pipeline_mode<synchronous>, transform_indices = @transform_3, window_bounds = array<i64: 128, 128>}, {pipeline_mode = #tpu.pipeline_mode<synchronous>, transform_indices = @transform_4, window_bounds = array<i64: 1, 128>}, {pipeline_mode = #tpu.pipeline_mode<synchronous>, transform_indices = @transform_5, window_bounds = array<i64: 128, 128>}, {pipeline_mode = #tpu.pipeline_mode<synchronous>, transform_indices = @transform_6, window_bounds = array<i64: 1, 128>}, {transform_indices = @transform_7, window_bounds = array<i64: 2000, 128>}]} {
    %get3A = arith.constant 0 : index
    %get3A_0 = arith.constant 0 : index
    %get3A_1 = vector.load %arg1[%get3A, %get3A_0] : memref<2000x128xf32, #tpu.memory_space<vmem>>, vector<2000x128xf32>
    %get3A_2 = arith.constant 0 : index
    %get3A_3 = arith.constant 0 : index
    %get3A_4 = arith.constant 0 : index
    %get3A_5 = vector.load %arg2[%get3A_2, %get3A_3, %get3A_4] : memref<1x2000x128xf32, #tpu.memory_space<vmem>>, vector<1x2000x128xf32>
    %get3A_6 = vector.shape_cast %get3A_5 : vector<1x2000x128xf32> to vector<2000x128xf32>
    %add3A = arith.addf %get3A_1, %get3A_6 : vector<2000x128xf32>
    %get3A_7 = arith.constant 0 : index
    %get3A_8 = arith.constant 0 : index
    %get3A_9 = arith.constant 0 : index
    %get3A_10 = vector.load %arg3[%get3A_7, %get3A_8, %get3A_9] : memref<1x2000x128xf32, #tpu.memory_space<vmem>>, vector<1x2000x128xf32>
    %get3A_11 = vector.shape_cast %get3A_10 : vector<1x2000x128xf32> to vector<2000x128xf32>
    %add3A_12 = arith.addf %add3A, %get3A_11 : vector<2000x128xf32>
    %get3A_13 = arith.constant 0 : index
    %get3A_14 = arith.constant 0 : index
    %get3A_15 = vector.load %arg4[%get3A_13, %get3A_14] : memref<128x128xf32, #tpu.memory_space<vmem>>, vector<128x128xf32>
    %dot_general3A = arith.constant dense<0.000000e+00> : vector<2000x128xf32>
    %dot_general3A_16 = tpu.matmul %add3A_12, %get3A_15, %dot_general3A {dimension_numbers = #tpu.dot_dimension_numbers<[1], [0], [0], [1], [0, 0, 1, 1], [], []>, transpose_lhs_hint = false} : vector<2000x128xf32>, vector<128x128xf32>, vector<2000x128xf32> -> vector<2000x128xf32>
    %get3A_17 = arith.constant 0 : index
    %get3A_18 = arith.constant 0 : index
    %get3A_19 = vector.load %arg5[%get3A_17, %get3A_18] : memref<1x128xf32, #tpu.memory_space<vmem>>, vector<1x128xf32>
    %add3A_20 = vector.broadcast %get3A_19 : vector<1x128xf32> to vector<2000x128xf32>
    %add3A_21 = arith.addf %dot_general3A_16, %add3A_20 : vector<2000x128xf32>
    %max3A = arith.constant 0.000000e+00 : f32
    %max3A_22 = vector.broadcast %max3A : f32 to vector<2000x128xf32>
    %max3A_23 = arith.maximumf %add3A_21, %max3A_22 : vector<2000x128xf32>
    %get3A_24 = arith.constant 0 : index
    %get3A_25 = arith.constant 0 : index
    %get3A_26 = vector.load %arg6[%get3A_24, %get3A_25] : memref<128x128xf32, #tpu.memory_space<vmem>>, vector<128x128xf32>
    %dot_general3A_27 = arith.constant dense<0.000000e+00> : vector<2000x128xf32>
    %dot_general3A_28 = tpu.matmul %max3A_23, %get3A_26, %dot_general3A_27 {dimension_numbers = #tpu.dot_dimension_numbers<[1], [0], [0], [1], [0, 0, 1, 1], [], []>, transpose_lhs_hint = false} : vector<2000x128xf32>, vector<128x128xf32>, vector<2000x128xf32> -> vector<2000x128xf32>
    %get3A_29 = arith.constant 0 : index
    %get3A_30 = arith.constant 0 : index
    %get3A_31 = vector.load %arg7[%get3A_29, %get3A_30] : memref<1x128xf32, #tpu.memory_space<vmem>>, vector<1x128xf32>
    %add3A_32 = vector.broadcast %get3A_31 : vector<1x128xf32> to vector<2000x128xf32>
    %add3A_33 = arith.addf %dot_general3A_28, %add3A_32 : vector<2000x128xf32>
    %max3A_34 = arith.constant 0.000000e+00 : f32
    %max3A_35 = vector.broadcast %max3A_34 : f32 to vector<2000x128xf32>
    %max3A_36 = arith.maximumf %add3A_33, %max3A_35 : vector<2000x128xf32>
    %swap3A = arith.constant 0 : index
    %swap3A_37 = arith.constant 0 : index
    %swap3A_38 = vector.load %arg8[%swap3A, %swap3A_37] : memref<2000x128xf32, #tpu.memory_space<vmem>>, vector<2000x128xf32>
    tpu.vector_store %arg8[%swap3A, %swap3A_37], %max3A_36 {strides = array<i32>} : memref<2000x128xf32, #tpu.memory_space<vmem>>, vector<2000x128xf32>,
    return
  }
  func.func @transform_0(%arg0: i32) -> (i32, i32) {
    %c0_i32 = arith.constant 0 : i32
    %c0_i32_0 = arith.constant 0 : i32
    return %arg0, %c0_i32 : i32, i32
  }
  func.func @transform_1(%arg0: i32) -> (i32, i32, i32) {
    %c0_i32 = arith.constant 0 : i32
    %c0_i32_0 = arith.constant 0 : i32
    %c0_i32_1 = arith.constant 0 : i32
    return %c0_i32, %arg0, %c0_i32_0 : i32, i32, i32
  }
  func.func @transform_2(%arg0: i32) -> (i32, i32, i32) {
    %c1_i32 = arith.constant 1 : i32
    %c0_i32 = arith.constant 0 : i32
    %c0_i32_0 = arith.constant 0 : i32
    return %c1_i32, %arg0, %c0_i32 : i32, i32, i32
  }
  func.func @transform_3(%arg0: i32) -> (i32, i32) {
    %c0_i32 = arith.constant 0 : i32
    %c0_i32_0 = arith.constant 0 : i32
    %c0_i32_1 = arith.constant 0 : i32
    return %c0_i32, %c0_i32_0 : i32, i32
  }
  func.func @transform_4(%arg0: i32) -> (i32, i32) {
    %c0_i32 = arith.constant 0 : i32
    %c0_i32_0 = arith.constant 0 : i32
    %c0_i32_1 = arith.constant 0 : i32
    return %c0_i32, %c0_i32_0 : i32, i32
  }
  func.func @transform_5(%arg0: i32) -> (i32, i32) {
    %c0_i32 = arith.constant 0 : i32
    %c0_i32_0 = arith.constant 0 : i32
    %c0_i32_1 = arith.constant 0 : i32
    return %c0_i32, %c0_i32_0 : i32, i32
  }
  func.func @transform_6(%arg0: i32) -> (i32, i32) {
    %c0_i32 = arith.constant 0 : i32
    %c0_i32_0 = arith.constant 0 : i32
    %c0_i32_1 = arith.constant 0 : i32
    return %c0_i32, %c0_i32_0 : i32, i32
  }
  func.func @transform_7(%arg0: i32) -> (i32, i32) {
    %c0_i32 = arith.constant 0 : i32
    %c0_i32_0 = arith.constant 0 : i32
    return %arg0, %c0_i32 : i32, i32
  }
}

module attributes {stable_mosaic.version = 14 : i64} {
  func.func @_mlp2_pool_body(%arg0: i32, %arg1: memref<2000x128xf32, #tpu.memory_space<vmem>>, %arg2: memref<1x2000x128xf32, #tpu.memory_space<vmem>>, %arg3: memref<1x2000x128xf32, #tpu.memory_space<vmem>>, %arg4: memref<128x128xf32, #tpu.memory_space<vmem>>, %arg5: memref<1x128xf32, #tpu.memory_space<vmem>>, %arg6: memref<128x128xf32, #tpu.memory_space<vmem>>, %arg7: memref<1x128xf32, #tpu.memory_space<vmem>>, %arg8: memref<2000x1xi32, #tpu.memory_space<vmem>>, %arg9: memref<128x128xf32, #tpu.memory_space<vmem>>, %arg10: memref<1x128xf32, #tpu.memory_space<vmem>>, %arg11: memref<16x128xf32, #tpu.memory_space<vmem>>, %arg12: memref<16x128xf32, #tpu.memory_space<vmem>>) attributes {dimension_semantics = [#tpu.dimension_semantics<arbitrary>], iteration_bounds = array<i64: 5>, scalar_prefetch = 0 : i64, scratch_operands = 1 : i64, tpu.core_type = #tpu.core_type<tc>, window_params = [{transform_indices = @transform_0, window_bounds = array<i64: 2000, 128>}, {transform_indices = @transform_1, window_bounds = array<i64: 1, 2000, 128>}, {transform_indices = @transform_2, window_bounds = array<i64: 1, 2000, 128>}, {pipeline_mode = #tpu.pipeline_mode<synchronous>, transform_indices = @transform_3, window_bounds = array<i64: 128, 128>}, {pipeline_mode = #tpu.pipeline_mode<synchronous>, transform_indices = @transform_4, window_bounds = array<i64: 1, 128>}, {pipeline_mode = #tpu.pipeline_mode<synchronous>, transform_indices = @transform_5, window_bounds = array<i64: 128, 128>}, {pipeline_mode = #tpu.pipeline_mode<synchronous>, transform_indices = @transform_6, window_bounds = array<i64: 1, 128>}, {transform_indices = @transform_7, window_bounds = array<i64: 2000, 1>}, {pipeline_mode = #tpu.pipeline_mode<synchronous>, transform_indices = @transform_8, window_bounds = array<i64: 128, 128>}, {pipeline_mode = #tpu.pipeline_mode<synchronous>, transform_indices = @transform_9, window_bounds = array<i64: 1, 128>}, {pipeline_mode = #tpu.pipeline_mode<synchronous>, transform_indices = @transform_10, window_bounds = array<i64: 16, 128>}]} {
    %get3A = arith.constant 0 : index
    %get3A_0 = arith.constant 0 : index
    %get3A_1 = vector.load %arg1[%get3A, %get3A_0] : memref<2000x128xf32, #tpu.memory_space<vmem>>, vector<2000x128xf32>
    %get3A_2 = arith.constant 0 : index
    %get3A_3 = arith.constant 0 : index
    %get3A_4 = arith.constant 0 : index
    %get3A_5 = vector.load %arg2[%get3A_2, %get3A_3, %get3A_4] : memref<1x2000x128xf32, #tpu.memory_space<vmem>>, vector<1x2000x128xf32>
    %get3A_6 = vector.shape_cast %get3A_5 : vector<1x2000x128xf32> to vector<2000x128xf32>
    %add3A = arith.addf %get3A_1, %get3A_6 : vector<2000x128xf32>
    %get3A_7 = arith.constant 0 : index
    %get3A_8 = arith.constant 0 : index
    %get3A_9 = arith.constant 0 : index
    %get3A_10 = vector.load %arg3[%get3A_7, %get3A_8, %get3A_9] : memref<1x2000x128xf32, #tpu.memory_space<vmem>>, vector<1x2000x128xf32>
    %get3A_11 = vector.shape_cast %get3A_10 : vector<1x2000x128xf32> to vector<2000x128xf32>
    %add3A_12 = arith.addf %add3A, %get3A_11 : vector<2000x128xf32>
    %get3A_13 = arith.constant 0 : index
    %get3A_14 = arith.constant 0 : index
    %get3A_15 = vector.load %arg4[%get3A_13, %get3A_14] : memref<128x128xf32, #tpu.memory_space<vmem>>, vector<128x128xf32>
    %dot_general3A = arith.constant dense<0.000000e+00> : vector<2000x128xf32>
    %dot_general3A_16 = tpu.matmul %add3A_12, %get3A_15, %dot_general3A {dimension_numbers = #tpu.dot_dimension_numbers<[1], [0], [0], [1], [0, 0, 1, 1], [], []>, transpose_lhs_hint = false} : vector<2000x128xf32>, vector<128x128xf32>, vector<2000x128xf32> -> vector<2000x128xf32>
    %get3A_17 = arith.constant 0 : index
    %get3A_18 = arith.constant 0 : index
    %get3A_19 = vector.load %arg5[%get3A_17, %get3A_18] : memref<1x128xf32, #tpu.memory_space<vmem>>, vector<1x128xf32>
    %add3A_20 = vector.broadcast %get3A_19 : vector<1x128xf32> to vector<2000x128xf32>
    %add3A_21 = arith.addf %dot_general3A_16, %add3A_20 : vector<2000x128xf32>
    %max3A = arith.constant 0.000000e+00 : f32
    %max3A_22 = vector.broadcast %max3A : f32 to vector<2000x128xf32>
    %max3A_23 = arith.maximumf %add3A_21, %max3A_22 : vector<2000x128xf32>
    %get3A_24 = arith.constant 0 : index
    %get3A_25 = arith.constant 0 : index
    %get3A_26 = vector.load %arg6[%get3A_24, %get3A_25] : memref<128x128xf32, #tpu.memory_space<vmem>>, vector<128x128xf32>
    %dot_general3A_27 = arith.constant dense<0.000000e+00> : vector<2000x128xf32>
    %dot_general3A_28 = tpu.matmul %max3A_23, %get3A_26, %dot_general3A_27 {dimension_numbers = #tpu.dot_dimension_numbers<[1], [0], [0], [1], [0, 0, 1, 1], [], []>, transpose_lhs_hint = false} : vector<2000x128xf32>, vector<128x128xf32>, vector<2000x128xf32> -> vector<2000x128xf32>
    %get3A_29 = arith.constant 0 : index
    %get3A_30 = arith.constant 0 : index
    %get3A_31 = vector.load %arg7[%get3A_29, %get3A_30] : memref<1x128xf32, #tpu.memory_space<vmem>>, vector<1x128xf32>
    %add3A_32 = vector.broadcast %get3A_31 : vector<1x128xf32> to vector<2000x128xf32>
    %add3A_33 = arith.addf %dot_general3A_28, %add3A_32 : vector<2000x128xf32>
    %max3A_34 = arith.constant 0.000000e+00 : f32
    %max3A_35 = vector.broadcast %max3A_34 : f32 to vector<2000x128xf32>
    %max3A_36 = arith.maximumf %add3A_33, %max3A_35 : vector<2000x128xf32>
    %get3A_37 = arith.constant 0 : index
    %get3A_38 = arith.constant 0 : index
    %get3A_39 = vector.load %arg8[%get3A_37, %get3A_38] : memref<2000x1xi32, #tpu.memory_space<vmem>>, vector<2000x1xi32>
    %iota3A = tpu.iota {dimensions = array<i32: 1>} : vector<2000x16xi32>
    %eq3A = vector.broadcast %get3A_39 : vector<2000x1xi32> to vector<2000x16xi32>
    %eq3A_40 = arith.cmpi eq, %eq3A, %iota3A : vector<2000x16xi32>
    %convert_element_type3A = arith.extui %eq3A_40 : vector<2000x16xi1> to vector<2000x16xi32>
    %convert_element_type3A_41 = arith.sitofp %convert_element_type3A : vector<2000x16xi32> to vector<2000x16xf32>
    %dot_general3A_42 = arith.constant dense<0.000000e+00> : vector<16x128xf32>
    %dot_general3A_43 = tpu.matmul %convert_element_type3A_41, %max3A_36, %dot_general3A_42 {dimension_numbers = #tpu.dot_dimension_numbers<[0], [0], [1], [1], [0, 1, 1, 1], [], []>, transpose_lhs_hint = false} : vector<2000x16xf32>, vector<2000x128xf32>, vector<16x128xf32> -> vector<16x128xf32>
    %eq3A_44 = arith.constant 0 : i32
    %eq3A_45 = arith.cmpi eq, %arg0, %eq3A_44 : i32
    %convert_element_type3A_46 = arith.extui %eq3A_45 : i1 to i32
    %cond3A = arith.constant 0 : i32
    %cond3A_47 = arith.cmpi ne, %convert_element_type3A_46, %cond3A : i32
    scf.if %cond3A_47 {
      %broadcast_in_dim3A = arith.constant 0.000000e+00 : f32
      %broadcast_in_dim3A_59 = vector.broadcast %broadcast_in_dim3A : f32 to vector<16x128xf32>
      %swap3A_60 = arith.constant 0 : index
      %swap3A_61 = arith.constant 0 : index
      %swap3A_62 = vector.load %arg12[%swap3A_60, %swap3A_61] : memref<16x128xf32, #tpu.memory_space<vmem>>, vector<16x128xf32>
      tpu.vector_store %arg12[%swap3A_60, %swap3A_61], %broadcast_in_dim3A_59 {strides = array<i32>} : memref<16x128xf32, #tpu.memory_space<vmem>>, vector<16x128xf32>,
    } else {
    }
    %get3A_48 = arith.constant 0 : index
    %get3A_49 = arith.constant 0 : index
    %get3A_50 = vector.load %arg12[%get3A_48, %get3A_49] : memref<16x128xf32, #tpu.memory_space<vmem>>, vector<16x128xf32>
    %add3A_51 = arith.addf %get3A_50, %dot_general3A_43 : vector<16x128xf32>
    %swap3A = arith.constant 0 : index
    %swap3A_52 = arith.constant 0 : index
    %swap3A_53 = vector.load %arg12[%swap3A, %swap3A_52] : memref<16x128xf32, #tpu.memory_space<vmem>>, vector<16x128xf32>
    tpu.vector_store %arg12[%swap3A, %swap3A_52], %add3A_51 {strides = array<i32>} : memref<16x128xf32, #tpu.memory_space<vmem>>, vector<16x128xf32>,
    %eq3A_54 = arith.constant 4 : i32
    %eq3A_55 = arith.cmpi eq, %arg0, %eq3A_54 : i32
    %convert_element_type3A_56 = arith.extui %eq3A_55 : i1 to i32
    %cond3A_57 = arith.constant 0 : i32
    %cond3A_58 = arith.cmpi ne, %convert_element_type3A_56, %cond3A_57 : i32
    scf.if %cond3A_58 {
      %get3A_59 = arith.constant 0 : index
      %get3A_60 = arith.constant 0 : index
      %get3A_61 = vector.load %arg12[%get3A_59, %get3A_60] : memref<16x128xf32, #tpu.memory_space<vmem>>, vector<16x128xf32>
      %get3A_62 = arith.constant 0 : index
      %get3A_63 = arith.constant 0 : index
      %get3A_64 = vector.load %arg9[%get3A_62, %get3A_63] : memref<128x128xf32, #tpu.memory_space<vmem>>, vector<128x128xf32>
      %dot_general3A_65 = arith.constant dense<0.000000e+00> : vector<16x128xf32>
      %dot_general3A_66 = tpu.matmul %get3A_61, %get3A_64, %dot_general3A_65 {dimension_numbers = #tpu.dot_dimension_numbers<[1], [0], [0], [1], [0, 0, 1, 1], [], []>, transpose_lhs_hint = false} : vector<16x128xf32>, vector<128x128xf32>, vector<16x128xf32> -> vector<16x128xf32>
      %get3A_67 = arith.constant 0 : index
      %get3A_68 = arith.constant 0 : index
      %get3A_69 = vector.load %arg10[%get3A_67, %get3A_68] : memref<1x128xf32, #tpu.memory_space<vmem>>, vector<1x128xf32>
      %add3A_70 = vector.broadcast %get3A_69 : vector<1x128xf32> to vector<16x128xf32>
      %add3A_71 = arith.addf %dot_general3A_66, %add3A_70 : vector<16x128xf32>
      %reduce_max3A = arith.constant dense<0xFF800000> : vector<16xf32>
      %reduce_max3A_72 = vector.multi_reduction <maximumf>, %add3A_71, %reduce_max3A [1] : vector<16x128xf32> to vector<16xf32>
      %broadcast_in_dim3A = vector.shape_cast %reduce_max3A_72 : vector<16xf32> to vector<16x1xf32>
      %sub3A = vector.broadcast %broadcast_in_dim3A : vector<16x1xf32> to vector<16x128xf32>
      %sub3A_73 = arith.subf %add3A_71, %sub3A : vector<16x128xf32>
      %exp3A = math.exp %sub3A_73 : vector<16x128xf32>
      %reduce_sum3A = arith.constant dense<0.000000e+00> : vector<16xf32>
      %reduce_sum3A_74 = vector.multi_reduction <add>, %exp3A, %reduce_sum3A [1] : vector<16x128xf32> to vector<16xf32>
      %broadcast_in_dim3A_75 = vector.shape_cast %reduce_sum3A_74 : vector<16xf32> to vector<16x1xf32>
      %log3A = math.log %broadcast_in_dim3A_75 : vector<16x1xf32>
      %add3A_76 = arith.addf %log3A, %broadcast_in_dim3A : vector<16x1xf32>
      %sub3A_77 = vector.broadcast %add3A_76 : vector<16x1xf32> to vector<16x128xf32>
      %sub3A_78 = arith.subf %add3A_71, %sub3A_77 : vector<16x128xf32>
      %swap3A_79 = arith.constant 0 : index
      %swap3A_80 = arith.constant 0 : index
      %swap3A_81 = vector.load %arg11[%swap3A_79, %swap3A_80] : memref<16x128xf32, #tpu.memory_space<vmem>>, vector<16x128xf32>
      tpu.vector_store %arg11[%swap3A_79, %swap3A_80], %sub3A_78 {strides = array<i32>} : memref<16x128xf32, #tpu.memory_space<vmem>>, vector<16x128xf32>,
    } else {
    }
    return
  }
  func.func @transform_0(%arg0: i32) -> (i32, i32) {
    %c0_i32 = arith.constant 0 : i32
    %c0_i32_0 = arith.constant 0 : i32
    return %arg0, %c0_i32 : i32, i32
  }
  func.func @transform_1(%arg0: i32) -> (i32, i32, i32) {
    %c0_i32 = arith.constant 0 : i32
    %c0_i32_0 = arith.constant 0 : i32
    %c0_i32_1 = arith.constant 0 : i32
    return %c0_i32, %arg0, %c0_i32_0 : i32, i32, i32
  }
  func.func @transform_2(%arg0: i32) -> (i32, i32, i32) {
    %c1_i32 = arith.constant 1 : i32
    %c0_i32 = arith.constant 0 : i32
    %c0_i32_0 = arith.constant 0 : i32
    return %c1_i32, %arg0, %c0_i32 : i32, i32, i32
  }
  func.func @transform_3(%arg0: i32) -> (i32, i32) {
    %c0_i32 = arith.constant 0 : i32
    %c0_i32_0 = arith.constant 0 : i32
    %c0_i32_1 = arith.constant 0 : i32
    return %c0_i32, %c0_i32_0 : i32, i32
  }
  func.func @transform_4(%arg0: i32) -> (i32, i32) {
    %c0_i32 = arith.constant 0 : i32
    %c0_i32_0 = arith.constant 0 : i32
    %c0_i32_1 = arith.constant 0 : i32
    return %c0_i32, %c0_i32_0 : i32, i32
  }
  func.func @transform_5(%arg0: i32) -> (i32, i32) {
    %c0_i32 = arith.constant 0 : i32
    %c0_i32_0 = arith.constant 0 : i32
    %c0_i32_1 = arith.constant 0 : i32
    return %c0_i32, %c0_i32_0 : i32, i32
  }
  func.func @transform_6(%arg0: i32) -> (i32, i32) {
    %c0_i32 = arith.constant 0 : i32
    %c0_i32_0 = arith.constant 0 : i32
    %c0_i32_1 = arith.constant 0 : i32
    return %c0_i32, %c0_i32_0 : i32, i32
  }
  func.func @transform_7(%arg0: i32) -> (i32, i32) {
    %c0_i32 = arith.constant 0 : i32
    %c0_i32_0 = arith.constant 0 : i32
    return %arg0, %c0_i32 : i32, i32
  }
  func.func @transform_8(%arg0: i32) -> (i32, i32) {
    %c0_i32 = arith.constant 0 : i32
    %c0_i32_0 = arith.constant 0 : i32
    %c0_i32_1 = arith.constant 0 : i32
    return %c0_i32, %c0_i32_0 : i32, i32
  }
  func.func @transform_9(%arg0: i32) -> (i32, i32) {
    %c0_i32 = arith.constant 0 : i32
    %c0_i32_0 = arith.constant 0 : i32
    %c0_i32_1 = arith.constant 0 : i32
    return %c0_i32, %c0_i32_0 : i32, i32
  }
  func.func @transform_10(%arg0: i32) -> (i32, i32) {
    %c0_i32 = arith.constant 0 : i32
    %c0_i32_0 = arith.constant 0 : i32
    %c0_i32_1 = arith.constant 0 : i32
    return %c0_i32, %c0_i32_0 : i32, i32
  }
}

</mosaic_0001>

<sc_bundles>
// kernel: kernel.6.cloned.1.call-start
scs
__scs_entry_jumppad:
0x0: {  	(pc) =	sbr.rel $0x88, $3  }
0x1: {  	(tag) =	ssettag $0x0;
	lr =	simm.s32 $0x1  }
0x2: {  	[smem:$0x3F94] =	sst lr;
	_ =	strace $0xD0000000  }
0x3: {  	_ = 	snop  }
0x4: {  	_ = 	snop  }
0x5: {  	_ = 	snop  }
0x6: {  	_ = 	snop  }
0x7: {  	_ = 	snop  }
__scs_overlays_trampoline_lowered:
0x8: {  	[smem:$0x3FA3] =	sst s0  }
0x9: {  	[smem:$0x3FA4] =	sst s1  }
0xa: {  	[smem:$0x3FA5] =	sst s2  }
0xb: {  	[smem:$0x3FA6] =	sst s3  }
0xc: {  	[smem:$0x3FA7] =	sst s4  }
0xd: {  	[smem:$0x3FA8] =	sst s5  }
0xe: {  	[smem:$0x3FA9] =	sst s6  }
0xf: {  	[smem:$0x3FAA] =	sst s7  }
0x10: {  	[smem:$0x3FAB] =	sst s8  }
0x11: {  	[smem:$0x3FAC] =	sst s9;
	s0 =	simm.s32 @!p0 $0x0  }
0x12: {  	s1 =	sld [smem:$0x3F92];
	s0 =	simm.s32 @p0 $0x1  }
0x13: {  	[smem:$0x3FAD] =	sst s0;
	s0 =	simm.s32 @!p1 $0x0  }
0x14: {  	s2 =	sld [smem:$0x3F91];
	s0 =	simm.s32 @p1 $0x1  }
0x15: {  	[smem:$0x3FAE] =	sst s0;
	s0 =	simm.s32 @!p2 $0x0  }
0x16: {  	s3 =	sld [smem:$0x3FDB];
	s0 =	simm.s32 @p2 $0x1  }
0x17: {  	s4 =	simm.s32 $0x1BF5;
	[smem:$0x3FB0] =	sst s0  }
0x18: {  	s0 =	sld [smem:$0x3F93];
	_ =	swait.ge [sflag:s4], $0x0  }
0x19: {  	s7 =	sld [smem:$0x3F94]  }
0x1a: {  	s8 =	sadd.s32 $0xFFFFE003, lr  }
0x1b: {  	s9 =	sadd.s32 $0xFFFFFEF7, lr;
	s5 =	simm.s32 $0xFFFFFFFF;
	p2 =	slt.u32 s8, $0xFFFFF086  }
0x1c: {  	p1 =	slt.u32 s9, $0xF7A;
	s5 =	simm.s32 @!p2 $0x0  }
0x1d: {  	s5 =	simm.s32 @p1 $0x1;
	p0 =	seq.s32 s7, s2  }
0x1e: {  	s7 =	smul.u32 @!p0 $0xF7A, s2;
	p2 =	seq.s32 @!p0 s5, $0x0  }
0x1f: {  	s9 =	smul.u32 $0xF7A, s1;
	s8 =	simm.s32 @!p0 $0x1BF5;
	p2 =	por !p2, p0  }
0x20: {  	[sflag:s8] =	ssyncset.s32 @!p0 $0xFFFFF086;
	s6 =	sadd.s32 @!p0 s3, s7;
	s7 =	simm.s32 @!p0 $0x108  }
0x21: {  	s3 =	sadd.s32 s3, s9;
	s6 =	sadd.s32 @!p0 $0x88, s6;
	s7 =	simm.s32 @p2 $0x1082  }
0x22: {  	[simem:s7], [sflag:s8] =	dma.local @!p0 [hbm:s6], $0xF7A  }
0x23: {  	s9 =	sor.u32 $0xD0000000, s2;
	s6 =	simm.s32 $0x108;
	_ =	swait.ge @!p0 [sflag:s8], $0x0  }
0x24: {  	s3 =	sadd.s32 $0x88, s3;
	s6 =	simm.s32 @!p1 $0x1082;
	[sflag:s4] =	ssyncset.s32 $0xFFFFF086  }
0x25: {  	[simem:s6], [sflag:s4] =	dma.local [hbm:s3], $0xF7A  }
0x26: {  	[smem:$0x3F94] =	sst s1;
	(tag) =	ssettag s2;
	_ =	strace s9  }
0x27: {  	s1 =	sld [smem:$0x3FA4]  }
0x28: {  	s2 =	sld [smem:$0x3FA5]  }
0x29: {  	s4 =	sld [smem:$0x3FA7]  }
0x2a: {  	p0 =	seq.s32 s5, $0x0;
	s5 =	sld [smem:$0x3FA8]  }
0x2b: {  	s6 =	sld [smem:$0x3FA9]  }
0x2c: {  	s7 =	sld [smem:$0x3FAA]  }
0x2d: {  	s3 =	simm.s32 $0x108;
	s8 =	sld [smem:$0x3FAB]  }
0x2e: {  	s3 =	simm.s32 @!p0 $0x1082;
	s9 =	sld [smem:$0x3FAC]  }
0x2f: {  	lr =	sadd.s32 s0, s3;
	s0 =	sld [smem:$0x3FA3]  }
0x30: {  	s3 =	sld [smem:$0x3FA6]  }
0x31: {  	[smem:$0x3FAF] =	sst s10  }
0x32: {  	s10 =	sld [smem:$0x3FAD];
	_ =	sdelay $0x3  }
0x33: {  	p0 =	seq.s32 s10, $0x1;
	s10 =	sld [smem:$0x3FAF];
	_ =	sdelay $0x3  }
0x34: {  	[smem:$0x3FAF] =	sst s10  }
0x35: {  	s10 =	sld [smem:$0x3FAE];
	_ =	sdelay $0x3  }
0x36: {  	p1 =	seq.s32 s10, $0x1;
	s10 =	sld [smem:$0x3FAF];
	_ =	sdelay $0x3  }
0x37: {  	[smem:$0x3FAF] =	sst s10  }
0x38: {  	s10 =	sld [smem:$0x3FB0]  }
0x39: {  	_ = 	snop;
	(pc) =	sbr.ind lr, $3  }
0x3a: {  	_ = 	snop  }
0x3b: {  	_ = 	snop  }
0x3c: {  	p2 =	seq.s32 s10, $0x1;
	s10 =	sld [smem:$0x3FAF]  }
0x3d: {  	_ =	shalt  }
0x3e: {  	_ =	shalt  }
0x3f: {  	_ =	shalt  }
0x40: {  	_ =	shalt  }
0x41: {  	_ =	shalt  }
0x42: {  	_ =	shalt  }
0x43: {  	_ =	shalt  }
0x44: {  	_ =	shalt  }
0x45: {  	_ =	shalt  }
0x46: {  	_ =	shalt  }
0x47: {  	_ =	shalt  }
0x48: {  	_ =	shalt  }
0x49: {  	_ =	shalt  }
0x4a: {  	_ =	shalt  }
0x4b: {  	_ =	shalt  }
0x4c: {  	_ =	shalt  }
0x4d: {  	_ =	shalt  }
0x4e: {  	_ =	shalt  }
0x4f: {  	_ =	shalt  }
0x50: {  	_ =	shalt  }
0x51: {  	_ =	shalt  }
0x52: {  	_ =	shalt  }
0x53: {  	_ =	shalt  }
0x54: {  	_ =	shalt  }
0x55: {  	_ =	shalt  }
0x56: {  	_ =	shalt  }
0x57: {  	_ =	shalt  }
0x58: {  	_ =	shalt  }
0x59: {  	_ =	shalt  }
0x5a: {  	_ =	shalt  }
0x5b: {  	_ =	shalt  }
0x5c: {  	_ =	shalt  }
0x5d: {  	_ =	shalt  }
0x5e: {  	_ =	shalt  }
0x5f: {  	_ =	shalt  }
0x60: {  	_ =	shalt  }
0x61: {  	_ =	shalt  }
0x62: {  	_ =	shalt  }
0x63: {  	_ =	shalt  }
0x64: {  	_ =	shalt  }
0x65: {  	_ =	shalt  }
0x66: {  	_ =	shalt  }
0x67: {  	_ =	shalt  }
0x68: {  	_ =	shalt  }
0x69: {  	_ =	shalt  }
0x6a: {  	_ =	shalt  }
0x6b: {  	_ =	shalt  }
0x6c: {  	_ =	shalt  }
0x6d: {  	_ =	shalt  }
0x6e: {  	_ =	shalt  }
0x6f: {  	_ =	shalt  }
0x70: {  	_ =	shalt  }
0x71: {  	_ =	shalt  }
0x72: {  	_ =	shalt  }
0x73: {  	_ =	shalt  }
0x74: {  	_ =	shalt  }
0x75: {  	_ =	shalt  }
0x76: {  	_ =	shalt  }
0x77: {  	_ =	shalt  }
0x78: {  	_ =	shalt  }
0x79: {  	_ =	shalt  }
0x7a: {  	_ =	shalt  }
0x7b: {  	_ =	shalt  }
0x7c: {  	_ =	shalt  }
0x7d: {  	_ =	shalt  }
0x7e: {  	_ =	shalt  }
0x7f: {  	_ =	shalt  }
0x80: {  	_ =	shalt  }
0x81: {  	_ =	shalt  }
0x82: {  	_ =	shalt  }
0x83: {  	_ =	shalt  }
0x84: {  	_ =	shalt  }
0x85: {  	_ =	shalt  }
0x86: {  	_ =	shalt  }
0x87: {  	_ =	shalt  }
.Lfunc_end0:
.L_simem_size_0:
called_computation_lowered:
.L_overlay_start_0:
0x88: {  	s2 =	sld [smem:$0x3FD9]  }
0x89: {  	s3 =	sld [smem:$0x3FFE];
	_ =	sdelay $0x1  }
0x8a: {  	s1 =	srdreg.scid  }
0x8b: {  	s0 =	sand.u32 $0x1, s1  }
0x8c: {  	s17 =	sshll.u32 s0, $0xA;
	s2 =	sadd.s32 s3, s2  }
0x8d: {  	s2 =	sadd.s32 s2, s17  }
0x8e: {  	[smem:$0x3FBB] =	sst s2  }
0x8f: {  	_ = 	snop  }
0x90: {  	s2 =	sld [smem:$0x3FC9];
	(tm) =	ssettm $0x1  }
0x91: {  	s18 =	sld [smem:$0x3FFB];
	_ =	sdelay $0x3  }
0x92: {  	_ =	strace s18  }
0x93: {  	s3 =	sld [smem:$0x3FFC];
	_ =	sdelay $0x3  }
0x94: {  	_ =	strace s3  }
0x95: {  	s3 =	sld [smem:$0x3FFD];
	_ =	sdelay $0x3  }
0x96: {  	_ =	strace s3  }
0x97: {  	_ =	strace $0x8FFFFFFF  }
0x98: {  	s19 =	sld [smem:$0x3FDB];
	_ =	sdelay $0x1  }
0x99: {  	s4 =	simm.s32 $_scs_section_size  }
0x9a: {  	s5 =	simm.s32 $_size__tile_overlayer_lowered;
	s6 =	simm.s32 $_tile_overlayer_lowered  }
0x9b: {  	s22 =	simm.s32 $0x1BFF;
	s21 =	sshll.u32 s6, $0x1;
	s3 =	sadd.s32 s4, s19  }
0x9c: {  	s7 =	simm.s32 $0x0;
	s20 =	sshll.u32 s5, $0x1;
	s5 =	sadd.s32 s21, s3  }
0x9d: {  	[timem:s7], [sflag:s22] =	dma.local [hbm:s5], s20  }
0x9e: {  	_ =	swait.ge [sflag:s22], s20  }
0x9f: {  	s4 =	ssub.s32 $0x0, s20;
	[sflag:s22] =	ssyncset.done $0x0  }
0xa0: {  	[sflag:s22] =	ssyncadd.s32 s4;
	_ =	sdelay $0x1  }
0xa1: {  	s23 =	simm.s32 $0x1B8B  }
0xa2: {  	_ =	swait.ge [sflag:s23], $0x1  }
0xa3: {  	[sflag:s23] =	ssyncset.done $0x0  }
0xa4: {  	s25 =	simm.s32 $0x1B8E;
	s24 =	sld [smem:$0x3FFE];
	[sflag:s23] =	ssyncadd.s32 $0xFFFFFFFF  }
0xa5: {  	s26 =	simm.s32 $execute0_lowered;
	[smem:$0x3FD2] =	sst s25  }
0xa6: {  	s5 =	sshll.u32 s26, $0x1;
	_ =	strace $0x80000046;
	[dreg:$0x1] =	wrdreg $0xFFFFFFFF  }
0xa7: {  	s28 =	simm.s32 $_size_execute0_lowered;
	s3 =	sadd.s32 s3, s5;
	[dreg:$0x0] =	wrdreg $0x0  }
0xa8: {  	s5 =	sshll.u32 s28, $0x1;
	[dreg:$0x2] =	wrdreg s3  }
0xa9: {  	[dreg:$0x3] =	wrdreg s5  }
0xaa: {  	[dreg:$0x4] =	wrdreg $0xC0  }
0xab: {  	_ =	task [dreg:s7], $0x5FFFF  }
0xac: {  	[dreg:$0x1] =	wrdreg $0xFFFFFFFF  }
0xad: {  	[dreg:$0x0] =	wrdreg $0x60  }
0xae: {  	[dreg:$0x2] =	wrdreg s2  }
0xaf: {  	[dreg:$0x3] =	wrdreg s24  }
0xb0: {  	[dreg:$0x4] =	wrdreg $0xA5000  }
0xb1: {  	[dreg:$0x5] =	wrdreg $0x9  }
0xb2: {  	_ =	task.clear_ibuf [dreg:s7], $0x6FFFF;
	_ =	strace $0x90000046  }
0xb3: {  	s29 =	simm.s32 $0x9;
	_ =	strace $0x80000048  }
0xb4: {  	_ =	swait.ge [sflag:s29], $0x1  }
0xb5: {  	[sflag:s29] =	ssyncadd.s32 $0xFFFFFFFF  }
0xb6: {  	_ =	strace $0x90000048  }
0xb7: {  	_ =	sfence  }
0xb8: {  	s30 =	sld [smem:$0x0];
	_ =	sdelay $0x2  }
0xb9: {  	s31 =	sshll.u32 s1, $0xD;
	s1 =	sshrl.u32 s1, $0x2  }
0xba: {  	s3 =	sand.u32 $0x4000, s31;
	s1 =	sadd.s32 s1, s30  }
0xbb: {  	s0 =	sor.u32 s3, s0;
	s1 =	sshll.u32 s1, $0x11  }
0xbc: {  	s0 =	sor.u32 s1, s0  }
0xbd: {  	s0 =	sadd.s32 $0x8F2B, s0  }
0xbe: {  	[sflag:s0] =	ssyncadd.remote.s32 $0x1  }
0xbf: {  	_ =	sfence.sel $0xFFFF  }
0xc0: {  	[dreg:$0x0] =	wrdreg $0xFFFFFFFF;
	(pc) =	sbr.abs _section_cstart, $3  }
0xc1: {  	[dreg:$0x1] =	wrdreg $0xFFFFFFFF  }
0xc2: {  	_ =	task.clear_ibuf [dreg:s7], $0x2FFFF;
	_ =	strace $0x9FFFFFFF  }
0xc3: {  	(tm) =	ssettm $0x7FFFFFFF  }
tec
execute0_lowered:
.L_overlay_start_1:
0x0: {  	(tag) =	ssettag $0x1  }
0x1: {  	s1 =	rddreg [dreg:$0x0]  }
0x2: {  	s0 =	rddreg [dreg:$0x1]  }
0x3: {  	s2 =	rddreg [dreg:$0x2];
	s12 =	stileid.u32  }
0x4: {  	s3 =	srdreg.scid;
	s7 =	smul.u32 $0x14000, s12  }
0x5: {  	s4 =	simm.s32 $0x0;
	s3 =	sand.u32 $0x1, s3;
	s17 =	smul.u32 $0x2800, s12  }
0x6: {  	s30 =	simm.s32 $0x80;
	s6 =	smul.u32 $0x140000, s3;
	s8 =	sshll.u32 s3, $0x4  }
0x7: {  	s9 =	ssub.s32 $0x2, s3;
	s3 =	smul.u32 $0x28000, s3;
	s8 =	sor.u32 s12, s8  }
0x8: {  	[smem:$0x7FF] =	sst s4;
	s5 =	sadd.s32 $0x2800, s0;
	s8 =	smul.u32 $0x2800, s8  }
0x9: {  	_ =	strace $0x80000047;
	s10 =	sshrl.u32 s9, $0x1;
	s7 =	sadd.s32 s7, s6  }
0xa: {  	s6 =	sadd.s32 $0xC800, s0;
	s3 =	sadd.s32 s17, s3;
	s8 =	sshrl.u32 s8, $0x3  }
0xb: {  	s7 =	sshrl.u32 s7, $0x3;
	[dreg:$0x4] =	wrdreg s3;
	s22 =	sadd.s32 s5, s8  }
0xc: {  	s0 =	sadd.s32 s7, s0;
	s23 =	sadd.s32 s6, s8;
	[dreg:$0x5] =	wrdreg s22  }
0xd: {  	s24 =	sor.u32 $0x8, s8;
	s0 =	sadd.s32 $0x16800, s0;
	[dreg:$0x6] =	wrdreg s23  }
0xe: {  	s7 =	ssub.s32 s9, s10;
	s25 =	sadd.s32 s5, s24;
	[dreg:$0x16] =	wrdreg s0  }
0xf: {  	s26 =	sor.u32 $0x10, s8;
	s9 =	sadd.s32 s6, s24;
	[dreg:$0x7] =	wrdreg s25  }
0x10: {  	s29 =	sor.u32 $0x18, s8;
	s28 =	sadd.s32 s5, s26;
	[dreg:$0x8] =	wrdreg s9  }
0x11: {  	s11 =	smul.u32 $0x50000, s12;
	s13 =	sadd.s32 s5, s29;
	[dreg:$0x9] =	wrdreg s28  }
0x12: {  	s8 =	sor.u32 $0x20, s8;
	s14 =	sadd.s32 s6, s29;
	[dreg:$0xb] =	wrdreg s13  }
0x13: {  	s31 =	simm.s32 $0x100;
	s16 =	sadd.s32 s5, s8;
	[dreg:$0xc] =	wrdreg s14  }
0x14: {  	s15 =	sshrl.u32 s11, $0x2;
	s8 =	sadd.s32 s6, s8;
	[dreg:$0xd] =	wrdreg s16  }
0x15: {  	s11 =	simm.s32 $0x480;
	s24 =	smax.u32 s7, $0x1;
	[dreg:$0xf] =	wrdreg s8  }
0x16: {  	s12 =	simm.s32 $0x500;
	s9 =	sadd.s32 s6, s26;
	[dreg:$0x17] =	wrdreg s24  }
0x17: {  	s17 =	simm.s32 $0x2;
	s25 =	sadd.s32 s15, s2;
	[dreg:$0xa] =	wrdreg s9  }
0x18: {  	s3 =	simm.s32 $0x200;
	s18 =	sadd.s32 $0x2000, s25;
	[dreg:$0xe] =	wrdreg s25  }
0x19: {  	s10 =	simm.s32 $0x400;
	s19 =	sadd.s32 $0x4000, s25;
	[dreg:$0x10] =	wrdreg s18  }
0x1a: {  	s0 =	simm.s32 $0x180;
	s20 =	sadd.s32 $0x6000, s25;
	[dreg:$0x11] =	wrdreg s19  }
0x1b: {  	s7 =	simm.s32 $0x280;
	s21 =	sadd.s32 $0x8000, s25;
	[dreg:$0x12] =	wrdreg s20  }
0x1c: {  	s8 =	simm.s32 $0x300;
	s22 =	sadd.s32 $0xA000, s25;
	[dreg:$0x13] =	wrdreg s21  }
0x1d: {  	s16 =	simm.s32 $0x6;
	s23 =	sadd.s32 $0xC000, s25;
	[dreg:$0x14] =	wrdreg s22  }
0x1e: {  	s14 =	simm.s32 $0x1;
	s26 =	sadd.s32 $0xE000, s25;
	[dreg:$0x15] =	wrdreg s23  }
0x1f: {  	s15 =	simm.s32 $0x40;
	s28 =	sadd.s32 $0x10000, s25;
	[dreg:$0x18] =	wrdreg s26  }
0x20: {  	s24 =	simm.s32 $0x8500;
	s29 =	sadd.s32 $0x12000, s25;
	[dreg:$0x19] =	wrdreg s28  }
0x21: {  	s9 =	simm.s32 $0x380;
	[dreg:$0x1a] =	wrdreg s29;
	s18 =	simm.s32 $0x2500  }
0x22: {  	s19 =	simm.s32 $0x3;
	s20 =	simm.s32 $0x4500;
	s21 =	simm.s32 $0x4  }
0x23: {  	v0 =	vimm.f32 $0.0e+00;
	s22 =	simm.s32 $0x6500;
	s23 =	simm.s32 $0x5;
	s26 =	simm.s32 $0x0  }
.LBB2_1:
0x24: {  	[dreg:$0x1b] =	wrdreg s26  }
0x25: {  	s13 =	rddreg [dreg:$0x5]  }
0x26: {  	[tilespmem:s4], [sflag:$0x1] =	stream.linear.gather [hbm4b:s13+s4], $0x40, $0x38;
	[tilespmem:$0x1E500] =	vst v63  }
0x27: {  	s29 =	rddreg [dreg:$0x6]  }
0x28: {  	[tilespmem:s30], [sflag:$0x1] =	stream.linear.gather [hbm4b:s29+s4], $0x40, $0x38;
	[tilespmem:$0x1E500] =	vst v63  }
0x29: {  	s26 =	rddreg [dreg:$0x7]  }
0x2a: {  	[tilespmem:s31], [sflag:$0x2] =	stream.linear.gather [hbm4b:s26+s4], $0x40, $0x38;
	[tilespmem:$0x1E500] =	vst v63  }
0x2b: {  	s29 =	rddreg [dreg:$0x8]  }
0x2c: {  	[tilespmem:s0], [sflag:$0x2] =	stream.linear.gather [hbm4b:s29+s4], $0x40, $0x38;
	[tilespmem:$0x1E500] =	vst v63  }
0x2d: {  	s26 =	rddreg [dreg:$0x9]  }
0x2e: {  	[tilespmem:s3], [sflag:$0x3] =	stream.linear.gather [hbm4b:s26+s4], $0x40, $0x38;
	[tilespmem:$0x1E500] =	vst v63  }
0x2f: {  	s29 =	rddreg [dreg:$0xa]  }
0x30: {  	[tilespmem:s7], [sflag:$0x3] =	stream.linear.gather [hbm4b:s29+s4], $0x40, $0x38;
	[tilespmem:$0x1E500] =	vst v63  }
0x31: {  	s26 =	rddreg [dreg:$0xb]  }
0x32: {  	[tilespmem:s8], [sflag:$0x4] =	stream.linear.gather [hbm4b:s26+s4], $0x40, $0x38;
	[tilespmem:$0x1E500] =	vst v63  }
0x33: {  	s29 =	rddreg [dreg:$0xc]  }
0x34: {  	[tilespmem:s9], [sflag:$0x4] =	stream.linear.gather [hbm4b:s29+s4], $0x40, $0x38;
	[tilespmem:$0x1E500] =	vst v63  }
0x35: {  	s26 =	rddreg [dreg:$0xd]  }
0x36: {  	[tilespmem:s10], [sflag:$0x5] =	stream.linear.gather [hbm4b:s26+s4], $0x40, $0x38;
	[tilespmem:$0x1E500] =	vst v63  }
0x37: {  	s28 =	simm.s32 $0x200;
	s29 =	rddreg [dreg:$0xf];
	s26 =	simm.s32 $0x0  }
0x38: {  	[tilespmem:s11], [sflag:$0x5] =	stream.linear.gather [hbm4b:s29+s4], $0x40, $0x38;
	[tilespmem:$0x1E500] =	vst v63  }
.LBB2_2:
0x39: {  	p0 =	sne.s32 s28, $0x7E00;
	[tilespmem:s26+$0x570] =	vst v0  }
0x3a: {  	[tilespmem:s26+$0x500] =	vst v0  }
0x3b: {  	[tilespmem:s26+$0x510] =	vst v0  }
.Ltmp0:
0x3c: {  	[tilespmem:s26+$0x520] =	vst v0;
	(pc) =	sbr.rel @p0 .LBB2_2-.Ltmp0, $4  }
0x3d: {  	[tilespmem:s26+$0x530] =	vst v0  }
0x3e: {  	[tilespmem:s26+$0x540] =	vst v0  }
0x3f: {  	[tilespmem:s26+$0x550] =	vst v0  }
0x40: {  	[tilespmem:s26+$0x560] =	vst v0;
	s26 =	sshra.s32 s28, $0x2;
	s28 =	sadd.s32 $0x200, s28  }
0x41: {  	[tilespmem:s26+$0x570] =	vst v0  }
0x42: {  	[tilespmem:s26+$0x500] =	vst v0  }
0x43: {  	[tilespmem:s26+$0x510] =	vst v0  }
0x44: {  	[tilespmem:s26+$0x520] =	vst v0  }
0x45: {  	[tilespmem:s26+$0x530] =	vst v0  }
0x46: {  	[tilespmem:s26+$0x540] =	vst v0  }
0x47: {  	[tilespmem:s26+$0x550] =	vst v0  }
0x48: {  	[tilespmem:s26+$0x560] =	vst v0  }
0x49: {  	[spmem:s25] =	stream.linear.scatter [tilespmem:s12], [sflag:$0x6], $0x2000, $0x38;
	[tilespmem:$0x1E500] =	vst v63  }
0x4a: {  	_ =	swait.ge [sflag:s16], $0x2000  }
0x4b: {  	[sflag:s16] =	ssyncset.done $0x0  }
0x4c: {  	s13 =	rddreg [dreg:$0x10];
	[sflag:s16] =	ssyncadd.s32 $0xFFFFE000  }
0x4d: {  	[spmem:s13] =	stream.linear.scatter [tilespmem:s12], [sflag:$0x6], $0x2000, $0x38;
	[tilespmem:$0x1E500] =	vst v63  }
0x4e: {  	_ =	swait.ge [sflag:s16], $0x2000  }
0x4f: {  	[sflag:s16] =	ssyncset.done $0x0  }
0x50: {  	s25 =	rddreg [dreg:$0x11];
	[sflag:s16] =	ssyncadd.s32 $0xFFFFE000  }
0x51: {  	[spmem:s25] =	stream.linear.scatter [tilespmem:s12], [sflag:$0x6], $0x2000, $0x38;
	[tilespmem:$0x1E500] =	vst v63  }
0x52: {  	_ =	swait.ge [sflag:s16], $0x2000  }
0x53: {  	[sflag:s16] =	ssyncset.done $0x0  }
0x54: {  	s26 =	rddreg [dreg:$0x12];
	[sflag:s16] =	ssyncadd.s32 $0xFFFFE000  }
0x55: {  	[spmem:s26] =	stream.linear.scatter [tilespmem:s12], [sflag:$0x6], $0x2000, $0x38;
	[tilespmem:$0x1E500] =	vst v63  }
0x56: {  	_ =	swait.ge [sflag:s16], $0x2000  }
0x57: {  	[sflag:s16] =	ssyncset.done $0x0  }
0x58: {  	s29 =	rddreg [dreg:$0x13];
	[sflag:s16] =	ssyncadd.s32 $0xFFFFE000  }
0x59: {  	[spmem:s29] =	stream.linear.scatter [tilespmem:s12], [sflag:$0x6], $0x2000, $0x38;
	[tilespmem:$0x1E500] =	vst v63  }
0x5a: {  	_ =	swait.ge [sflag:s16], $0x2000  }
0x5b: {  	[sflag:s16] =	ssyncset.done $0x0  }
0x5c: {  	s25 =	rddreg [dreg:$0x14];
	[sflag:s16] =	ssyncadd.s32 $0xFFFFE000  }
0x5d: {  	[spmem:s25] =	stream.linear.scatter [tilespmem:s12], [sflag:$0x6], $0x2000, $0x38;
	[tilespmem:$0x1E500] =	vst v63  }
0x5e: {  	_ =	swait.ge [sflag:s16], $0x2000  }
0x5f: {  	[sflag:s16] =	ssyncset.done $0x0  }
0x60: {  	s26 =	rddreg [dreg:$0x15];
	[sflag:s16] =	ssyncadd.s32 $0xFFFFE000  }
0x61: {  	[spmem:s26] =	stream.linear.scatter [tilespmem:s12], [sflag:$0x6], $0x2000, $0x38;
	[tilespmem:$0x1E500] =	vst v63  }
0x62: {  	_ =	swait.ge [sflag:s16], $0x2000  }
0x63: {  	[sflag:s16] =	ssyncset.done $0x0  }
0x64: {  	s29 =	rddreg [dreg:$0x18];
	[sflag:s16] =	ssyncadd.s32 $0xFFFFE000  }
0x65: {  	[spmem:s29] =	stream.linear.scatter [tilespmem:s12], [sflag:$0x6], $0x2000, $0x38;
	[tilespmem:$0x1E500] =	vst v63  }
0x66: {  	_ =	swait.ge [sflag:s16], $0x2000  }
0x67: {  	[sflag:s16] =	ssyncset.done $0x0  }
0x68: {  	s25 =	rddreg [dreg:$0x19];
	[sflag:s16] =	ssyncadd.s32 $0xFFFFE000  }
0x69: {  	[spmem:s25] =	stream.linear.scatter [tilespmem:s12], [sflag:$0x6], $0x2000, $0x38;
	[tilespmem:$0x1E500] =	vst v63  }
0x6a: {  	_ =	swait.ge [sflag:s16], $0x2000  }
0x6b: {  	[sflag:s16] =	ssyncset.done $0x0  }
0x6c: {  	s26 =	rddreg [dreg:$0x1a];
	[sflag:s16] =	ssyncadd.s32 $0xFFFFE000  }
0x6d: {  	[spmem:s26] =	stream.linear.scatter [tilespmem:s12], [sflag:$0x6], $0x2000, $0x38;
	[tilespmem:$0x1E500] =	vst v63  }
0x6e: {  	_ =	swait.ge [sflag:s16], $0x2000  }
0x6f: {  	[sflag:s16] =	ssyncset.done $0x0  }
0x70: {  	[sflag:s16] =	ssyncadd.s32 $0xFFFFE000  }
0x71: {  	[bflag:$0x0] =	sbarrier.arrive $0xFFFF  }
0x72: {  	_ =	swait.ge [sflag:s14], $0x40  }
0x73: {  	[sflag:s14] =	ssyncset.done $0x0  }
0x74: {  	[sflag:s14] =	ssyncadd.s32 $0xFFFFFFC0  }
0x75: {  	_ =	swait.ge [sflag:s14], $0x40  }
0x76: {  	[sflag:s14] =	ssyncset.done $0x0  }
0x77: {  	[sflag:s14] =	ssyncadd.s32 $0xFFFFFFC0  }
0x78: {  	[tilespmem:s12], [sflag:$0x1] =	stream.indirect.gather [hbm4b:s1+s15], $0x80, s4, s15, $0xb8;
	[tilespmem:$0x1E500] =	vst v63  }
0x79: {  	_ =	swait.ge [sflag:s17], $0x40  }
0x7a: {  	[sflag:s17] =	ssyncset.done $0x0  }
0x7b: {  	[sflag:s17] =	ssyncadd.s32 $0xFFFFFFC0  }
0x7c: {  	_ =	swait.ge [sflag:s17], $0x40  }
0x7d: {  	[sflag:s17] =	ssyncset.done $0x0  }
0x7e: {  	[sflag:s17] =	ssyncadd.s32 $0xFFFFFFC0  }
0x7f: {  	[tilespmem:s18], [sflag:$0x2] =	stream.indirect.gather [hbm4b:s1+s15], $0x80, s31, s15, $0xb8;
	[tilespmem:$0x1E500] =	vst v63  }
0x80: {  	_ =	swait.ge [sflag:s19], $0x40  }
0x81: {  	[sflag:s19] =	ssyncset.done $0x0  }
0x82: {  	[sflag:s19] =	ssyncadd.s32 $0xFFFFFFC0  }
0x83: {  	_ =	swait.ge [sflag:s19], $0x40  }
0x84: {  	[sflag:s19] =	ssyncset.done $0x0  }
0x85: {  	[sflag:s19] =	ssyncadd.s32 $0xFFFFFFC0  }
0x86: {  	[tilespmem:s20], [sflag:$0x3] =	stream.indirect.gather [hbm4b:s1+s15], $0x80, s3, s15, $0xb8;
	[tilespmem:$0x1E500] =	vst v63  }
0x87: {  	_ =	swait.ge [sflag:s21], $0x40  }
0x88: {  	[sflag:s21] =	ssyncset.done $0x0  }
0x89: {  	[sflag:s21] =	ssyncadd.s32 $0xFFFFFFC0  }
0x8a: {  	_ =	swait.ge [sflag:s21], $0x40  }
0x8b: {  	[sflag:s21] =	ssyncset.done $0x0  }
0x8c: {  	[sflag:s21] =	ssyncadd.s32 $0xFFFFFFC0  }
0x8d: {  	[tilespmem:s22], [sflag:$0x4] =	stream.indirect.gather [hbm4b:s1+s15], $0x80, s8, s15, $0xb8;
	[tilespmem:$0x1E500] =	vst v63  }
0x8e: {  	_ =	swait.ge [sflag:s23], $0x40  }
0x8f: {  	[sflag:s23] =	ssyncset.done $0x0  }
0x90: {  	[sflag:s23] =	ssyncadd.s32 $0xFFFFFFC0  }
0x91: {  	_ =	swait.ge [sflag:s23], $0x40  }
0x92: {  	[sflag:s23] =	ssyncset.done $0x0  }
0x93: {  	[sflag:s23] =	ssyncadd.s32 $0xFFFFFFC0  }
0x94: {  	[tilespmem:s24], [sflag:$0x5] =	stream.indirect.gather [hbm4b:s1+s15], $0x80, s10, s15, $0xb8;
	[tilespmem:$0x1E500] =	vst v63  }
0x95: {  	_ =	swait.ge [sflag:s14], $0x2000  }
0x96: {  	[sflag:s14] =	ssyncset.done $0x0  }
0x97: {  	[sflag:s14] =	ssyncadd.s32 $0xFFFFE000  }
0x98: {  	[spmem:s2] =	stream.indirect.scatter.add.f32 [tilespmem:s12], [sflag:$0x1], $0x80, s30, s15, $0xb8;
	[tilespmem:$0x1E500] =	vst v63  }
0x99: {  	_ =	swait.ge [sflag:s17], $0x2000  }
0x9a: {  	[sflag:s17] =	ssyncset.done $0x0  }
0x9b: {  	[sflag:s17] =	ssyncadd.s32 $0xFFFFE000  }
0x9c: {  	[spmem:s2] =	stream.indirect.scatter.add.f32 [tilespmem:s18], [sflag:$0x2], $0x80, s0, s15, $0xb8;
	[tilespmem:$0x1E500] =	vst v63  }
0x9d: {  	_ =	swait.ge [sflag:s19], $0x2000  }
0x9e: {  	[sflag:s19] =	ssyncset.done $0x0  }
0x9f: {  	[sflag:s19] =	ssyncadd.s32 $0xFFFFE000  }
0xa0: {  	[spmem:s2] =	stream.indirect.scatter.add.f32 [tilespmem:s20], [sflag:$0x3], $0x80, s7, s15, $0xb8;
	[tilespmem:$0x1E500] =	vst v63  }
0xa1: {  	_ =	swait.ge [sflag:s21], $0x2000  }
0xa2: {  	[sflag:s21] =	ssyncset.done $0x0  }
0xa3: {  	[sflag:s21] =	ssyncadd.s32 $0xFFFFE000  }
0xa4: {  	[spmem:s2] =	stream.indirect.scatter.add.f32 [tilespmem:s22], [sflag:$0x4], $0x80, s9, s15, $0xb8;
	[tilespmem:$0x1E500] =	vst v63  }
0xa5: {  	_ =	swait.ge [sflag:s23], $0x2000  }
0xa6: {  	[sflag:s23] =	ssyncset.done $0x0  }
0xa7: {  	[sflag:s23] =	ssyncadd.s32 $0xFFFFE000  }
0xa8: {  	[spmem:s2] =	stream.indirect.scatter.add.f32 [tilespmem:s24], [sflag:$0x5], $0x80, s11, s15, $0xb8;
	[tilespmem:$0x1E500] =	vst v63  }
0xa9: {  	_ =	swait.ge [sflag:s14], $0x2000  }
0xaa: {  	s29 =	rddreg [dreg:$0x4]  }
0xab: {  	s26 =	sadd.s32 $0x0, s29  }
0xac: {  	s28 =	sadd.s32 $0x140, s26  }
0xad: {  	p0 =	slt.s32 s28, $0x4FFC0  }
0xae: {  	s28 =	simm.s32 @!p0 $0x4FFC0  }
0xaf: {  	[sflag:s14] =	ssyncset.done $0x0;
	s28 =	sshrl.u32 s28, $0x3  }
0xb0: {  	[sflag:s14] =	ssyncadd.s32 $0xFFFFE000;
	s29 =	sadd.s32 s5, s28  }
0xb1: {  	[tilespmem:s4], [sflag:$0x1] =	stream.linear.gather [hbm4b:s29+s4], $0x40, $0x38;
	[tilespmem:$0x1E500] =	vst v63  }
0xb2: {  	s29 =	sadd.s32 $0x180, s26  }
0xb3: {  	s28 =	sadd.s32 s6, s28;
	p0 =	slt.s32 s29, $0x4FFC0  }
0xb4: {  	[tilespmem:s30], [sflag:$0x1] =	stream.linear.gather [hbm4b:s28+s4], $0x40, $0x38;
	[tilespmem:$0x1E500] =	vst v63  }
0xb5: {  	s29 =	simm.s32 @!p0 $0x4FFC0;
	_ =	swait.ge [sflag:s17], $0x2000  }
0xb6: {  	s28 =	sshrl.u32 s29, $0x3;
	[sflag:s17] =	ssyncset.done $0x0  }
0xb7: {  	s29 =	sadd.s32 s5, s28;
	[sflag:s17] =	ssyncadd.s32 $0xFFFFE000  }
0xb8: {  	[tilespmem:s31], [sflag:$0x2] =	stream.linear.gather [hbm4b:s29+s4], $0x40, $0x38;
	[tilespmem:$0x1E500] =	vst v63  }
0xb9: {  	s29 =	sadd.s32 $0x1C0, s26  }
0xba: {  	s28 =	sadd.s32 s6, s28;
	p0 =	slt.s32 s29, $0x4FFC0  }
0xbb: {  	[tilespmem:s0], [sflag:$0x2] =	stream.linear.gather [hbm4b:s28+s4], $0x40, $0x38;
	[tilespmem:$0x1E500] =	vst v63  }
0xbc: {  	s29 =	simm.s32 @!p0 $0x4FFC0;
	_ =	swait.ge [sflag:s19], $0x2000  }
0xbd: {  	s28 =	sshrl.u32 s29, $0x3;
	[sflag:s19] =	ssyncset.done $0x0  }
0xbe: {  	s29 =	sadd.s32 s5, s28;
	[sflag:s19] =	ssyncadd.s32 $0xFFFFE000  }
0xbf: {  	[tilespmem:s3], [sflag:$0x3] =	stream.linear.gather [hbm4b:s29+s4], $0x40, $0x38;
	[tilespmem:$0x1E500] =	vst v63  }
0xc0: {  	s29 =	sadd.s32 $0x200, s26  }
0xc1: {  	s28 =	sadd.s32 s6, s28;
	p0 =	slt.s32 s29, $0x4FFC0  }
0xc2: {  	[tilespmem:s7], [sflag:$0x3] =	stream.linear.gather [hbm4b:s28+s4], $0x40, $0x38;
	[tilespmem:$0x1E500] =	vst v63  }
0xc3: {  	s29 =	simm.s32 @!p0 $0x4FFC0;
	_ =	swait.ge [sflag:s21], $0x2000  }
0xc4: {  	s28 =	sshrl.u32 s29, $0x3;
	[sflag:s21] =	ssyncset.done $0x0  }
0xc5: {  	s26 =	sadd.s32 $0x240, s26;
	s29 =	sadd.s32 s5, s28;
	[sflag:s21] =	ssyncadd.s32 $0xFFFFE000  }
0xc6: {  	[tilespmem:s8], [sflag:$0x4] =	stream.linear.gather [hbm4b:s29+s4], $0x40, $0x38;
	[tilespmem:$0x1E500] =	vst v63  }
0xc7: {  	p0 =	slt.s32 s26, $0x4FFC0;
	s28 =	sadd.s32 s6, s28  }
0xc8: {  	[tilespmem:s9], [sflag:$0x4] =	stream.linear.gather [hbm4b:s28+s4], $0x40, $0x38;
	[tilespmem:$0x1E500] =	vst v63  }
0xc9: {  	s26 =	simm.s32 @!p0 $0x4FFC0;
	_ =	swait.ge [sflag:s23], $0x2000  }
0xca: {  	s28 =	sshrl.u32 s26, $0x3;
	[sflag:s23] =	ssyncset.done $0x0  }
0xcb: {  	s26 =	sadd.s32 s5, s28;
	[sflag:s23] =	ssyncadd.s32 $0xFFFFE000  }
0xcc: {  	[tilespmem:s10], [sflag:$0x5] =	stream.linear.gather [hbm4b:s26+s4], $0x40, $0x38;
	[tilespmem:$0x1E500] =	vst v63  }
0xcd: {  	s28 =	sadd.s32 s6, s28;
	s26 =	simm.s32 $0x140  }
.LBB2_4:
0xce: {  	[tilespmem:s11], [sflag:$0x5] =	stream.linear.gather [hbm4b:s28+s4], $0x40, $0x38;
	[tilespmem:$0x1E500] =	vst v63  }
0xcf: {  	_ =	swait.ge [sflag:s14], $0x40  }
0xd0: {  	[sflag:s14] =	ssyncset.done $0x0  }
0xd1: {  	[sflag:s14] =	ssyncadd.s32 $0xFFFFFFC0  }
0xd2: {  	_ =	swait.ge [sflag:s14], $0x40  }
0xd3: {  	[sflag:s14] =	ssyncset.done $0x0  }
0xd4: {  	[sflag:s14] =	ssyncadd.s32 $0xFFFFFFC0  }
0xd5: {  	[tilespmem:s12], [sflag:$0x1] =	stream.indirect.gather [hbm4b:s1+s15], $0x80, s4, s15, $0xb8;
	[tilespmem:$0x1E500] =	vst v63  }
0xd6: {  	_ =	swait.ge [sflag:s17], $0x40  }
0xd7: {  	[sflag:s17] =	ssyncset.done $0x0  }
0xd8: {  	[sflag:s17] =	ssyncadd.s32 $0xFFFFFFC0  }
0xd9: {  	_ =	swait.ge [sflag:s17], $0x40  }
0xda: {  	[sflag:s17] =	ssyncset.done $0x0  }
0xdb: {  	[sflag:s17] =	ssyncadd.s32 $0xFFFFFFC0  }
0xdc: {  	[tilespmem:s18], [sflag:$0x2] =	stream.indirect.gather [hbm4b:s1+s15], $0x80, s31, s15, $0xb8;
	[tilespmem:$0x1E500] =	vst v63  }
0xdd: {  	_ =	swait.ge [sflag:s19], $0x40  }
0xde: {  	[sflag:s19] =	ssyncset.done $0x0  }
0xdf: {  	[sflag:s19] =	ssyncadd.s32 $0xFFFFFFC0  }
0xe0: {  	_ =	swait.ge [sflag:s19], $0x40  }
0xe1: {  	[sflag:s19] =	ssyncset.done $0x0  }
0xe2: {  	[sflag:s19] =	ssyncadd.s32 $0xFFFFFFC0  }
0xe3: {  	[tilespmem:s20], [sflag:$0x3] =	stream.indirect.gather [hbm4b:s1+s15], $0x80, s3, s15, $0xb8;
	[tilespmem:$0x1E500] =	vst v63  }
0xe4: {  	_ =	swait.ge [sflag:s21], $0x40  }
0xe5: {  	[sflag:s21] =	ssyncset.done $0x0  }
0xe6: {  	[sflag:s21] =	ssyncadd.s32 $0xFFFFFFC0  }
0xe7: {  	_ =	swait.ge [sflag:s21], $0x40  }
0xe8: {  	[sflag:s21] =	ssyncset.done $0x0  }
0xe9: {  	[sflag:s21] =	ssyncadd.s32 $0xFFFFFFC0  }
0xea: {  	[tilespmem:s22], [sflag:$0x4] =	stream.indirect.gather [hbm4b:s1+s15], $0x80, s8, s15, $0xb8;
	[tilespmem:$0x1E500] =	vst v63  }
0xeb: {  	_ =	swait.ge [sflag:s23], $0x40  }
0xec: {  	[sflag:s23] =	ssyncset.done $0x0  }
0xed: {  	[sflag:s23] =	ssyncadd.s32 $0xFFFFFFC0  }
0xee: {  	_ =	swait.ge [sflag:s23], $0x40  }
0xef: {  	[sflag:s23] =	ssyncset.done $0x0  }
0xf0: {  	[sflag:s23] =	ssyncadd.s32 $0xFFFFFFC0  }
0xf1: {  	[tilespmem:s24], [sflag:$0x5] =	stream.indirect.gather [hbm4b:s1+s15], $0x80, s10, s15, $0xb8;
	[tilespmem:$0x1E500] =	vst v63  }
0xf2: {  	_ =	swait.ge [sflag:s14], $0x2000  }
0xf3: {  	[sflag:s14] =	ssyncset.done $0x0  }
0xf4: {  	[sflag:s14] =	ssyncadd.s32 $0xFFFFE000  }
0xf5: {  	[spmem:s2] =	stream.indirect.scatter.add.f32 [tilespmem:s12], [sflag:$0x1], $0x80, s30, s15, $0xb8;
	[tilespmem:$0x1E500] =	vst v63  }
0xf6: {  	_ =	swait.ge [sflag:s17], $0x2000  }
0xf7: {  	[sflag:s17] =	ssyncset.done $0x0  }
0xf8: {  	[sflag:s17] =	ssyncadd.s32 $0xFFFFE000  }
0xf9: {  	[spmem:s2] =	stream.indirect.scatter.add.f32 [tilespmem:s18], [sflag:$0x2], $0x80, s0, s15, $0xb8;
	[tilespmem:$0x1E500] =	vst v63  }
0xfa: {  	_ =	swait.ge [sflag:s19], $0x2000  }
0xfb: {  	[sflag:s19] =	ssyncset.done $0x0  }
0xfc: {  	[sflag:s19] =	ssyncadd.s32 $0xFFFFE000  }
0xfd: {  	[spmem:s2] =	stream.indirect.scatter.add.f32 [tilespmem:s20], [sflag:$0x3], $0x80, s7, s15, $0xb8;
	[tilespmem:$0x1E500] =	vst v63  }
0xfe: {  	_ =	swait.ge [sflag:s21], $0x2000  }
0xff: {  	[sflag:s21] =	ssyncset.done $0x0  }
0x100: {  	[sflag:s21] =	ssyncadd.s32 $0xFFFFE000  }
0x101: {  	[spmem:s2] =	stream.indirect.scatter.add.f32 [tilespmem:s22], [sflag:$0x4], $0x80, s9, s15, $0xb8;
	[tilespmem:$0x1E500] =	vst v63  }
0x102: {  	_ =	swait.ge [sflag:s23], $0x2000  }
0x103: {  	[sflag:s23] =	ssyncset.done $0x0  }
0x104: {  	[sflag:s23] =	ssyncadd.s32 $0xFFFFE000  }
0x105: {  	[spmem:s2] =	stream.indirect.scatter.add.f32 [tilespmem:s24], [sflag:$0x5], $0x80, s11, s15, $0xb8;
	[tilespmem:$0x1E500] =	vst v63  }
0x106: {  	_ =	swait.ge [sflag:s14], $0x2000  }
0x107: {  	s28 =	smov.u32 s26;
	s29 =	rddreg [dreg:$0x4]  }
0x108: {  	s28 =	sadd.s32 s28, s29  }
0x109: {  	s29 =	sadd.s32 $0x140, s28  }
0x10a: {  	p1 =	slt.s32 s29, $0x4FFC0  }
0x10b: {  	s29 =	simm.s32 @!p1 $0x4FFC0  }
0x10c: {  	[sflag:s14] =	ssyncset.done $0x0;
	s29 =	sshrl.u32 s29, $0x3  }
0x10d: {  	[sflag:s14] =	ssyncadd.s32 $0xFFFFE000;
	s16 =	sadd.s32 $0x180, s28;
	s30 =	sadd.s32 s5, s29  }
0x10e: {  	[tilespmem:s4], [sflag:$0x1] =	stream.linear.gather [hbm4b:s30+s4], $0x40, $0x38;
	[tilespmem:$0x1E500] =	vst v63  }
0x10f: {  	p2 =	slt.s32 s16, $0x4FFC0;
	s29 =	sadd.s32 s6, s29;
	s30 =	simm.s32 $0x80  }
0x110: {  	[tilespmem:s30], [sflag:$0x1] =	stream.linear.gather [hbm4b:s29+s4], $0x40, $0x38;
	[tilespmem:$0x1E500] =	vst v63  }
0x111: {  	s16 =	simm.s32 @!p2 $0x4FFC0;
	_ =	swait.ge [sflag:s17], $0x2000  }
0x112: {  	s16 =	sshrl.u32 s16, $0x3;
	[sflag:s17] =	ssyncset.done $0x0  }
0x113: {  	s25 =	sadd.s32 $0x1C0, s28;
	s29 =	sadd.s32 s5, s16;
	[sflag:s17] =	ssyncadd.s32 $0xFFFFE000  }
0x114: {  	[tilespmem:s31], [sflag:$0x2] =	stream.linear.gather [hbm4b:s29+s4], $0x40, $0x38;
	[tilespmem:$0x1E500] =	vst v63  }
0x115: {  	p3 =	slt.s32 s25, $0x4FFC0;
	s16 =	sadd.s32 s6, s16  }
0x116: {  	[tilespmem:s0], [sflag:$0x2] =	stream.linear.gather [hbm4b:s16+s4], $0x40, $0x38;
	[tilespmem:$0x1E500] =	vst v63  }
0x117: {  	s25 =	simm.s32 @!p3 $0x4FFC0;
	_ =	swait.ge [sflag:s19], $0x2000  }
0x118: {  	s25 =	sshrl.u32 s25, $0x3;
	[sflag:s19] =	ssyncset.done $0x0  }
0x119: {  	s13 =	sadd.s32 $0x200, s28;
	s29 =	sadd.s32 s5, s25;
	[sflag:s19] =	ssyncadd.s32 $0xFFFFE000  }
0x11a: {  	[tilespmem:s3], [sflag:$0x3] =	stream.linear.gather [hbm4b:s29+s4], $0x40, $0x38;
	[tilespmem:$0x1E500] =	vst v63  }
0x11b: {  	p1 =	slt.s32 s13, $0x4FFC0;
	s29 =	sadd.s32 s6, s25  }
0x11c: {  	[tilespmem:s7], [sflag:$0x3] =	stream.linear.gather [hbm4b:s29+s4], $0x40, $0x38;
	[tilespmem:$0x1E500] =	vst v63  }
0x11d: {  	s13 =	simm.s32 @!p1 $0x4FFC0;
	_ =	swait.ge [sflag:s21], $0x2000  }
0x11e: {  	s13 =	sshrl.u32 s13, $0x3;
	[sflag:s21] =	ssyncset.done $0x0  }
0x11f: {  	s25 =	sadd.s32 s5, s13;
	[sflag:s21] =	ssyncadd.s32 $0xFFFFE000  }
0x120: {  	[tilespmem:s8], [sflag:$0x4] =	stream.linear.gather [hbm4b:s25+s4], $0x40, $0x38;
	[tilespmem:$0x1E500] =	vst v63  }
0x121: {  	p0 =	sne.s32 s26, $0x26C0;
	s28 =	sadd.s32 $0x240, s28;
	s13 =	sadd.s32 s6, s13  }
0x122: {  	[tilespmem:s9], [sflag:$0x4] =	stream.linear.gather [hbm4b:s13+s4], $0x40, $0x38;
	[tilespmem:$0x1E500] =	vst v63  }
.Ltmp1:
0x123: {  	p1 =	slt.s32 s28, $0x4FFC0;
	(pc) =	sbr.rel @p0 .LBB2_4-.Ltmp1, $4  }
0x124: {  	s28 =	simm.s32 @!p1 $0x4FFC0;
	_ =	swait.ge [sflag:s23], $0x2000  }
0x125: {  	s26 =	sadd.s32 $0x140, s26;
	s28 =	sshrl.u32 s28, $0x3;
	[sflag:s23] =	ssyncset.done $0x0  }
0x126: {  	s29 =	sadd.s32 s5, s28;
	s28 =	sadd.s32 s6, s28;
	[sflag:s23] =	ssyncadd.s32 $0xFFFFE000  }
0x127: {  	[tilespmem:s10], [sflag:$0x5] =	stream.linear.gather [hbm4b:s29+s4], $0x40, $0x38;
	[tilespmem:$0x1E500] =	vst v63  }
0x128: {  	[tilespmem:s11], [sflag:$0x5] =	stream.linear.gather [hbm4b:s28+s4], $0x40, $0x38;
	[tilespmem:$0x1E500] =	vst v63  }
0x129: {  	_ =	swait.ge [sflag:s14], $0x40  }
0x12a: {  	[sflag:s14] =	ssyncset.done $0x0  }
0x12b: {  	[sflag:s14] =	ssyncadd.s32 $0xFFFFFFC0  }
0x12c: {  	_ =	swait.ge [sflag:s14], $0x40  }
0x12d: {  	[sflag:s14] =	ssyncset.done $0x0  }
0x12e: {  	[sflag:s14] =	ssyncadd.s32 $0xFFFFFFC0  }
0x12f: {  	_ =	swait.ge [sflag:s17], $0x40  }
0x130: {  	[sflag:s17] =	ssyncset.done $0x0  }
0x131: {  	[sflag:s17] =	ssyncadd.s32 $0xFFFFFFC0  }
0x132: {  	_ =	swait.ge [sflag:s17], $0x40  }
0x133: {  	[sflag:s17] =	ssyncset.done $0x0  }
0x134: {  	[sflag:s17] =	ssyncadd.s32 $0xFFFFFFC0  }
0x135: {  	_ =	swait.ge [sflag:s19], $0x40  }
0x136: {  	[sflag:s19] =	ssyncset.done $0x0  }
0x137: {  	[sflag:s19] =	ssyncadd.s32 $0xFFFFFFC0  }
0x138: {  	_ =	swait.ge [sflag:s19], $0x40  }
0x139: {  	[sflag:s19] =	ssyncset.done $0x0  }
0x13a: {  	[sflag:s19] =	ssyncadd.s32 $0xFFFFFFC0  }
0x13b: {  	_ =	swait.ge [sflag:s21], $0x40  }
0x13c: {  	[sflag:s21] =	ssyncset.done $0x0  }
0x13d: {  	[sflag:s21] =	ssyncadd.s32 $0xFFFFFFC0  }
0x13e: {  	_ =	swait.ge [sflag:s21], $0x40  }
0x13f: {  	[sflag:s21] =	ssyncset.done $0x0  }
0x140: {  	[sflag:s21] =	ssyncadd.s32 $0xFFFFFFC0  }
0x141: {  	_ =	swait.ge [sflag:s23], $0x40  }
0x142: {  	[sflag:s23] =	ssyncset.done $0x0  }
0x143: {  	[sflag:s23] =	ssyncadd.s32 $0xFFFFFFC0  }
0x144: {  	_ =	swait.ge [sflag:s23], $0x40  }
0x145: {  	[sflag:s23] =	ssyncset.done $0x0  }
0x146: {  	[sflag:s23] =	ssyncadd.s32 $0xFFFFFFC0  }
0x147: {  	s13 =	stileid.u32;
	[bflag:$0x0] =	sbarrier.arrive $0xFFFF  }
0x148: {  	s13 =	sshll.u32 s13, $0x6;
	s25 =	rddreg [dreg:$0xe]  }
0x149: {  	s13 =	sor.u32 $0x1C06, s13;
	s26 =	rddreg [dreg:$0x16];
	s16 =	sshrl.u32 s25, $0x3  }
0x14a: {  	[hbm:s26], [sflag:s13] =	dma.local [spmem:s16], $0x2800  }
0x14b: {  	s16 =	simm.s32 $0x6  }
0x14c: {  	_ =	swait.ge [sflag:s16], $0x2800  }
0x14d: {  	s28 =	rddreg [dreg:$0x1b]  }
0x14e: {  	s29 =	rddreg [dreg:$0x17];
	s26 =	sadd.s32 $0x1, s28  }
0x14f: {  	p0 =	sne.s32 s26, s29  }
.Ltmp2:
0x150: {  	_ = 	snop;
	(pc) =	sbr.rel @p0 .LBB2_1-.Ltmp2, $3  }
0x151: {  	_ =	sdelay $0x1  }
0x152: {  	[sflag:s16] =	ssyncset.done $0x0  }
0x153: {  	[sflag:s16] =	ssyncadd.s32 $0xFFFFD800  }
0x154: {  	_ =	sfence.sel $0x180000  }
0x155: {  	[bflag:$0x0] =	sbarrier.arrive $0xFFFF  }
0x156: {  	_ =	strace $0x90000047  }
0x157: {  	s0 =	stileid.u32;
	[bflag:$0x2] =	sbarrier.arrive $0xFFFF  }
0x158: {  	p0 =	sne.s32 s0, $0x0;
	s0 =	rddreg [dreg:$0x3]  }
0x159: {  	s0 =	sadd.s32 @!p0 $0x100000, s0  }
0x15a: {  	[sflag:s0] =	ssyncadd.tile.s32 @!p0 $0x1;
	_ =	shalt  }
.Lfunc_end2:
_tile_overlayer_lowered:
.L_overlay_start_2:
0x15b: {  	(tag) =	ssettag $0x2  }
0x15c: {  	s0 =	rddreg [dreg:$0x0];
	s2 =	stileid.u32  }
0x15d: {  	s1 =	rddreg [dreg:$0x1];
	p0 =	sne.s32 s2, $0x0  }
0x15e: {  	s3 =	rddreg [dreg:$0x2];
	[bflag:$0x3] =	sbarrier.arrive $0xFFFF;
	s2 =	simm.s32 @!p0 $0x1C06  }
0x15f: {  	[timem:s3], [sflag:s2] =	dma.local @!p0 [hbm:s0], s1  }
0x160: {  	s0 =	simm.s32 @!p0 $0x6  }
0x161: {  	_ =	swait.ge @!p0 [sflag:s0], s1  }
0x162: {  	s1 =	ssub.s32 @!p0 $0x0, s1;
	[sflag:s0] =	ssyncset.done @!p0 $0x0  }
0x163: {  	[sflag:s0] =	ssyncadd.s32 @!p0 s1  }
0x164: {  	[bflag:$0x3] =	sbarrier.arrive $0xFFFF  }
0x165: {  	_ =	shalt  }

// kernel: kernel.9.cloned.1.call-start
scs
__scs_entry_jumppad:
0x0: {  	(pc) =	sbr.rel $0x88, $3  }
0x1: {  	(tag) =	ssettag $0x0;
	lr =	simm.s32 $0x1  }
0x2: {  	[smem:$0x3F94] =	sst lr;
	_ =	strace $0xD0000000  }
0x3: {  	_ = 	snop  }
0x4: {  	_ = 	snop  }
0x5: {  	_ = 	snop  }
0x6: {  	_ = 	snop  }
0x7: {  	_ = 	snop  }
__scs_overlays_trampoline_lowered:
0x8: {  	[smem:$0x3FA3] =	sst s0  }
0x9: {  	[smem:$0x3FA4] =	sst s1  }
0xa: {  	[smem:$0x3FA5] =	sst s2  }
0xb: {  	[smem:$0x3FA6] =	sst s3  }
0xc: {  	[smem:$0x3FA7] =	sst s4  }
0xd: {  	[smem:$0x3FA8] =	sst s5  }
0xe: {  	[smem:$0x3FA9] =	sst s6  }
0xf: {  	[smem:$0x3FAA] =	sst s7  }
0x10: {  	[smem:$0x3FAB] =	sst s8  }
0x11: {  	[smem:$0x3FAC] =	sst s9;
	s0 =	simm.s32 @!p0 $0x0  }
0x12: {  	s1 =	sld [smem:$0x3F92];
	s0 =	simm.s32 @p0 $0x1  }
0x13: {  	[smem:$0x3FAD] =	sst s0;
	s0 =	simm.s32 @!p1 $0x0  }
0x14: {  	s2 =	sld [smem:$0x3F91];
	s0 =	simm.s32 @p1 $0x1  }
0x15: {  	[smem:$0x3FAE] =	sst s0;
	s0 =	simm.s32 @!p2 $0x0  }
0x16: {  	s3 =	sld [smem:$0x3FDB];
	s0 =	simm.s32 @p2 $0x1  }
0x17: {  	s4 =	simm.s32 $0x1BF5;
	[smem:$0x3FB0] =	sst s0  }
0x18: {  	s0 =	sld [smem:$0x3F93];
	_ =	swait.ge [sflag:s4], $0x0  }
0x19: {  	s7 =	sld [smem:$0x3F94]  }
0x1a: {  	s8 =	sadd.s32 $0xFFFFE003, lr  }
0x1b: {  	s9 =	sadd.s32 $0xFFFFFEF7, lr;
	s5 =	simm.s32 $0xFFFFFFFF;
	p2 =	slt.u32 s8, $0xFFFFF086  }
0x1c: {  	p1 =	slt.u32 s9, $0xF7A;
	s5 =	simm.s32 @!p2 $0x0  }
0x1d: {  	s5 =	simm.s32 @p1 $0x1;
	p0 =	seq.s32 s7, s2  }
0x1e: {  	s7 =	smul.u32 @!p0 $0xF7A, s2;
	p2 =	seq.s32 @!p0 s5, $0x0  }
0x1f: {  	s9 =	smul.u32 $0xF7A, s1;
	s8 =	simm.s32 @!p0 $0x1BF5;
	p2 =	por !p2, p0  }
0x20: {  	[sflag:s8] =	ssyncset.s32 @!p0 $0xFFFFF086;
	s6 =	sadd.s32 @!p0 s3, s7;
	s7 =	simm.s32 @!p0 $0x108  }
0x21: {  	s3 =	sadd.s32 s3, s9;
	s6 =	sadd.s32 @!p0 $0x88, s6;
	s7 =	simm.s32 @p2 $0x1082  }
0x22: {  	[simem:s7], [sflag:s8] =	dma.local @!p0 [hbm:s6], $0xF7A  }
0x23: {  	s9 =	sor.u32 $0xD0000000, s2;
	s6 =	simm.s32 $0x108;
	_ =	swait.ge @!p0 [sflag:s8], $0x0  }
0x24: {  	s3 =	sadd.s32 $0x88, s3;
	s6 =	simm.s32 @!p1 $0x1082;
	[sflag:s4] =	ssyncset.s32 $0xFFFFF086  }
0x25: {  	[simem:s6], [sflag:s4] =	dma.local [hbm:s3], $0xF7A  }
0x26: {  	[smem:$0x3F94] =	sst s1;
	(tag) =	ssettag s2;
	_ =	strace s9  }
0x27: {  	s1 =	sld [smem:$0x3FA4]  }
0x28: {  	s2 =	sld [smem:$0x3FA5]  }
0x29: {  	s4 =	sld [smem:$0x3FA7]  }
0x2a: {  	p0 =	seq.s32 s5, $0x0;
	s5 =	sld [smem:$0x3FA8]  }
0x2b: {  	s6 =	sld [smem:$0x3FA9]  }
0x2c: {  	s7 =	sld [smem:$0x3FAA]  }
0x2d: {  	s3 =	simm.s32 $0x108;
	s8 =	sld [smem:$0x3FAB]  }
0x2e: {  	s3 =	simm.s32 @!p0 $0x1082;
	s9 =	sld [smem:$0x3FAC]  }
0x2f: {  	lr =	sadd.s32 s0, s3;
	s0 =	sld [smem:$0x3FA3]  }
0x30: {  	s3 =	sld [smem:$0x3FA6]  }
0x31: {  	[smem:$0x3FAF] =	sst s10  }
0x32: {  	s10 =	sld [smem:$0x3FAD];
	_ =	sdelay $0x3  }
0x33: {  	p0 =	seq.s32 s10, $0x1;
	s10 =	sld [smem:$0x3FAF];
	_ =	sdelay $0x3  }
0x34: {  	[smem:$0x3FAF] =	sst s10  }
0x35: {  	s10 =	sld [smem:$0x3FAE];
	_ =	sdelay $0x3  }
0x36: {  	p1 =	seq.s32 s10, $0x1;
	s10 =	sld [smem:$0x3FAF];
	_ =	sdelay $0x3  }
0x37: {  	[smem:$0x3FAF] =	sst s10  }
0x38: {  	s10 =	sld [smem:$0x3FB0]  }
0x39: {  	_ = 	snop;
	(pc) =	sbr.ind lr, $3  }
0x3a: {  	_ = 	snop  }
0x3b: {  	_ = 	snop  }
0x3c: {  	p2 =	seq.s32 s10, $0x1;
	s10 =	sld [smem:$0x3FAF]  }
0x3d: {  	_ =	shalt  }
0x3e: {  	_ =	shalt  }
0x3f: {  	_ =	shalt  }
0x40: {  	_ =	shalt  }
0x41: {  	_ =	shalt  }
0x42: {  	_ =	shalt  }
0x43: {  	_ =	shalt  }
0x44: {  	_ =	shalt  }
0x45: {  	_ =	shalt  }
0x46: {  	_ =	shalt  }
0x47: {  	_ =	shalt  }
0x48: {  	_ =	shalt  }
0x49: {  	_ =	shalt  }
0x4a: {  	_ =	shalt  }
0x4b: {  	_ =	shalt  }
0x4c: {  	_ =	shalt  }
0x4d: {  	_ =	shalt  }
0x4e: {  	_ =	shalt  }
0x4f: {  	_ =	shalt  }
0x50: {  	_ =	shalt  }
0x51: {  	_ =	shalt  }
0x52: {  	_ =	shalt  }
0x53: {  	_ =	shalt  }
0x54: {  	_ =	shalt  }
0x55: {  	_ =	shalt  }
0x56: {  	_ =	shalt  }
0x57: {  	_ =	shalt  }
0x58: {  	_ =	shalt  }
0x59: {  	_ =	shalt  }
0x5a: {  	_ =	shalt  }
0x5b: {  	_ =	shalt  }
0x5c: {  	_ =	shalt  }
0x5d: {  	_ =	shalt  }
0x5e: {  	_ =	shalt  }
0x5f: {  	_ =	shalt  }
0x60: {  	_ =	shalt  }
0x61: {  	_ =	shalt  }
0x62: {  	_ =	shalt  }
0x63: {  	_ =	shalt  }
0x64: {  	_ =	shalt  }
0x65: {  	_ =	shalt  }
0x66: {  	_ =	shalt  }
0x67: {  	_ =	shalt  }
0x68: {  	_ =	shalt  }
0x69: {  	_ =	shalt  }
0x6a: {  	_ =	shalt  }
0x6b: {  	_ =	shalt  }
0x6c: {  	_ =	shalt  }
0x6d: {  	_ =	shalt  }
0x6e: {  	_ =	shalt  }
0x6f: {  	_ =	shalt  }
0x70: {  	_ =	shalt  }
0x71: {  	_ =	shalt  }
0x72: {  	_ =	shalt  }
0x73: {  	_ =	shalt  }
0x74: {  	_ =	shalt  }
0x75: {  	_ =	shalt  }
0x76: {  	_ =	shalt  }
0x77: {  	_ =	shalt  }
0x78: {  	_ =	shalt  }
0x79: {  	_ =	shalt  }
0x7a: {  	_ =	shalt  }
0x7b: {  	_ =	shalt  }
0x7c: {  	_ =	shalt  }
0x7d: {  	_ =	shalt  }
0x7e: {  	_ =	shalt  }
0x7f: {  	_ =	shalt  }
0x80: {  	_ =	shalt  }
0x81: {  	_ =	shalt  }
0x82: {  	_ =	shalt  }
0x83: {  	_ =	shalt  }
0x84: {  	_ =	shalt  }
0x85: {  	_ =	shalt  }
0x86: {  	_ =	shalt  }
0x87: {  	_ =	shalt  }
.Lfunc_end0:
.L_simem_size_0:
called_computation.1_lowered:
.L_overlay_start_0:
0x88: {  	s2 =	sld [smem:$0x3FD9]  }
0x89: {  	s3 =	sld [smem:$0x3FFE];
	_ =	sdelay $0x1  }
0x8a: {  	s1 =	srdreg.scid  }
0x8b: {  	s0 =	sand.u32 $0x1, s1  }
0x8c: {  	s16 =	sshll.u32 s0, $0xA;
	s2 =	sadd.s32 s3, s2  }
0x8d: {  	s2 =	sadd.s32 s2, s16  }
0x8e: {  	[smem:$0x3FBB] =	sst s2  }
0x8f: {  	_ = 	snop  }
0x90: {  	(tm) =	ssettm $0x1  }
0x91: {  	s17 =	sld [smem:$0x3FFB];
	_ =	sdelay $0x3  }
0x92: {  	_ =	strace s17  }
0x93: {  	s2 =	sld [smem:$0x3FFC];
	_ =	sdelay $0x3  }
0x94: {  	_ =	strace s2  }
0x95: {  	s2 =	sld [smem:$0x3FFD];
	_ =	sdelay $0x3  }
0x96: {  	_ =	strace s2  }
0x97: {  	_ =	strace $0x8FFFFFFF  }
0x98: {  	s18 =	sld [smem:$0x3FDB];
	_ =	sdelay $0x1  }
0x99: {  	s19 =	simm.s32 $_scs_section_size  }
0x9a: {  	s4 =	simm.s32 $_size__tile_overlayer_lowered;
	s5 =	simm.s32 $_tile_overlayer_lowered  }
0x9b: {  	s22 =	simm.s32 $0x1BFF;
	s21 =	sshll.u32 s5, $0x1;
	s2 =	sadd.s32 s19, s18  }
0x9c: {  	s6 =	simm.s32 $0x0;
	s20 =	sshll.u32 s4, $0x1;
	s4 =	sadd.s32 s21, s2  }
0x9d: {  	[timem:s6], [sflag:s22] =	dma.local [hbm:s4], s20  }
0x9e: {  	_ =	swait.ge [sflag:s22], s20  }
0x9f: {  	s3 =	ssub.s32 $0x0, s20;
	[sflag:s22] =	ssyncset.done $0x0  }
0xa0: {  	[sflag:s22] =	ssyncadd.s32 s3;
	_ =	sdelay $0x1  }
0xa1: {  	s23 =	simm.s32 $0x1B8B  }
0xa2: {  	_ =	swait.ge [sflag:s23], $0x1  }
0xa3: {  	[sflag:s23] =	ssyncset.done $0x0  }
0xa4: {  	s25 =	simm.s32 $0x1B8E;
	s24 =	sld [smem:$0x3FFE];
	[sflag:s23] =	ssyncadd.s32 $0xFFFFFFFF  }
0xa5: {  	s26 =	simm.s32 $execute0_lowered;
	[smem:$0x3FD2] =	sst s25  }
0xa6: {  	s4 =	sshll.u32 s26, $0x1;
	_ =	strace $0x80000049;
	[dreg:$0x1] =	wrdreg $0xFFFFFFFF  }
0xa7: {  	s28 =	simm.s32 $_size_execute0_lowered;
	s2 =	sadd.s32 s2, s4;
	[dreg:$0x0] =	wrdreg $0x0  }
0xa8: {  	s4 =	sshll.u32 s28, $0x1;
	[dreg:$0x2] =	wrdreg s2  }
0xa9: {  	[dreg:$0x3] =	wrdreg s4  }
0xaa: {  	[dreg:$0x4] =	wrdreg $0xC0  }
0xab: {  	_ =	task [dreg:s6], $0x5FFFF  }
0xac: {  	[dreg:$0x1] =	wrdreg $0xFFFFFFFF  }
0xad: {  	[dreg:$0x0] =	wrdreg $0x60  }
0xae: {  	[dreg:$0x2] =	wrdreg s24  }
0xaf: {  	[dreg:$0x3] =	wrdreg $0xA5000  }
0xb0: {  	[dreg:$0x4] =	wrdreg $0x9  }
0xb1: {  	_ =	task.clear_ibuf [dreg:s6], $0x5FFFF;
	_ =	strace $0x90000049  }
0xb2: {  	s29 =	simm.s32 $0x9;
	_ =	strace $0x8000004B  }
0xb3: {  	_ =	swait.ge [sflag:s29], $0x1  }
0xb4: {  	[sflag:s29] =	ssyncadd.s32 $0xFFFFFFFF  }
0xb5: {  	_ =	strace $0x9000004B  }
0xb6: {  	_ =	sfence  }
0xb7: {  	s30 =	sld [smem:$0x0];
	_ =	sdelay $0x2  }
0xb8: {  	s31 =	sshll.u32 s1, $0xD;
	s1 =	sshrl.u32 s1, $0x2  }
0xb9: {  	s3 =	sand.u32 $0x4000, s31;
	s1 =	sadd.s32 s1, s30  }
0xba: {  	s0 =	sor.u32 s3, s0;
	s1 =	sshll.u32 s1, $0x11  }
0xbb: {  	s0 =	sor.u32 s1, s0  }
0xbc: {  	s0 =	sadd.s32 $0x8F2B, s0  }
0xbd: {  	[sflag:s0] =	ssyncadd.remote.s32 $0x1  }
0xbe: {  	_ =	sfence.sel $0xFFFF  }
0xbf: {  	[dreg:$0x0] =	wrdreg $0xFFFFFFFF;
	(pc) =	sbr.abs _section_cstart, $3  }
0xc0: {  	[dreg:$0x1] =	wrdreg $0xFFFFFFFF  }
0xc1: {  	_ =	task.clear_ibuf [dreg:s6], $0x2FFFF;
	_ =	strace $0x9FFFFFFF  }
0xc2: {  	(tm) =	ssettm $0x7FFFFFFF  }
0xc3: {  	_ =	shalt  }
tec
execute0_lowered:
.L_overlay_start_1:
0x0: {  	(tag) =	ssettag $0x1  }
0x1: {  	s0 =	rddreg [dreg:$0x0]  }
0x2: {  	s1 =	rddreg [dreg:$0x1];
	s12 =	stileid.u32  }
0x3: {  	s3 =	simm.s32 $0x0;
	s2 =	srdreg.scid;
	s7 =	smul.u32 $0x14000, s12  }
0x4: {  	s30 =	simm.s32 $0x80;
	s2 =	sand.u32 $0x1, s2;
	s17 =	smul.u32 $0x2800, s12  }
0x5: {  	[smem:$0x7FF] =	sst s3;
	s6 =	smul.u32 $0x140000, s2;
	s8 =	sshll.u32 s2, $0x4  }
0x6: {  	s9 =	ssub.s32 $0x2, s2;
	s2 =	smul.u32 $0x28000, s2;
	s8 =	sor.u32 s12, s8  }
0x7: {  	s4 =	sadd.s32 $0x16800, s0;
	s5 =	sadd.s32 $0x2800, s0;
	s8 =	smul.u32 $0x2800, s8  }
0x8: {  	_ =	strace $0x8000004A;
	s10 =	sshrl.u32 s9, $0x1;
	s7 =	sadd.s32 s7, s6  }
0x9: {  	s6 =	sadd.s32 $0xC800, s0;
	s2 =	sadd.s32 s17, s2;
	s8 =	sshrl.u32 s8, $0x3  }
0xa: {  	s7 =	sshrl.u32 s7, $0x3;
	[dreg:$0x3] =	wrdreg s2;
	s22 =	sadd.s32 s5, s8  }
0xb: {  	s0 =	sadd.s32 s7, s0;
	s23 =	sadd.s32 s6, s8;
	[dreg:$0x4] =	wrdreg s22  }
0xc: {  	s24 =	sor.u32 $0x8, s8;
	s0 =	sadd.s32 $0x3DA00, s0;
	[dreg:$0x5] =	wrdreg s23  }
0xd: {  	s7 =	ssub.s32 s9, s10;
	s25 =	sadd.s32 s5, s24;
	[dreg:$0x15] =	wrdreg s0  }
0xe: {  	s26 =	sor.u32 $0x10, s8;
	s9 =	sadd.s32 s6, s24;
	[dreg:$0x6] =	wrdreg s25  }
0xf: {  	s29 =	sor.u32 $0x18, s8;
	s28 =	sadd.s32 s5, s26;
	[dreg:$0x7] =	wrdreg s9  }
0x10: {  	s11 =	smul.u32 $0x50000, s12;
	s13 =	sadd.s32 s5, s29;
	[dreg:$0x8] =	wrdreg s28  }
0x11: {  	s8 =	sor.u32 $0x20, s8;
	s14 =	sadd.s32 s6, s29;
	[dreg:$0xa] =	wrdreg s13  }
0x12: {  	s31 =	simm.s32 $0x100;
	s16 =	sadd.s32 s5, s8;
	[dreg:$0xb] =	wrdreg s14  }
0x13: {  	s15 =	sshrl.u32 s11, $0x2;
	s8 =	sadd.s32 s6, s8;
	[dreg:$0xc] =	wrdreg s16  }
0x14: {  	s11 =	simm.s32 $0x480;
	s24 =	smax.u32 s7, $0x1;
	[dreg:$0xe] =	wrdreg s8  }
0x15: {  	s12 =	simm.s32 $0x500;
	s9 =	sadd.s32 s6, s26;
	[dreg:$0x16] =	wrdreg s24  }
0x16: {  	s17 =	simm.s32 $0x2;
	s25 =	sadd.s32 s15, s1;
	[dreg:$0x9] =	wrdreg s9  }
0x17: {  	s2 =	simm.s32 $0x200;
	s18 =	sadd.s32 $0x2000, s25;
	[dreg:$0xd] =	wrdreg s25  }
0x18: {  	s10 =	simm.s32 $0x400;
	s19 =	sadd.s32 $0x4000, s25;
	[dreg:$0xf] =	wrdreg s18  }
0x19: {  	s0 =	simm.s32 $0x180;
	s20 =	sadd.s32 $0x6000, s25;
	[dreg:$0x10] =	wrdreg s19  }
0x1a: {  	s7 =	simm.s32 $0x280;
	s21 =	sadd.s32 $0x8000, s25;
	[dreg:$0x11] =	wrdreg s20  }
0x1b: {  	s8 =	simm.s32 $0x300;
	s22 =	sadd.s32 $0xA000, s25;
	[dreg:$0x12] =	wrdreg s21  }
0x1c: {  	s16 =	simm.s32 $0x6;
	s23 =	sadd.s32 $0xC000, s25;
	[dreg:$0x13] =	wrdreg s22  }
0x1d: {  	s14 =	simm.s32 $0x1;
	s26 =	sadd.s32 $0xE000, s25;
	[dreg:$0x14] =	wrdreg s23  }
0x1e: {  	s15 =	simm.s32 $0x40;
	s28 =	sadd.s32 $0x10000, s25;
	[dreg:$0x17] =	wrdreg s26  }
0x1f: {  	s24 =	simm.s32 $0x8500;
	s29 =	sadd.s32 $0x12000, s25;
	[dreg:$0x18] =	wrdreg s28  }
0x20: {  	s9 =	simm.s32 $0x380;
	[dreg:$0x19] =	wrdreg s29;
	s18 =	simm.s32 $0x2500  }
0x21: {  	s19 =	simm.s32 $0x3;
	s20 =	simm.s32 $0x4500;
	s21 =	simm.s32 $0x4  }
0x22: {  	v0 =	vimm.f32 $0.0e+00;
	s22 =	simm.s32 $0x6500;
	s23 =	simm.s32 $0x5;
	s26 =	simm.s32 $0x0  }
.LBB2_1:
0x23: {  	[dreg:$0x1a] =	wrdreg s26  }
0x24: {  	s13 =	rddreg [dreg:$0x4]  }
0x25: {  	[tilespmem:s3], [sflag:$0x1] =	stream.linear.gather [hbm4b:s13+s3], $0x40, $0x38;
	[tilespmem:$0x1E500] =	vst v63  }
0x26: {  	s29 =	rddreg [dreg:$0x5]  }
0x27: {  	[tilespmem:s30], [sflag:$0x1] =	stream.linear.gather [hbm4b:s29+s3], $0x40, $0x38;
	[tilespmem:$0x1E500] =	vst v63  }
0x28: {  	s26 =	rddreg [dreg:$0x6]  }
0x29: {  	[tilespmem:s31], [sflag:$0x2] =	stream.linear.gather [hbm4b:s26+s3], $0x40, $0x38;
	[tilespmem:$0x1E500] =	vst v63  }
0x2a: {  	s29 =	rddreg [dreg:$0x7]  }
0x2b: {  	[tilespmem:s0], [sflag:$0x2] =	stream.linear.gather [hbm4b:s29+s3], $0x40, $0x38;
	[tilespmem:$0x1E500] =	vst v63  }
0x2c: {  	s26 =	rddreg [dreg:$0x8]  }
0x2d: {  	[tilespmem:s2], [sflag:$0x3] =	stream.linear.gather [hbm4b:s26+s3], $0x40, $0x38;
	[tilespmem:$0x1E500] =	vst v63  }
0x2e: {  	s29 =	rddreg [dreg:$0x9]  }
0x2f: {  	[tilespmem:s7], [sflag:$0x3] =	stream.linear.gather [hbm4b:s29+s3], $0x40, $0x38;
	[tilespmem:$0x1E500] =	vst v63  }
0x30: {  	s26 =	rddreg [dreg:$0xa]  }
0x31: {  	[tilespmem:s8], [sflag:$0x4] =	stream.linear.gather [hbm4b:s26+s3], $0x40, $0x38;
	[tilespmem:$0x1E500] =	vst v63  }
0x32: {  	s29 =	rddreg [dreg:$0xb]  }
0x33: {  	[tilespmem:s9], [sflag:$0x4] =	stream.linear.gather [hbm4b:s29+s3], $0x40, $0x38;
	[tilespmem:$0x1E500] =	vst v63  }
0x34: {  	s26 =	rddreg [dreg:$0xc]  }
0x35: {  	[tilespmem:s10], [sflag:$0x5] =	stream.linear.gather [hbm4b:s26+s3], $0x40, $0x38;
	[tilespmem:$0x1E500] =	vst v63  }
0x36: {  	s28 =	simm.s32 $0x200;
	s29 =	rddreg [dreg:$0xe];
	s26 =	simm.s32 $0x0  }
0x37: {  	[tilespmem:s11], [sflag:$0x5] =	stream.linear.gather [hbm4b:s29+s3], $0x40, $0x38;
	[tilespmem:$0x1E500] =	vst v63  }
.LBB2_2:
0x38: {  	p0 =	sne.s32 s28, $0x7E00;
	[tilespmem:s26+$0x570] =	vst v0  }
0x39: {  	[tilespmem:s26+$0x500] =	vst v0  }
0x3a: {  	[tilespmem:s26+$0x510] =	vst v0  }
.Ltmp0:
0x3b: {  	[tilespmem:s26+$0x520] =	vst v0;
	(pc) =	sbr.rel @p0 .LBB2_2-.Ltmp0, $4  }
0x3c: {  	[tilespmem:s26+$0x530] =	vst v0  }
0x3d: {  	[tilespmem:s26+$0x540] =	vst v0  }
0x3e: {  	[tilespmem:s26+$0x550] =	vst v0  }
0x3f: {  	[tilespmem:s26+$0x560] =	vst v0;
	s26 =	sshra.s32 s28, $0x2;
	s28 =	sadd.s32 $0x200, s28  }
0x40: {  	[tilespmem:s26+$0x570] =	vst v0  }
0x41: {  	[tilespmem:s26+$0x500] =	vst v0  }
0x42: {  	[tilespmem:s26+$0x510] =	vst v0  }
0x43: {  	[tilespmem:s26+$0x520] =	vst v0  }
0x44: {  	[tilespmem:s26+$0x530] =	vst v0  }
0x45: {  	[tilespmem:s26+$0x540] =	vst v0  }
0x46: {  	[tilespmem:s26+$0x550] =	vst v0  }
0x47: {  	[tilespmem:s26+$0x560] =	vst v0  }
0x48: {  	[spmem:s25] =	stream.linear.scatter [tilespmem:s12], [sflag:$0x6], $0x2000, $0x38;
	[tilespmem:$0x1E500] =	vst v63  }
0x49: {  	_ =	swait.ge [sflag:s16], $0x2000  }
0x4a: {  	[sflag:s16] =	ssyncset.done $0x0  }
0x4b: {  	s13 =	rddreg [dreg:$0xf];
	[sflag:s16] =	ssyncadd.s32 $0xFFFFE000  }
0x4c: {  	[spmem:s13] =	stream.linear.scatter [tilespmem:s12], [sflag:$0x6], $0x2000, $0x38;
	[tilespmem:$0x1E500] =	vst v63  }
0x4d: {  	_ =	swait.ge [sflag:s16], $0x2000  }
0x4e: {  	[sflag:s16] =	ssyncset.done $0x0  }
0x4f: {  	s25 =	rddreg [dreg:$0x10];
	[sflag:s16] =	ssyncadd.s32 $0xFFFFE000  }
0x50: {  	[spmem:s25] =	stream.linear.scatter [tilespmem:s12], [sflag:$0x6], $0x2000, $0x38;
	[tilespmem:$0x1E500] =	vst v63  }
0x51: {  	_ =	swait.ge [sflag:s16], $0x2000  }
0x52: {  	[sflag:s16] =	ssyncset.done $0x0  }
0x53: {  	s26 =	rddreg [dreg:$0x11];
	[sflag:s16] =	ssyncadd.s32 $0xFFFFE000  }
0x54: {  	[spmem:s26] =	stream.linear.scatter [tilespmem:s12], [sflag:$0x6], $0x2000, $0x38;
	[tilespmem:$0x1E500] =	vst v63  }
0x55: {  	_ =	swait.ge [sflag:s16], $0x2000  }
0x56: {  	[sflag:s16] =	ssyncset.done $0x0  }
0x57: {  	s29 =	rddreg [dreg:$0x12];
	[sflag:s16] =	ssyncadd.s32 $0xFFFFE000  }
0x58: {  	[spmem:s29] =	stream.linear.scatter [tilespmem:s12], [sflag:$0x6], $0x2000, $0x38;
	[tilespmem:$0x1E500] =	vst v63  }
0x59: {  	_ =	swait.ge [sflag:s16], $0x2000  }
0x5a: {  	[sflag:s16] =	ssyncset.done $0x0  }
0x5b: {  	s25 =	rddreg [dreg:$0x13];
	[sflag:s16] =	ssyncadd.s32 $0xFFFFE000  }
0x5c: {  	[spmem:s25] =	stream.linear.scatter [tilespmem:s12], [sflag:$0x6], $0x2000, $0x38;
	[tilespmem:$0x1E500] =	vst v63  }
0x5d: {  	_ =	swait.ge [sflag:s16], $0x2000  }
0x5e: {  	[sflag:s16] =	ssyncset.done $0x0  }
0x5f: {  	s26 =	rddreg [dreg:$0x14];
	[sflag:s16] =	ssyncadd.s32 $0xFFFFE000  }
0x60: {  	[spmem:s26] =	stream.linear.scatter [tilespmem:s12], [sflag:$0x6], $0x2000, $0x38;
	[tilespmem:$0x1E500] =	vst v63  }
0x61: {  	_ =	swait.ge [sflag:s16], $0x2000  }
0x62: {  	[sflag:s16] =	ssyncset.done $0x0  }
0x63: {  	s29 =	rddreg [dreg:$0x17];
	[sflag:s16] =	ssyncadd.s32 $0xFFFFE000  }
0x64: {  	[spmem:s29] =	stream.linear.scatter [tilespmem:s12], [sflag:$0x6], $0x2000, $0x38;
	[tilespmem:$0x1E500] =	vst v63  }
0x65: {  	_ =	swait.ge [sflag:s16], $0x2000  }
0x66: {  	[sflag:s16] =	ssyncset.done $0x0  }
0x67: {  	s25 =	rddreg [dreg:$0x18];
	[sflag:s16] =	ssyncadd.s32 $0xFFFFE000  }
0x68: {  	[spmem:s25] =	stream.linear.scatter [tilespmem:s12], [sflag:$0x6], $0x2000, $0x38;
	[tilespmem:$0x1E500] =	vst v63  }
0x69: {  	_ =	swait.ge [sflag:s16], $0x2000  }
0x6a: {  	[sflag:s16] =	ssyncset.done $0x0  }
0x6b: {  	s26 =	rddreg [dreg:$0x19];
	[sflag:s16] =	ssyncadd.s32 $0xFFFFE000  }
0x6c: {  	[spmem:s26] =	stream.linear.scatter [tilespmem:s12], [sflag:$0x6], $0x2000, $0x38;
	[tilespmem:$0x1E500] =	vst v63  }
0x6d: {  	_ =	swait.ge [sflag:s16], $0x2000  }
0x6e: {  	[sflag:s16] =	ssyncset.done $0x0  }
0x6f: {  	[sflag:s16] =	ssyncadd.s32 $0xFFFFE000  }
0x70: {  	[bflag:$0x0] =	sbarrier.arrive $0xFFFF  }
0x71: {  	_ =	swait.ge [sflag:s14], $0x40  }
0x72: {  	[sflag:s14] =	ssyncset.done $0x0  }
0x73: {  	[sflag:s14] =	ssyncadd.s32 $0xFFFFFFC0  }
0x74: {  	_ =	swait.ge [sflag:s14], $0x40  }
0x75: {  	[sflag:s14] =	ssyncset.done $0x0  }
0x76: {  	[sflag:s14] =	ssyncadd.s32 $0xFFFFFFC0  }
0x77: {  	[tilespmem:s12], [sflag:$0x1] =	stream.indirect.gather [hbm4b:s4+s15], $0x80, s3, s15, $0xb8;
	[tilespmem:$0x1E500] =	vst v63  }
0x78: {  	_ =	swait.ge [sflag:s17], $0x40  }
0x79: {  	[sflag:s17] =	ssyncset.done $0x0  }
0x7a: {  	[sflag:s17] =	ssyncadd.s32 $0xFFFFFFC0  }
0x7b: {  	_ =	swait.ge [sflag:s17], $0x40  }
0x7c: {  	[sflag:s17] =	ssyncset.done $0x0  }
0x7d: {  	[sflag:s17] =	ssyncadd.s32 $0xFFFFFFC0  }
0x7e: {  	[tilespmem:s18], [sflag:$0x2] =	stream.indirect.gather [hbm4b:s4+s15], $0x80, s31, s15, $0xb8;
	[tilespmem:$0x1E500] =	vst v63  }
0x7f: {  	_ =	swait.ge [sflag:s19], $0x40  }
0x80: {  	[sflag:s19] =	ssyncset.done $0x0  }
0x81: {  	[sflag:s19] =	ssyncadd.s32 $0xFFFFFFC0  }
0x82: {  	_ =	swait.ge [sflag:s19], $0x40  }
0x83: {  	[sflag:s19] =	ssyncset.done $0x0  }
0x84: {  	[sflag:s19] =	ssyncadd.s32 $0xFFFFFFC0  }
0x85: {  	[tilespmem:s20], [sflag:$0x3] =	stream.indirect.gather [hbm4b:s4+s15], $0x80, s2, s15, $0xb8;
	[tilespmem:$0x1E500] =	vst v63  }
0x86: {  	_ =	swait.ge [sflag:s21], $0x40  }
0x87: {  	[sflag:s21] =	ssyncset.done $0x0  }
0x88: {  	[sflag:s21] =	ssyncadd.s32 $0xFFFFFFC0  }
0x89: {  	_ =	swait.ge [sflag:s21], $0x40  }
0x8a: {  	[sflag:s21] =	ssyncset.done $0x0  }
0x8b: {  	[sflag:s21] =	ssyncadd.s32 $0xFFFFFFC0  }
0x8c: {  	[tilespmem:s22], [sflag:$0x4] =	stream.indirect.gather [hbm4b:s4+s15], $0x80, s8, s15, $0xb8;
	[tilespmem:$0x1E500] =	vst v63  }
0x8d: {  	_ =	swait.ge [sflag:s23], $0x40  }
0x8e: {  	[sflag:s23] =	ssyncset.done $0x0  }
0x8f: {  	[sflag:s23] =	ssyncadd.s32 $0xFFFFFFC0  }
0x90: {  	_ =	swait.ge [sflag:s23], $0x40  }
0x91: {  	[sflag:s23] =	ssyncset.done $0x0  }
0x92: {  	[sflag:s23] =	ssyncadd.s32 $0xFFFFFFC0  }
0x93: {  	[tilespmem:s24], [sflag:$0x5] =	stream.indirect.gather [hbm4b:s4+s15], $0x80, s10, s15, $0xb8;
	[tilespmem:$0x1E500] =	vst v63  }
0x94: {  	_ =	swait.ge [sflag:s14], $0x2000  }
0x95: {  	[sflag:s14] =	ssyncset.done $0x0  }
0x96: {  	[sflag:s14] =	ssyncadd.s32 $0xFFFFE000  }
0x97: {  	[spmem:s1] =	stream.indirect.scatter.add.f32 [tilespmem:s12], [sflag:$0x1], $0x80, s30, s15, $0xb8;
	[tilespmem:$0x1E500] =	vst v63  }
0x98: {  	_ =	swait.ge [sflag:s17], $0x2000  }
0x99: {  	[sflag:s17] =	ssyncset.done $0x0  }
0x9a: {  	[sflag:s17] =	ssyncadd.s32 $0xFFFFE000  }
0x9b: {  	[spmem:s1] =	stream.indirect.scatter.add.f32 [tilespmem:s18], [sflag:$0x2], $0x80, s0, s15, $0xb8;
	[tilespmem:$0x1E500] =	vst v63  }
0x9c: {  	_ =	swait.ge [sflag:s19], $0x2000  }
0x9d: {  	[sflag:s19] =	ssyncset.done $0x0  }
0x9e: {  	[sflag:s19] =	ssyncadd.s32 $0xFFFFE000  }
0x9f: {  	[spmem:s1] =	stream.indirect.scatter.add.f32 [tilespmem:s20], [sflag:$0x3], $0x80, s7, s15, $0xb8;
	[tilespmem:$0x1E500] =	vst v63  }
0xa0: {  	_ =	swait.ge [sflag:s21], $0x2000  }
0xa1: {  	[sflag:s21] =	ssyncset.done $0x0  }
0xa2: {  	[sflag:s21] =	ssyncadd.s32 $0xFFFFE000  }
0xa3: {  	[spmem:s1] =	stream.indirect.scatter.add.f32 [tilespmem:s22], [sflag:$0x4], $0x80, s9, s15, $0xb8;
	[tilespmem:$0x1E500] =	vst v63  }
0xa4: {  	_ =	swait.ge [sflag:s23], $0x2000  }
0xa5: {  	[sflag:s23] =	ssyncset.done $0x0  }
0xa6: {  	[sflag:s23] =	ssyncadd.s32 $0xFFFFE000  }
0xa7: {  	[spmem:s1] =	stream.indirect.scatter.add.f32 [tilespmem:s24], [sflag:$0x5], $0x80, s11, s15, $0xb8;
	[tilespmem:$0x1E500] =	vst v63  }
0xa8: {  	_ =	swait.ge [sflag:s14], $0x2000  }
0xa9: {  	s29 =	rddreg [dreg:$0x3]  }
0xaa: {  	s26 =	sadd.s32 $0x0, s29  }
0xab: {  	s28 =	sadd.s32 $0x140, s26  }
0xac: {  	p0 =	slt.s32 s28, $0x4FFC0  }
0xad: {  	s28 =	simm.s32 @!p0 $0x4FFC0  }
0xae: {  	[sflag:s14] =	ssyncset.done $0x0;
	s28 =	sshrl.u32 s28, $0x3  }
0xaf: {  	[sflag:s14] =	ssyncadd.s32 $0xFFFFE000;
	s29 =	sadd.s32 s5, s28  }
0xb0: {  	[tilespmem:s3], [sflag:$0x1] =	stream.linear.gather [hbm4b:s29+s3], $0x40, $0x38;
	[tilespmem:$0x1E500] =	vst v63  }
0xb1: {  	s29 =	sadd.s32 $0x180, s26  }
0xb2: {  	s28 =	sadd.s32 s6, s28;
	p0 =	slt.s32 s29, $0x4FFC0  }
0xb3: {  	[tilespmem:s30], [sflag:$0x1] =	stream.linear.gather [hbm4b:s28+s3], $0x40, $0x38;
	[tilespmem:$0x1E500] =	vst v63  }
0xb4: {  	s29 =	simm.s32 @!p0 $0x4FFC0;
	_ =	swait.ge [sflag:s17], $0x2000  }
0xb5: {  	s28 =	sshrl.u32 s29, $0x3;
	[sflag:s17] =	ssyncset.done $0x0  }
0xb6: {  	s29 =	sadd.s32 s5, s28;
	[sflag:s17] =	ssyncadd.s32 $0xFFFFE000  }
0xb7: {  	[tilespmem:s31], [sflag:$0x2] =	stream.linear.gather [hbm4b:s29+s3], $0x40, $0x38;
	[tilespmem:$0x1E500] =	vst v63  }
0xb8: {  	s29 =	sadd.s32 $0x1C0, s26  }
0xb9: {  	s28 =	sadd.s32 s6, s28;
	p0 =	slt.s32 s29, $0x4FFC0  }
0xba: {  	[tilespmem:s0], [sflag:$0x2] =	stream.linear.gather [hbm4b:s28+s3], $0x40, $0x38;
	[tilespmem:$0x1E500] =	vst v63  }
0xbb: {  	s29 =	simm.s32 @!p0 $0x4FFC0;
	_ =	swait.ge [sflag:s19], $0x2000  }
0xbc: {  	s28 =	sshrl.u32 s29, $0x3;
	[sflag:s19] =	ssyncset.done $0x0  }
0xbd: {  	s29 =	sadd.s32 s5, s28;
	[sflag:s19] =	ssyncadd.s32 $0xFFFFE000  }
0xbe: {  	[tilespmem:s2], [sflag:$0x3] =	stream.linear.gather [hbm4b:s29+s3], $0x40, $0x38;
	[tilespmem:$0x1E500] =	vst v63  }
0xbf: {  	s29 =	sadd.s32 $0x200, s26  }
0xc0: {  	s28 =	sadd.s32 s6, s28;
	p0 =	slt.s32 s29, $0x4FFC0  }
0xc1: {  	[tilespmem:s7], [sflag:$0x3] =	stream.linear.gather [hbm4b:s28+s3], $0x40, $0x38;
	[tilespmem:$0x1E500] =	vst v63  }
0xc2: {  	s29 =	simm.s32 @!p0 $0x4FFC0;
	_ =	swait.ge [sflag:s21], $0x2000  }
0xc3: {  	s28 =	sshrl.u32 s29, $0x3;
	[sflag:s21] =	ssyncset.done $0x0  }
0xc4: {  	s26 =	sadd.s32 $0x240, s26;
	s29 =	sadd.s32 s5, s28;
	[sflag:s21] =	ssyncadd.s32 $0xFFFFE000  }
0xc5: {  	[tilespmem:s8], [sflag:$0x4] =	stream.linear.gather [hbm4b:s29+s3], $0x40, $0x38;
	[tilespmem:$0x1E500] =	vst v63  }
0xc6: {  	p0 =	slt.s32 s26, $0x4FFC0;
	s28 =	sadd.s32 s6, s28  }
0xc7: {  	[tilespmem:s9], [sflag:$0x4] =	stream.linear.gather [hbm4b:s28+s3], $0x40, $0x38;
	[tilespmem:$0x1E500] =	vst v63  }
0xc8: {  	s26 =	simm.s32 @!p0 $0x4FFC0;
	_ =	swait.ge [sflag:s23], $0x2000  }
0xc9: {  	s28 =	sshrl.u32 s26, $0x3;
	[sflag:s23] =	ssyncset.done $0x0  }
0xca: {  	s26 =	sadd.s32 s5, s28;
	[sflag:s23] =	ssyncadd.s32 $0xFFFFE000  }
0xcb: {  	[tilespmem:s10], [sflag:$0x5] =	stream.linear.gather [hbm4b:s26+s3], $0x40, $0x38;
	[tilespmem:$0x1E500] =	vst v63  }
0xcc: {  	s28 =	sadd.s32 s6, s28;
	s26 =	simm.s32 $0x140  }
.LBB2_4:
0xcd: {  	[tilespmem:s11], [sflag:$0x5] =	stream.linear.gather [hbm4b:s28+s3], $0x40, $0x38;
	[tilespmem:$0x1E500] =	vst v63  }
0xce: {  	_ =	swait.ge [sflag:s14], $0x40  }
0xcf: {  	[sflag:s14] =	ssyncset.done $0x0  }
0xd0: {  	[sflag:s14] =	ssyncadd.s32 $0xFFFFFFC0  }
0xd1: {  	_ =	swait.ge [sflag:s14], $0x40  }
0xd2: {  	[sflag:s14] =	ssyncset.done $0x0  }
0xd3: {  	[sflag:s14] =	ssyncadd.s32 $0xFFFFFFC0  }
0xd4: {  	[tilespmem:s12], [sflag:$0x1] =	stream.indirect.gather [hbm4b:s4+s15], $0x80, s3, s15, $0xb8;
	[tilespmem:$0x1E500] =	vst v63  }
0xd5: {  	_ =	swait.ge [sflag:s17], $0x40  }
0xd6: {  	[sflag:s17] =	ssyncset.done $0x0  }
0xd7: {  	[sflag:s17] =	ssyncadd.s32 $0xFFFFFFC0  }
0xd8: {  	_ =	swait.ge [sflag:s17], $0x40  }
0xd9: {  	[sflag:s17] =	ssyncset.done $0x0  }
0xda: {  	[sflag:s17] =	ssyncadd.s32 $0xFFFFFFC0  }
0xdb: {  	[tilespmem:s18], [sflag:$0x2] =	stream.indirect.gather [hbm4b:s4+s15], $0x80, s31, s15, $0xb8;
	[tilespmem:$0x1E500] =	vst v63  }
0xdc: {  	_ =	swait.ge [sflag:s19], $0x40  }
0xdd: {  	[sflag:s19] =	ssyncset.done $0x0  }
0xde: {  	[sflag:s19] =	ssyncadd.s32 $0xFFFFFFC0  }
0xdf: {  	_ =	swait.ge [sflag:s19], $0x40  }
0xe0: {  	[sflag:s19] =	ssyncset.done $0x0  }
0xe1: {  	[sflag:s19] =	ssyncadd.s32 $0xFFFFFFC0  }
0xe2: {  	[tilespmem:s20], [sflag:$0x3] =	stream.indirect.gather [hbm4b:s4+s15], $0x80, s2, s15, $0xb8;
	[tilespmem:$0x1E500] =	vst v63  }
0xe3: {  	_ =	swait.ge [sflag:s21], $0x40  }
0xe4: {  	[sflag:s21] =	ssyncset.done $0x0  }
0xe5: {  	[sflag:s21] =	ssyncadd.s32 $0xFFFFFFC0  }
0xe6: {  	_ =	swait.ge [sflag:s21], $0x40  }
0xe7: {  	[sflag:s21] =	ssyncset.done $0x0  }
0xe8: {  	[sflag:s21] =	ssyncadd.s32 $0xFFFFFFC0  }
0xe9: {  	[tilespmem:s22], [sflag:$0x4] =	stream.indirect.gather [hbm4b:s4+s15], $0x80, s8, s15, $0xb8;
	[tilespmem:$0x1E500] =	vst v63  }
0xea: {  	_ =	swait.ge [sflag:s23], $0x40  }
0xeb: {  	[sflag:s23] =	ssyncset.done $0x0  }
0xec: {  	[sflag:s23] =	ssyncadd.s32 $0xFFFFFFC0  }
0xed: {  	_ =	swait.ge [sflag:s23], $0x40  }
0xee: {  	[sflag:s23] =	ssyncset.done $0x0  }
0xef: {  	[sflag:s23] =	ssyncadd.s32 $0xFFFFFFC0  }
0xf0: {  	[tilespmem:s24], [sflag:$0x5] =	stream.indirect.gather [hbm4b:s4+s15], $0x80, s10, s15, $0xb8;
	[tilespmem:$0x1E500] =	vst v63  }
0xf1: {  	_ =	swait.ge [sflag:s14], $0x2000  }
0xf2: {  	[sflag:s14] =	ssyncset.done $0x0  }
0xf3: {  	[sflag:s14] =	ssyncadd.s32 $0xFFFFE000  }
0xf4: {  	[spmem:s1] =	stream.indirect.scatter.add.f32 [tilespmem:s12], [sflag:$0x1], $0x80, s30, s15, $0xb8;
	[tilespmem:$0x1E500] =	vst v63  }
0xf5: {  	_ =	swait.ge [sflag:s17], $0x2000  }
0xf6: {  	[sflag:s17] =	ssyncset.done $0x0  }
0xf7: {  	[sflag:s17] =	ssyncadd.s32 $0xFFFFE000  }
0xf8: {  	[spmem:s1] =	stream.indirect.scatter.add.f32 [tilespmem:s18], [sflag:$0x2], $0x80, s0, s15, $0xb8;
	[tilespmem:$0x1E500] =	vst v63  }
0xf9: {  	_ =	swait.ge [sflag:s19], $0x2000  }
0xfa: {  	[sflag:s19] =	ssyncset.done $0x0  }
0xfb: {  	[sflag:s19] =	ssyncadd.s32 $0xFFFFE000  }
0xfc: {  	[spmem:s1] =	stream.indirect.scatter.add.f32 [tilespmem:s20], [sflag:$0x3], $0x80, s7, s15, $0xb8;
	[tilespmem:$0x1E500] =	vst v63  }
0xfd: {  	_ =	swait.ge [sflag:s21], $0x2000  }
0xfe: {  	[sflag:s21] =	ssyncset.done $0x0  }
0xff: {  	[sflag:s21] =	ssyncadd.s32 $0xFFFFE000  }
0x100: {  	[spmem:s1] =	stream.indirect.scatter.add.f32 [tilespmem:s22], [sflag:$0x4], $0x80, s9, s15, $0xb8;
	[tilespmem:$0x1E500] =	vst v63  }
0x101: {  	_ =	swait.ge [sflag:s23], $0x2000  }
0x102: {  	[sflag:s23] =	ssyncset.done $0x0  }
0x103: {  	[sflag:s23] =	ssyncadd.s32 $0xFFFFE000  }
0x104: {  	[spmem:s1] =	stream.indirect.scatter.add.f32 [tilespmem:s24], [sflag:$0x5], $0x80, s11, s15, $0xb8;
	[tilespmem:$0x1E500] =	vst v63  }
0x105: {  	_ =	swait.ge [sflag:s14], $0x2000  }
0x106: {  	s28 =	smov.u32 s26;
	s29 =	rddreg [dreg:$0x3]  }
0x107: {  	s28 =	sadd.s32 s28, s29  }
0x108: {  	s29 =	sadd.s32 $0x140, s28  }
0x109: {  	p1 =	slt.s32 s29, $0x4FFC0  }
0x10a: {  	s29 =	simm.s32 @!p1 $0x4FFC0  }
0x10b: {  	[sflag:s14] =	ssyncset.done $0x0;
	s29 =	sshrl.u32 s29, $0x3  }
0x10c: {  	[sflag:s14] =	ssyncadd.s32 $0xFFFFE000;
	s16 =	sadd.s32 $0x180, s28;
	s30 =	sadd.s32 s5, s29  }
0x10d: {  	[tilespmem:s3], [sflag:$0x1] =	stream.linear.gather [hbm4b:s30+s3], $0x40, $0x38;
	[tilespmem:$0x1E500] =	vst v63  }
0x10e: {  	p2 =	slt.s32 s16, $0x4FFC0;
	s29 =	sadd.s32 s6, s29;
	s30 =	simm.s32 $0x80  }
0x10f: {  	[tilespmem:s30], [sflag:$0x1] =	stream.linear.gather [hbm4b:s29+s3], $0x40, $0x38;
	[tilespmem:$0x1E500] =	vst v63  }
0x110: {  	s16 =	simm.s32 @!p2 $0x4FFC0;
	_ =	swait.ge [sflag:s17], $0x2000  }
0x111: {  	s16 =	sshrl.u32 s16, $0x3;
	[sflag:s17] =	ssyncset.done $0x0  }
0x112: {  	s25 =	sadd.s32 $0x1C0, s28;
	s29 =	sadd.s32 s5, s16;
	[sflag:s17] =	ssyncadd.s32 $0xFFFFE000  }
0x113: {  	[tilespmem:s31], [sflag:$0x2] =	stream.linear.gather [hbm4b:s29+s3], $0x40, $0x38;
	[tilespmem:$0x1E500] =	vst v63  }
0x114: {  	p3 =	slt.s32 s25, $0x4FFC0;
	s16 =	sadd.s32 s6, s16  }
0x115: {  	[tilespmem:s0], [sflag:$0x2] =	stream.linear.gather [hbm4b:s16+s3], $0x40, $0x38;
	[tilespmem:$0x1E500] =	vst v63  }
0x116: {  	s25 =	simm.s32 @!p3 $0x4FFC0;
	_ =	swait.ge [sflag:s19], $0x2000  }
0x117: {  	s25 =	sshrl.u32 s25, $0x3;
	[sflag:s19] =	ssyncset.done $0x0  }
0x118: {  	s13 =	sadd.s32 $0x200, s28;
	s29 =	sadd.s32 s5, s25;
	[sflag:s19] =	ssyncadd.s32 $0xFFFFE000  }
0x119: {  	[tilespmem:s2], [sflag:$0x3] =	stream.linear.gather [hbm4b:s29+s3], $0x40, $0x38;
	[tilespmem:$0x1E500] =	vst v63  }
0x11a: {  	p1 =	slt.s32 s13, $0x4FFC0;
	s29 =	sadd.s32 s6, s25  }
0x11b: {  	[tilespmem:s7], [sflag:$0x3] =	stream.linear.gather [hbm4b:s29+s3], $0x40, $0x38;
	[tilespmem:$0x1E500] =	vst v63  }
0x11c: {  	s13 =	simm.s32 @!p1 $0x4FFC0;
	_ =	swait.ge [sflag:s21], $0x2000  }
0x11d: {  	s13 =	sshrl.u32 s13, $0x3;
	[sflag:s21] =	ssyncset.done $0x0  }
0x11e: {  	s25 =	sadd.s32 s5, s13;
	[sflag:s21] =	ssyncadd.s32 $0xFFFFE000  }
0x11f: {  	[tilespmem:s8], [sflag:$0x4] =	stream.linear.gather [hbm4b:s25+s3], $0x40, $0x38;
	[tilespmem:$0x1E500] =	vst v63  }
0x120: {  	p0 =	sne.s32 s26, $0x26C0;
	s28 =	sadd.s32 $0x240, s28;
	s13 =	sadd.s32 s6, s13  }
0x121: {  	[tilespmem:s9], [sflag:$0x4] =	stream.linear.gather [hbm4b:s13+s3], $0x40, $0x38;
	[tilespmem:$0x1E500] =	vst v63  }
.Ltmp1:
0x122: {  	p1 =	slt.s32 s28, $0x4FFC0;
	(pc) =	sbr.rel @p0 .LBB2_4-.Ltmp1, $4  }
0x123: {  	s28 =	simm.s32 @!p1 $0x4FFC0;
	_ =	swait.ge [sflag:s23], $0x2000  }
0x124: {  	s26 =	sadd.s32 $0x140, s26;
	s28 =	sshrl.u32 s28, $0x3;
	[sflag:s23] =	ssyncset.done $0x0  }
0x125: {  	s29 =	sadd.s32 s5, s28;
	s28 =	sadd.s32 s6, s28;
	[sflag:s23] =	ssyncadd.s32 $0xFFFFE000  }
0x126: {  	[tilespmem:s10], [sflag:$0x5] =	stream.linear.gather [hbm4b:s29+s3], $0x40, $0x38;
	[tilespmem:$0x1E500] =	vst v63  }
0x127: {  	[tilespmem:s11], [sflag:$0x5] =	stream.linear.gather [hbm4b:s28+s3], $0x40, $0x38;
	[tilespmem:$0x1E500] =	vst v63  }
0x128: {  	_ =	swait.ge [sflag:s14], $0x40  }
0x129: {  	[sflag:s14] =	ssyncset.done $0x0  }
0x12a: {  	[sflag:s14] =	ssyncadd.s32 $0xFFFFFFC0  }
0x12b: {  	_ =	swait.ge [sflag:s14], $0x40  }
0x12c: {  	[sflag:s14] =	ssyncset.done $0x0  }
0x12d: {  	[sflag:s14] =	ssyncadd.s32 $0xFFFFFFC0  }
0x12e: {  	_ =	swait.ge [sflag:s17], $0x40  }
0x12f: {  	[sflag:s17] =	ssyncset.done $0x0  }
0x130: {  	[sflag:s17] =	ssyncadd.s32 $0xFFFFFFC0  }
0x131: {  	_ =	swait.ge [sflag:s17], $0x40  }
0x132: {  	[sflag:s17] =	ssyncset.done $0x0  }
0x133: {  	[sflag:s17] =	ssyncadd.s32 $0xFFFFFFC0  }
0x134: {  	_ =	swait.ge [sflag:s19], $0x40  }
0x135: {  	[sflag:s19] =	ssyncset.done $0x0  }
0x136: {  	[sflag:s19] =	ssyncadd.s32 $0xFFFFFFC0  }
0x137: {  	_ =	swait.ge [sflag:s19], $0x40  }
0x138: {  	[sflag:s19] =	ssyncset.done $0x0  }
0x139: {  	[sflag:s19] =	ssyncadd.s32 $0xFFFFFFC0  }
0x13a: {  	_ =	swait.ge [sflag:s21], $0x40  }
0x13b: {  	[sflag:s21] =	ssyncset.done $0x0  }
0x13c: {  	[sflag:s21] =	ssyncadd.s32 $0xFFFFFFC0  }
0x13d: {  	_ =	swait.ge [sflag:s21], $0x40  }
0x13e: {  	[sflag:s21] =	ssyncset.done $0x0  }
0x13f: {  	[sflag:s21] =	ssyncadd.s32 $0xFFFFFFC0  }
0x140: {  	_ =	swait.ge [sflag:s23], $0x40  }
0x141: {  	[sflag:s23] =	ssyncset.done $0x0  }
0x142: {  	[sflag:s23] =	ssyncadd.s32 $0xFFFFFFC0  }
0x143: {  	_ =	swait.ge [sflag:s23], $0x40  }
0x144: {  	[sflag:s23] =	ssyncset.done $0x0  }
0x145: {  	[sflag:s23] =	ssyncadd.s32 $0xFFFFFFC0  }
0x146: {  	s13 =	stileid.u32;
	[bflag:$0x0] =	sbarrier.arrive $0xFFFF  }
0x147: {  	s13 =	sshll.u32 s13, $0x6;
	s25 =	rddreg [dreg:$0xd]  }
0x148: {  	s13 =	sor.u32 $0x1C06, s13;
	s26 =	rddreg [dreg:$0x15];
	s16 =	sshrl.u32 s25, $0x3  }
0x149: {  	[hbm:s26], [sflag:s13] =	dma.local [spmem:s16], $0x2800  }
0x14a: {  	s16 =	simm.s32 $0x6  }
0x14b: {  	_ =	swait.ge [sflag:s16], $0x2800  }
0x14c: {  	s28 =	rddreg [dreg:$0x1a]  }
0x14d: {  	s29 =	rddreg [dreg:$0x16];
	s26 =	sadd.s32 $0x1, s28  }
0x14e: {  	p0 =	sne.s32 s26, s29  }
.Ltmp2:
0x14f: {  	_ = 	snop;
	(pc) =	sbr.rel @p0 .LBB2_1-.Ltmp2, $3  }
0x150: {  	_ =	sdelay $0x1  }
0x151: {  	[sflag:s16] =	ssyncset.done $0x0  }
0x152: {  	[sflag:s16] =	ssyncadd.s32 $0xFFFFD800  }
0x153: {  	_ =	sfence.sel $0x180000  }
0x154: {  	[bflag:$0x0] =	sbarrier.arrive $0xFFFF  }
0x155: {  	_ =	strace $0x9000004A  }
0x156: {  	s0 =	stileid.u32;
	[bflag:$0x2] =	sbarrier.arrive $0xFFFF  }
0x157: {  	p0 =	sne.s32 s0, $0x0;
	s0 =	rddreg [dreg:$0x2]  }
0x158: {  	s0 =	sadd.s32 @!p0 $0x100000, s0  }
0x159: {  	[sflag:s0] =	ssyncadd.tile.s32 @!p0 $0x1;
	_ =	shalt  }
.Lfunc_end2:
_tile_overlayer_lowered:
.L_overlay_start_2:
0x15a: {  	(tag) =	ssettag $0x2  }
0x15b: {  	s0 =	rddreg [dreg:$0x0];
	s2 =	stileid.u32  }
0x15c: {  	s1 =	rddreg [dreg:$0x1];
	p0 =	sne.s32 s2, $0x0  }
0x15d: {  	s3 =	rddreg [dreg:$0x2];
	[bflag:$0x3] =	sbarrier.arrive $0xFFFF;
	s2 =	simm.s32 @!p0 $0x1C06  }
0x15e: {  	[timem:s3], [sflag:s2] =	dma.local @!p0 [hbm:s0], s1  }
0x15f: {  	s0 =	simm.s32 @!p0 $0x6  }
0x160: {  	_ =	swait.ge @!p0 [sflag:s0], s1  }
0x161: {  	s1 =	ssub.s32 @!p0 $0x0, s1;
	[sflag:s0] =	ssyncset.done @!p0 $0x0  }
0x162: {  	[sflag:s0] =	ssyncadd.s32 @!p0 s1  }
0x163: {  	[bflag:$0x3] =	sbarrier.arrive $0xFFFF  }
0x164: {  	_ =	shalt  }

</sc_bundles>
